<compile_context>
chip_gen: v7x
topology: tpu7x:2x2x1
jax: 0.10.2.dev20260603
libtpu: 0.0.44.dev20260713+nightly
codegen_flags: <defaults>
</compile_context>

<pallas_src>
import functools

import jax
import jax.numpy as jnp
from jax import lax
from jax.experimental import pallas as pl
from jax.experimental.pallas import tpu as pltpu
from jax.experimental.pallas import tpu_sc as plsc

_INT_MIN = -2147483648
TD_REAL = 200
TD_PAD = 256


def _gather_rows(emb, q_idx, d_idx):
    E = emb.shape[1]
    Mq = q_idx.shape[0]
    Md = d_idx.shape[0]
    W = 128
    mesh = plsc.VectorSubcoreMesh(core_axis_name="core", subcore_axis_name="subcore")

    @functools.partial(
        pl.kernel,
        out_type=(
            jax.ShapeDtypeStruct((Mq * W, E), emb.dtype),
            jax.ShapeDtypeStruct((Md * W, E), emb.dtype),
        ),
        mesh=mesh,
        compiler_params=pltpu.CompilerParams(use_tc_tiling_on_sc=False),
    )
    def gather_kernel(emb_hbm, qi_hbm, di_hbm, qo_hbm, do_hbm):
        def body(i_vmem, o_vmem):
            pltpu.sync_copy(emb_hbm.at[i_vmem.at[0]], o_vmem)

        pltpu.emit_pipeline(
            body,
            grid=(Mq,),
            in_specs=[pl.BlockSpec((1, W), lambda i: (i, 0))],
            out_specs=[pl.BlockSpec((W, E), lambda i: (i, 0))],
            core_axis_name=("core", "subcore"),
            dimension_semantics=(pltpu.PARALLEL,),
        )(qi_hbm, qo_hbm)
        pltpu.emit_pipeline(
            body,
            grid=(Md,),
            in_specs=[pl.BlockSpec((1, W), lambda i: (i, 0))],
            out_specs=[pl.BlockSpec((W, E), lambda i: (i, 0))],
            core_axis_name=("core", "subcore"),
            dimension_semantics=(pltpu.PARALLEL,),
        )(di_hbm, do_hbm)

    return gather_kernel(emb, q_idx, d_idx)


def _scores(qe_all, de_all, query, query_idf, ffw_W, ffw_b, gates_W, out_W,
            out_b, G=32, interpret=False):
    B, TQ = query.shape
    TDP = de_all.shape[0] // B
    TD = TD_REAL
    E = qe_all.shape[1]
    K = ffw_W.shape[1]

    def body(q_ref, idf_ref, qe_ref, de_ref, fw_ref, fb_ref, gw_ref, ow_ref,
             ob_ref, out_ref):
        qe = qe_ref[...]
        de = de_ref[...]
        qn = qe * (1.0 / (jnp.sqrt(jnp.sum(qe * qe, axis=1, keepdims=True)) + 1e-8))
        dn = de * (1.0 / (jnp.sqrt(jnp.sum(de * de, axis=1, keepdims=True)) + 1e-8))
        cos_rows = []
        for j in range(G):
            qj = qn[j * TQ:(j + 1) * TQ, :]
            dj = dn[j * TDP:j * TDP + TD, :]
            cos_rows.append(
                lax.dot_general(qj, dj, (((1,), (1,)), ((), ())),
                                preferred_element_type=jnp.float32))
        cos = jnp.concatenate(cos_rows, axis=0)

        bits = lax.bitcast_convert_type(cos, jnp.int32)
        skey = jnp.where(bits >= 0, bits, bits ^ jnp.int32(0x7FFFFFFF))
        col = lax.broadcasted_iota(jnp.int32, (G * TQ, TD), 1)
        skey = (skey & jnp.int32(-256)) | col
        skey = jnp.where(skey >= 0, skey, skey ^ jnp.int32(0x7FFFFFFF))
        key = lax.bitcast_convert_type(skey, jnp.float32)

        neg_inf = jnp.float32(-jnp.inf)
        kA = key[:, :128]
        kB = jnp.concatenate(
            [key[:, 128:],
             jnp.full((G * TQ, 256 - TD), neg_inf, jnp.float32)], axis=1)
        fm = jnp.maximum(kA, kB)
        sm = jnp.minimum(kA, kB)
        tops = []
        for _ in range(K):
            mk = jnp.max(fm, axis=1, keepdims=True)
            tops.append(mk)
            c = fm == mk
            fm = jnp.where(c, sm, fm)
            sm = jnp.where(c, neg_inf, sm)

        wsel = jnp.zeros((G * TQ, TD), jnp.float32)
        for k in range(K):
            wsel = jnp.where(key == tops[k], fw_ref[0, k], wsel)
        acc = jnp.sum(cos * wsel, axis=1, keepdims=True)
        f = jnp.tanh(acc + fb_ref[0])

        q = q_ref[...]
        idf = idf_ref[...]
        logits = idf * gw_ref[0, 0] + jnp.where(
            q == 0, jnp.float32(-1e7), jnp.float32(0.0))
        mx = jnp.max(logits, axis=1, keepdims=True)
        ex = jnp.exp(logits - mx)
        p = ex / jnp.sum(ex, axis=1, keepdims=True)

        outs = []
        for j in range(G):
            pj = p[j:j + 1, :]
            fj = f[j * TQ:(j + 1) * TQ, :]
            outs.append(
                lax.dot_general(pj, fj, (((1,), (0,)), ((), ())),
                                preferred_element_type=jnp.float32))
        sc = jnp.concatenate(outs, axis=0)
        out_ref[...] = sc * ow_ref[0, 0] + ob_ref[0]

    return pl.pallas_call(
        body,
        grid=(B // G,),
        in_specs=[
            pl.BlockSpec((G, TQ), lambda i: (i, 0)),
            pl.BlockSpec((G, TQ), lambda i: (i, 0)),
            pl.BlockSpec((G * TQ, E), lambda i: (i, 0)),
            pl.BlockSpec((G * TDP, E), lambda i: (i, 0)),
            pl.BlockSpec(memory_space=pltpu.SMEM),
            pl.BlockSpec(memory_space=pltpu.SMEM),
            pl.BlockSpec(memory_space=pltpu.SMEM),
            pl.BlockSpec(memory_space=pltpu.SMEM),
            pl.BlockSpec(memory_space=pltpu.SMEM),
        ],
        out_specs=pl.BlockSpec((G, 1), lambda i: (i, 0)),
        out_shape=jax.ShapeDtypeStruct((B, 1), jnp.float32),
        interpret=interpret,
    )(query, query_idf, qe_all, de_all, ffw_W, ffw_b, gates_W, out_W, out_b)


def kernel(doc, query, query_idf, emb, ffw_W, ffw_b, gates_W, out_W, out_b):
    B, TQ = query.shape
    TD = doc.shape[1]
    S = 2
    Bs = B // S
    gathered = []
    for h in range(S):
        qs = query[h * Bs:(h + 1) * Bs]
        ds = doc[h * Bs:(h + 1) * Bs]
        gathered.append(_gather_rows(emb, qs.reshape(Bs * TQ // 128, 128),
                                     ds.reshape(Bs * TD // 128, 128)))
    outs = []
    for h in range(S):
        qe_all, de_all = gathered[h]
        outs.append(
            _scores(qe_all, de_all, query[h * Bs:(h + 1) * Bs],
                    query_idf[h * Bs:(h + 1) * Bs], ffw_W, ffw_b, gates_W,
                    out_W, out_b))
    return jnp.concatenate(outs, axis=0)

# --- scband reference (transcript-rebuilt; emitter-appended) ---
"""Pipeline reference for scband-drmmtks-class-80625126081184 (READ-ONLY COPY).

The authoritative reference and input builder live on the scoring server;
editing this copy changes nothing except your own understanding.
"""

import jax, jax.numpy as jnp
import numpy as np

VOCAB = 1000000
EMBED = 64
TOPK = 20
B = 4096
TQ = 20
TD = 200


def setup_inputs(seed: int = 0) -> dict:
    key = jax.random.key(seed)
    k1, k2, k3, k4, k5, k6, k7, k8, k9 = jax.random.split(key, 9)
    doc = jax.random.randint(k1, (B, TD), 0, VOCAB, dtype=jnp.int64 if jax.config.jax_enable_x64 else jnp.int32).astype(jnp.int32)
    query = jax.random.randint(k2, (B, TQ), 0, VOCAB, dtype=jnp.int32)
    query_idf = jax.random.uniform(k3, (B, TQ), dtype=jnp.float32)
    emb = jax.random.normal(k4, (VOCAB, EMBED), dtype=jnp.float32) * 0.02
    ffw_W = jax.random.uniform(k5, (1, TOPK), minval=-0.1, maxval=0.1, dtype=jnp.float32)
    ffw_b = jnp.zeros((1,), dtype=jnp.float32)
    gates_W = jax.random.uniform(k6, (1, 1), minval=-0.01, maxval=0.01, dtype=jnp.float32)
    out_W = jax.random.normal(k7, (1, 1), dtype=jnp.float32)
    out_b = jnp.zeros((1,), dtype=jnp.float32)
    return {"doc": doc, "query": query, "query_idf": query_idf, "emb": emb,
            "ffw_W": ffw_W, "ffw_b": ffw_b, "gates_W": gates_W,
            "out_W": out_W, "out_b": out_b}


def reference(doc, query, query_idf, emb, ffw_W, ffw_b, gates_W, out_W, out_b):
    query_sent_mask = (query != 0).astype(jnp.float32)  # (B, Tq)
    # SimilarityMatrix: embed then cosine similarity (B, Tq, Td)
    qe = jnp.take(emb, query, axis=0)  # (B, Tq, H)
    de = jnp.take(emb, doc, axis=0)    # (B, Td, H)
    qn = qe / (jnp.linalg.norm(qe, axis=-1, keepdims=True) + 1e-8)
    dn = de / (jnp.linalg.norm(de, axis=-1, keepdims=True) + 1e-8)
    cos_mat = jnp.einsum('bqh,bth->bqt', qn, dn)  # (B, Tq, Td)
    # top-k over document dimension
    topk_vals, _ = jax.lax.top_k(cos_mat, TOPK)  # (B, Tq, topk)
    # ffw: Linear(topk, 1) + Tanh, then squeeze
    ffw_vec = jnp.tanh(jnp.einsum('bqk,ok->bqo', topk_vals, ffw_W) + ffw_b).squeeze(-1)  # (B, Tq)
    # term gate, IDF mode
    atten_mask = (1.0 - query_sent_mask) * -10000000.0
    gate_logits = jnp.einsum('bqi,oi->bqo', query_idf[:, :, None].astype(jnp.float32), gates_W).squeeze(-1) + atten_mask
    gate_prob = jax.nn.softmax(gate_logits, axis=1)  # (B, Tq)
    doc_score = jnp.sum(gate_prob * ffw_vec, axis=-1, keepdims=True)  # (B, 1)
    score = doc_score @ out_W.T + out_b  # (B, 1)
    return score

if __name__ == "__main__":
    import jax
    _d = setup_inputs()
    print(jax.jit(kernel)(*tuple(_d.values())))

</pallas_src>

<mosaic_0001>
#map = affine_map<(d0, d1) -> (0, 0)>
module attributes {stable_mosaic.version = 14 : i64} {
  func.func @gather_kernel(%arg0: i32, %arg1: i32, %arg2: memref<1000000x64xf32, #tpu.memory_space<hbm>>, %arg3: memref<320x128xi32, #tpu.memory_space<hbm>>, %arg4: memref<3200x128xi32, #tpu.memory_space<hbm>>, %arg5: memref<40960x64xf32, #tpu.memory_space<hbm>>, %arg6: memref<409600x64xf32, #tpu.memory_space<hbm>>) attributes {dimension_semantics = [#tpu.dimension_semantics<core_parallel>, #tpu.dimension_semantics<subcore_parallel>], iteration_bounds = array<i64: 2, 16>, scalar_prefetch = 0 : i64, scratch_operands = 0 : i64, tpu.core_type = #tpu.core_type<sc_vector_subcore>, window_params = [{transform_indices = #map}, {transform_indices = #map}, {transform_indices = #map}, {transform_indices = #map}, {transform_indices = #map}]} {
    %mul3A = arith.constant 1 : i32
    %mul3A_0 = arith.muli %arg1, %mul3A : i32
    %add3A = arith.constant 0 : i32
    %add3A_1 = arith.addi %add3A, %mul3A_0 : i32
    %mul3A_2 = arith.constant 16 : i32
    %mul3A_3 = arith.muli %arg0, %mul3A_2 : i32
    %add3A_4 = arith.addi %add3A_1, %mul3A_3 : i32
    %mul3A_5 = arith.constant 10 : i32
    %mul3A_6 = arith.muli %add3A_4, %mul3A_5 : i32
    "tpu.region"() ({
      %run_scoped3A = memref.alloca() : memref<2x1x128xi32, #tpu.memory_space<vmem>>
      %run_scoped3A_16 = tpu.sem_alloc : memref<2x!tpu.dma_semaphore, #tpu.memory_space<semaphore_mem>>
      %run_scoped3A_17 = memref.alloca() : memref<2x128x64xf32, #tpu.memory_space<vmem>>
      %run_scoped3A_18 = tpu.sem_alloc : memref<2x!tpu.dma_semaphore, #tpu.memory_space<semaphore_mem>>
      %add3A_19 = arith.constant 0 : i32
      %add3A_20 = arith.addi %add3A_19, %mul3A_6 : i32
      %select_n3A = arith.constant true
      %select_n3A_21 = arith.constant 0 : i32
      %select_n3A_22 = arith.constant -1 : i32
      %select_n3A_23 = arith.select %select_n3A, %select_n3A_22, %select_n3A_21 : i32
      %eq3A = arith.constant -1 : i32
      %eq3A_24 = arith.cmpi eq, %select_n3A_23, %eq3A : i32
      %select_n3A_25 = arith.constant 9 : i32
      %select_n3A_26 = arith.select %eq3A_24, %select_n3A_25, %select_n3A_23 : i32
      %add3A_27 = arith.addi %select_n3A_26, %mul3A_6 : i32
      %select_n3A_28 = arith.constant true
      %select_n3A_29 = arith.constant 0 : i32
      %select_n3A_30 = arith.constant 1 : i32
      %select_n3A_31 = arith.select %select_n3A_28, %select_n3A_30, %select_n3A_29 : i32
      %eq3A_32 = arith.constant 10 : i32
      %eq3A_33 = arith.cmpi eq, %select_n3A_31, %eq3A_32 : i32
      %select_n3A_34 = arith.constant 0 : i32
      %select_n3A_35 = arith.select %eq3A_33, %select_n3A_34, %select_n3A_31 : i32
      %add3A_36 = arith.addi %select_n3A_35, %mul3A_6 : i32
      %add3A_37 = arith.constant 1 : i32
      %add3A_38 = arith.addi %select_n3A_35, %add3A_37 : i32
      %select_n3A_39 = arith.constant true
      %select_n3A_40 = arith.select %select_n3A_39, %add3A_38, %select_n3A_35 : i32
      %eq3A_41 = arith.constant 10 : i32
      %eq3A_42 = arith.cmpi eq, %select_n3A_40, %eq3A_41 : i32
      %select_n3A_43 = arith.constant 0 : i32
      %select_n3A_44 = arith.select %eq3A_42, %select_n3A_43, %select_n3A_40 : i32
      %add3A_45 = arith.addi %select_n3A_44, %mul3A_6 : i32
      "tpu.trace_start"() <{level = 10 : i32, message = "ep_initialize_0"}> : () -> ()
      %rem3A = arith.constant 0 : i32
      %rem3A_46 = arith.constant 2 : i32
      %rem3A_47 = arith.remui %rem3A, %rem3A_46 : i32
      %mul3A_48 = arith.constant 1 : i32
      %mul3A_49 = arith.muli %mul3A_48, %add3A_20 : i32
      %dma_start3A = arith.constant 0 : i32
      %dma_start3A_50 = arith.constant 0 : i32
      %dma_start3A_51 = tpu.memref_slice %run_scoped3A[%rem3A_47, %dma_start3A, %dma_start3A_50] : memref<2x1x128xi32, #tpu.memory_space<vmem>> -> memref<1x1x128xi32, #tpu.memory_space<vmem>>
      %dma_start3A_52 = tpu.memref_squeeze %dma_start3A_51 : memref<1x1x128xi32, #tpu.memory_space<vmem>> -> memref<1x128xi32, #tpu.memory_space<vmem>>
      %dma_start3A_53 = arith.constant 0 : i32
      %dma_start3A_54 = tpu.memref_slice %arg3[%mul3A_49, %dma_start3A_53] : memref<320x128xi32, #tpu.memory_space<hbm>> -> memref<1x128xi32, #tpu.memory_space<hbm>>
      %dma_start3A_55 = tpu.memref_slice %run_scoped3A_16[%rem3A_47] : memref<2x!tpu.dma_semaphore, #tpu.memory_space<semaphore_mem>> -> memref<1x!tpu.dma_semaphore, #tpu.memory_space<semaphore_mem>>
      %dma_start3A_56 = tpu.memref_squeeze %dma_start3A_55 : memref<1x!tpu.dma_semaphore, #tpu.memory_space<semaphore_mem>> -> memref<!tpu.dma_semaphore, #tpu.memory_space<semaphore_mem>>
      %dma_start3A_57 = arith.constant 0 : i32
      %dma_start3A_58 = arith.constant 0 : i32
      %dma_start3A_59 = tpu.memref_slice %run_scoped3A[%rem3A_47, %dma_start3A_57, %dma_start3A_58] : memref<2x1x128xi32, #tpu.memory_space<vmem>> -> memref<1x1x128xi32, #tpu.memory_space<vmem>>
      %dma_start3A_60 = tpu.memref_squeeze %dma_start3A_59 : memref<1x1x128xi32, #tpu.memory_space<vmem>> -> memref<1x128xi32, #tpu.memory_space<vmem>>
      %dma_start3A_61 = arith.constant 0 : i32
      %dma_start3A_62 = tpu.memref_slice %arg3[%mul3A_49, %dma_start3A_61] : memref<320x128xi32, #tpu.memory_space<hbm>> -> memref<1x128xi32, #tpu.memory_space<hbm>>
      tpu.enqueue_dma source(%dma_start3A_62 : memref<1x128xi32, #tpu.memory_space<hbm>>) target(%dma_start3A_60 : memref<1x128xi32, #tpu.memory_space<vmem>>) target_semaphore(%dma_start3A_56 : memref<!tpu.dma_semaphore, #tpu.memory_space<semaphore_mem>>)
      %add3A_63 = arith.constant 0 : i32
      %add3A_64 = arith.constant 1 : i32
      %add3A_65 = arith.addi %add3A_63, %add3A_64 : i32
      %select_n3A_66 = arith.constant true
      %select_n3A_67 = arith.constant 0 : i32
      %select_n3A_68 = arith.select %select_n3A_66, %add3A_65, %select_n3A_67 : i32
      "tpu.trace_stop"() : () -> ()
      %scan3A = arith.constant 0 : i32
      %scan3A_69 = arith.constant 0 : i32
      %scan3A_70 = arith.constant 0 : i32
      %scan3A_71 = arith.constant 0 : i32
      %scan3A_72 = arith.constant 0 : i32
      %scan3A_73 = arith.constant 10 : i32
      %scan3A_74 = arith.addi %scan3A_72, %scan3A_73 : i32
      %scan3A_75 = arith.constant 1 : i32
      %scan3A_76:5 = scf.for %scan3A_130 = %scan3A_72 to %scan3A_74 step %scan3A_75 iter_args(%scan3A_131 = %select_n3A_68, %scan3A_132 = %scan3A, %scan3A_133 = %scan3A_69, %scan3A_134 = %scan3A_70, %scan3A_135 = %scan3A_71) -> (i32, i32, i32, i32, i32)  : i32 {
        %eq3A_136 = arith.constant 0 : i32
        %eq3A_137 = arith.cmpi eq, %scan3A_130, %eq3A_136 : i32
        %eq3A_138 = arith.constant 9 : i32
        %eq3A_139 = arith.cmpi eq, %scan3A_130, %eq3A_138 : i32
        %add3A_140 = arith.addi %scan3A_135, %mul3A_6 : i32
        %sub3A_141 = arith.constant 1 : i32
        %sub3A_142 = arith.subi %scan3A_135, %sub3A_141 : i32
        %select_n3A_143 = arith.constant true
        %select_n3A_144 = arith.select %select_n3A_143, %sub3A_142, %scan3A_135 : i32
        %eq3A_145 = arith.constant -1 : i32
        %eq3A_146 = arith.cmpi eq, %select_n3A_144, %eq3A_145 : i32
        %select_n3A_147 = arith.constant 9 : i32
        %select_n3A_148 = arith.select %eq3A_146, %select_n3A_147, %select_n3A_144 : i32
        %add3A_149 = arith.addi %select_n3A_148, %mul3A_6 : i32
        %add3A_150 = arith.constant 1 : i32
        %add3A_151 = arith.addi %scan3A_135, %add3A_150 : i32
        %select_n3A_152 = arith.constant true
        %select_n3A_153 = arith.select %select_n3A_152, %add3A_151, %scan3A_135 : i32
        %eq3A_154 = arith.constant 10 : i32
        %eq3A_155 = arith.cmpi eq, %select_n3A_153, %eq3A_154 : i32
        %select_n3A_156 = arith.constant 0 : i32
        %select_n3A_157 = arith.select %eq3A_155, %select_n3A_156, %select_n3A_153 : i32
        %add3A_158 = arith.addi %select_n3A_157, %mul3A_6 : i32
        %add3A_159 = arith.constant 1 : i32
        %add3A_160 = arith.addi %select_n3A_157, %add3A_159 : i32
        %select_n3A_161 = arith.constant true
        %select_n3A_162 = arith.select %select_n3A_161, %add3A_160, %select_n3A_157 : i32
        %eq3A_163 = arith.constant 10 : i32
        %eq3A_164 = arith.cmpi eq, %select_n3A_162, %eq3A_163 : i32
        %select_n3A_165 = arith.constant 0 : i32
        %select_n3A_166 = arith.select %eq3A_164, %select_n3A_165, %select_n3A_162 : i32
        %add3A_167 = arith.addi %select_n3A_166, %mul3A_6 : i32
        %ne3A = arith.cmpi ne, %add3A_140, %add3A_158 : i32
        %or3A = arith.constant false
        %or3A_168 = arith.ori %or3A, %ne3A : i1
        %or3A_169 = arith.constant false
        %or3A_170 = arith.ori %or3A_168, %or3A_169 : i1
        %ge3A = arith.constant 9 : i32
        %ge3A_171 = arith.cmpi sge, %scan3A_130, %ge3A : i32
        %not3A = arith.constant true
        %not3A_172 = arith.xori %ge3A_171, %not3A : i1
        %and3A = arith.andi %or3A_170, %not3A_172 : i1
        %convert_element_type3A = arith.extui %and3A : i1 to i32
        %cond3A = arith.constant 0 : i32
        %cond3A_173 = arith.cmpi ne, %convert_element_type3A, %cond3A : i32
        scf.if %cond3A_173 {
          "tpu.trace_start"() <{level = 10 : i32, message = "ep_copy_in"}> : () -> ()
          %rem3A_283 = arith.constant 2 : i32
          %rem3A_284 = arith.remui %scan3A_131, %rem3A_283 : i32
          %mul3A_285 = arith.constant 1 : i32
          %mul3A_286 = arith.muli %mul3A_285, %add3A_158 : i32
          %dma_start3A_287 = arith.constant 0 : i32
          %dma_start3A_288 = arith.constant 0 : i32
          %dma_start3A_289 = tpu.memref_slice %run_scoped3A[%rem3A_284, %dma_start3A_287, %dma_start3A_288] : memref<2x1x128xi32, #tpu.memory_space<vmem>> -> memref<1x1x128xi32, #tpu.memory_space<vmem>>
          %dma_start3A_290 = tpu.memref_squeeze %dma_start3A_289 : memref<1x1x128xi32, #tpu.memory_space<vmem>> -> memref<1x128xi32, #tpu.memory_space<vmem>>
          %dma_start3A_291 = arith.constant 0 : i32
          %dma_start3A_292 = tpu.memref_slice %arg3[%mul3A_286, %dma_start3A_291] : memref<320x128xi32, #tpu.memory_space<hbm>> -> memref<1x128xi32, #tpu.memory_space<hbm>>
          %dma_start3A_293 = tpu.memref_slice %run_scoped3A_16[%rem3A_284] : memref<2x!tpu.dma_semaphore, #tpu.memory_space<semaphore_mem>> -> memref<1x!tpu.dma_semaphore, #tpu.memory_space<semaphore_mem>>
          %dma_start3A_294 = tpu.memref_squeeze %dma_start3A_293 : memref<1x!tpu.dma_semaphore, #tpu.memory_space<semaphore_mem>> -> memref<!tpu.dma_semaphore, #tpu.memory_space<semaphore_mem>>
          %dma_start3A_295 = arith.constant 0 : i32
          %dma_start3A_296 = arith.constant 0 : i32
          %dma_start3A_297 = tpu.memref_slice %run_scoped3A[%rem3A_284, %dma_start3A_295, %dma_start3A_296] : memref<2x1x128xi32, #tpu.memory_space<vmem>> -> memref<1x1x128xi32, #tpu.memory_space<vmem>>
          %dma_start3A_298 = tpu.memref_squeeze %dma_start3A_297 : memref<1x1x128xi32, #tpu.memory_space<vmem>> -> memref<1x128xi32, #tpu.memory_space<vmem>>
          %dma_start3A_299 = arith.constant 0 : i32
          %dma_start3A_300 = tpu.memref_slice %arg3[%mul3A_286, %dma_start3A_299] : memref<320x128xi32, #tpu.memory_space<hbm>> -> memref<1x128xi32, #tpu.memory_space<hbm>>
          tpu.enqueue_dma source(%dma_start3A_300 : memref<1x128xi32, #tpu.memory_space<hbm>>) target(%dma_start3A_298 : memref<1x128xi32, #tpu.memory_space<vmem>>) target_semaphore(%dma_start3A_294 : memref<!tpu.dma_semaphore, #tpu.memory_space<semaphore_mem>>)
          "tpu.trace_stop"() : () -> ()
        } else {
        }
        %and3A_174 = arith.constant true
        %and3A_175 = arith.andi %and3A, %and3A_174 : i1
        %add3A_176 = arith.constant 1 : i32
        %add3A_177 = arith.addi %scan3A_131, %add3A_176 : i32
        %select_n3A_178 = arith.select %and3A_175, %add3A_177, %scan3A_131 : i32
        %ne3A_179 = arith.cmpi ne, %add3A_140, %add3A_158 : i32
        %or3A_180 = arith.constant false
        %or3A_181 = arith.ori %or3A_180, %ne3A_179 : i1
        %or3A_182 = arith.constant false
        %or3A_183 = arith.ori %or3A_181, %or3A_182 : i1
        %ge3A_184 = arith.constant 9 : i32
        %ge3A_185 = arith.cmpi sge, %scan3A_130, %ge3A_184 : i32
        %not3A_186 = arith.constant true
        %not3A_187 = arith.xori %ge3A_185, %not3A_186 : i1
        %and3A_188 = arith.andi %or3A_183, %not3A_187 : i1
        %ne3A_189 = arith.cmpi ne, %add3A_140, %add3A_149 : i32
        %or3A_190 = arith.constant false
        %or3A_191 = arith.ori %or3A_190, %ne3A_189 : i1
        %or3A_192 = arith.constant false
        %or3A_193 = arith.ori %or3A_191, %or3A_192 : i1
        %or3A_194 = arith.ori %or3A_193, %eq3A_137 : i1
        %convert_element_type3A_195 = arith.extui %or3A_194 : i1 to i32
        %cond3A_196 = arith.constant 0 : i32
        %cond3A_197 = arith.cmpi ne, %convert_element_type3A_195, %cond3A_196 : i32
        scf.if %cond3A_197 {
          "tpu.trace_start"() <{level = 10 : i32, message = "ep_wait_in"}> : () -> ()
          %mul3A_283 = arith.constant 1 : i32
          %mul3A_284 = arith.muli %mul3A_283, %add3A_140 : i32
          %rem3A_285 = arith.constant 2 : i32
          %rem3A_286 = arith.remui %scan3A_132, %rem3A_285 : i32
          %dma_wait3A_287 = arith.constant 0 : i32
          %dma_wait3A_288 = arith.constant 0 : i32
          %dma_wait3A_289 = tpu.memref_slice %run_scoped3A[%rem3A_286, %dma_wait3A_287, %dma_wait3A_288] : memref<2x1x128xi32, #tpu.memory_space<vmem>> -> memref<1x1x128xi32, #tpu.memory_space<vmem>>
          %dma_wait3A_290 = tpu.memref_squeeze %dma_wait3A_289 : memref<1x1x128xi32, #tpu.memory_space<vmem>> -> memref<1x128xi32, #tpu.memory_space<vmem>>
          %dma_wait3A_291 = arith.constant 0 : i32
          %dma_wait3A_292 = tpu.memref_slice %arg3[%mul3A_284, %dma_wait3A_291] : memref<320x128xi32, #tpu.memory_space<hbm>> -> memref<1x128xi32, #tpu.memory_space<hbm>>
          %dma_wait3A_293 = tpu.memref_slice %run_scoped3A_16[%rem3A_286] : memref<2x!tpu.dma_semaphore, #tpu.memory_space<semaphore_mem>> -> memref<1x!tpu.dma_semaphore, #tpu.memory_space<semaphore_mem>>
          %dma_wait3A_294 = tpu.memref_squeeze %dma_wait3A_293 : memref<1x!tpu.dma_semaphore, #tpu.memory_space<semaphore_mem>> -> memref<!tpu.dma_semaphore, #tpu.memory_space<semaphore_mem>>
          %dma_wait3A_295 = arith.constant 0 : i32
          %dma_wait3A_296 = arith.constant 0 : i32
          %dma_wait3A_297 = tpu.memref_slice %run_scoped3A[%rem3A_286, %dma_wait3A_295, %dma_wait3A_296] : memref<2x1x128xi32, #tpu.memory_space<vmem>> -> memref<1x1x128xi32, #tpu.memory_space<vmem>>
          %dma_wait3A_298 = tpu.memref_squeeze %dma_wait3A_297 : memref<1x1x128xi32, #tpu.memory_space<vmem>> -> memref<1x128xi32, #tpu.memory_space<vmem>>
          %dma_wait3A_299 = arith.constant 0 : i32
          %dma_wait3A_300 = tpu.memref_slice %arg3[%mul3A_284, %dma_wait3A_299] : memref<320x128xi32, #tpu.memory_space<hbm>> -> memref<1x128xi32, #tpu.memory_space<hbm>>
          tpu.wait_dma2 semaphore(%dma_wait3A_294 : memref<!tpu.dma_semaphore, #tpu.memory_space<semaphore_mem>>) src(%dma_wait3A_300 : memref<1x128xi32, #tpu.memory_space<hbm>>) dst(%dma_wait3A_298 : memref<1x128xi32, #tpu.memory_space<vmem>>)
          "tpu.trace_stop"() : () -> ()
        } else {
        }
        %ne3A_198 = arith.cmpi ne, %add3A_140, %add3A_149 : i32
        %or3A_199 = arith.constant false
        %or3A_200 = arith.ori %or3A_199, %ne3A_198 : i1
        %or3A_201 = arith.constant false
        %or3A_202 = arith.ori %or3A_200, %or3A_201 : i1
        %or3A_203 = arith.ori %or3A_202, %eq3A_137 : i1
        %convert_element_type3A_204 = arith.extui %or3A_203 : i1 to i32
        %cond3A_205 = arith.constant 0 : i32
        %cond3A_206 = arith.cmpi ne, %convert_element_type3A_204, %cond3A_205 : i32
        scf.if %cond3A_206 {
        } else {
        }
        %rem3A_207 = arith.constant 2 : i32
        %rem3A_208 = arith.remui %scan3A_132, %rem3A_207 : i32
        %rem3A_209 = arith.constant 2 : i32
        %rem3A_210 = arith.remui %scan3A_133, %rem3A_209 : i32
        %run_scoped3A_211 = arith.constant 0 : i32
        "tpu.trace_start"() <{level = 10 : i32, message = "ep_run_kernel"}> : () -> ()
        "tpu.region"() ({
          %run_scoped3A_283 = tpu.sem_alloc : memref<!tpu.dma_semaphore, #tpu.memory_space<semaphore_mem>>
          %dma_start3A_284 = arith.constant 0 : i32
          %dma_start3A_285 = arith.constant 0 : i32
          %dma_start3A_286 = tpu.memref_slice %run_scoped3A_17[%rem3A_210, %dma_start3A_284, %dma_start3A_285] : memref<2x128x64xf32, #tpu.memory_space<vmem>> -> memref<1x128x64xf32, #tpu.memory_space<vmem>>
          %dma_start3A_287 = tpu.memref_squeeze %dma_start3A_286 : memref<1x128x64xf32, #tpu.memory_space<vmem>> -> memref<128x64xf32, #tpu.memory_space<vmem>>
          %dma_start3A_288 = arith.constant 0 : i32
          %dma_start3A_289 = arith.constant 0 : i32
          %dma_start3A_290 = tpu.memref_slice %run_scoped3A[%rem3A_208, %dma_start3A_288, %dma_start3A_289] : memref<2x1x128xi32, #tpu.memory_space<vmem>> -> memref<1x1x128xi32, #tpu.memory_space<vmem>>
          %dma_start3A_291 = tpu.memref_squeeze %dma_start3A_290 : memref<1x1x128xi32, #tpu.memory_space<vmem>> -> memref<1x128xi32, #tpu.memory_space<vmem>>
          %dma_start3A_292 = arith.constant 0 : i32
          %dma_start3A_293 = tpu.memref_slice %dma_start3A_291[%run_scoped3A_211, %dma_start3A_292] : memref<1x128xi32, #tpu.memory_space<vmem>> -> memref<1x128xi32, #tpu.memory_space<vmem>>
          %dma_start3A_294 = tpu.memref_squeeze %dma_start3A_293 : memref<1x128xi32, #tpu.memory_space<vmem>> -> memref<128xi32, #tpu.memory_space<vmem>>
          %dma_start3A_295 = arith.constant 0 : i32
          %dma_start3A_296 = arith.constant 0 : i32
          %dma_start3A_297 = tpu.memref_slice %arg2[%dma_start3A_295, %dma_start3A_296] : memref<1000000x64xf32, #tpu.memory_space<hbm>> -> memref<1000000x64xf32, #tpu.memory_space<hbm>>
          tpu.enqueue_indirect_dma source(%dma_start3A_297 : memref<1000000x64xf32, #tpu.memory_space<hbm>>) target(%dma_start3A_287 : memref<128x64xf32, #tpu.memory_space<vmem>>) offsets(%dma_start3A_294 : memref<128xi32, #tpu.memory_space<vmem>>) semaphore(%run_scoped3A_283 : memref<!tpu.dma_semaphore, #tpu.memory_space<semaphore_mem>>)
          %dma_wait3A_298 = arith.constant 0 : i32
          %dma_wait3A_299 = arith.constant 0 : i32
          %dma_wait3A_300 = tpu.memref_slice %run_scoped3A_17[%rem3A_210, %dma_wait3A_298, %dma_wait3A_299] : memref<2x128x64xf32, #tpu.memory_space<vmem>> -> memref<1x128x64xf32, #tpu.memory_space<vmem>>
          %dma_wait3A_301 = tpu.memref_squeeze %dma_wait3A_300 : memref<1x128x64xf32, #tpu.memory_space<vmem>> -> memref<128x64xf32, #tpu.memory_space<vmem>>
          %dma_wait3A_302 = arith.constant 0 : i32
          %dma_wait3A_303 = arith.constant 0 : i32
          %dma_wait3A_304 = tpu.memref_slice %run_scoped3A[%rem3A_208, %dma_wait3A_302, %dma_wait3A_303] : memref<2x1x128xi32, #tpu.memory_space<vmem>> -> memref<1x1x128xi32, #tpu.memory_space<vmem>>
          %dma_wait3A_305 = tpu.memref_squeeze %dma_wait3A_304 : memref<1x1x128xi32, #tpu.memory_space<vmem>> -> memref<1x128xi32, #tpu.memory_space<vmem>>
          %dma_wait3A_306 = arith.constant 0 : i32
          %dma_wait3A_307 = tpu.memref_slice %dma_wait3A_305[%run_scoped3A_211, %dma_wait3A_306] : memref<1x128xi32, #tpu.memory_space<vmem>> -> memref<1x128xi32, #tpu.memory_space<vmem>>
          %dma_wait3A_308 = tpu.memref_squeeze %dma_wait3A_307 : memref<1x128xi32, #tpu.memory_space<vmem>> -> memref<128xi32, #tpu.memory_space<vmem>>
          %dma_wait3A_309 = arith.constant 0 : i32
          %dma_wait3A_310 = arith.constant 0 : i32
          %dma_wait3A_311 = tpu.memref_slice %arg2[%dma_wait3A_309, %dma_wait3A_310] : memref<1000000x64xf32, #tpu.memory_space<hbm>> -> memref<1000000x64xf32, #tpu.memory_space<hbm>>
          tpu.wait_indirect_dma semaphore(%run_scoped3A_283 : memref<!tpu.dma_semaphore, #tpu.memory_space<semaphore_mem>>) src(%dma_wait3A_311 : memref<1000000x64xf32, #tpu.memory_space<hbm>>) dst(%dma_wait3A_301 : memref<128x64xf32, #tpu.memory_space<vmem>>)
          tpu.yield
        }) : () -> ()
        "tpu.trace_stop"() : () -> ()
        %ne3A_212 = arith.cmpi ne, %add3A_140, %add3A_158 : i32
        %or3A_213 = arith.constant false
        %or3A_214 = arith.ori %or3A_213, %ne3A_212 : i1
        %or3A_215 = arith.constant false
        %or3A_216 = arith.ori %or3A_214, %or3A_215 : i1
        %or3A_217 = arith.ori %or3A_216, %eq3A_139 : i1
        %convert_element_type3A_218 = arith.extui %or3A_217 : i1 to i32
        %cond3A_219 = arith.constant 0 : i32
        %cond3A_220 = arith.cmpi ne, %convert_element_type3A_218, %cond3A_219 : i32
        scf.if %cond3A_220 {
        } else {
        }
        %and3A_221 = arith.constant false
        %and3A_222 = arith.andi %or3A_217, %and3A_221 : i1
        %ne3A_223 = arith.cmpi ne, %add3A_140, %add3A_158 : i32
        %or3A_224 = arith.constant false
        %or3A_225 = arith.ori %or3A_224, %ne3A_223 : i1
        %or3A_226 = arith.constant false
        %or3A_227 = arith.ori %or3A_225, %or3A_226 : i1
        %or3A_228 = arith.ori %or3A_227, %eq3A_139 : i1
        %convert_element_type3A_229 = arith.extui %or3A_228 : i1 to i32
        %cond3A_230 = arith.constant 0 : i32
        %cond3A_231 = arith.cmpi ne, %convert_element_type3A_229, %cond3A_230 : i32
        scf.if %cond3A_231 {
          "tpu.trace_start"() <{level = 10 : i32, message = "ep_copy_out"}> : () -> ()
          %rem3A_283 = arith.constant 2 : i32
          %rem3A_284 = arith.remui %scan3A_133, %rem3A_283 : i32
          %mul3A_285 = arith.constant 128 : i32
          %mul3A_286 = arith.muli %mul3A_285, %add3A_140 : i32
          %dma_start3A_287 = arith.constant 0 : i32
          %dma_start3A_288 = arith.constant 0 : i32
          %dma_start3A_289 = tpu.memref_slice %run_scoped3A_17[%rem3A_284, %dma_start3A_287, %dma_start3A_288] : memref<2x128x64xf32, #tpu.memory_space<vmem>> -> memref<1x128x64xf32, #tpu.memory_space<vmem>>
          %dma_start3A_290 = tpu.memref_squeeze %dma_start3A_289 : memref<1x128x64xf32, #tpu.memory_space<vmem>> -> memref<128x64xf32, #tpu.memory_space<vmem>>
          %dma_start3A_291 = arith.constant 0 : i32
          %dma_start3A_292 = tpu.memref_slice %arg5[%mul3A_286, %dma_start3A_291] : memref<40960x64xf32, #tpu.memory_space<hbm>> -> memref<128x64xf32, #tpu.memory_space<hbm>>
          %dma_start3A_293 = tpu.memref_slice %run_scoped3A_18[%rem3A_284] : memref<2x!tpu.dma_semaphore, #tpu.memory_space<semaphore_mem>> -> memref<1x!tpu.dma_semaphore, #tpu.memory_space<semaphore_mem>>
          %dma_start3A_294 = tpu.memref_squeeze %dma_start3A_293 : memref<1x!tpu.dma_semaphore, #tpu.memory_space<semaphore_mem>> -> memref<!tpu.dma_semaphore, #tpu.memory_space<semaphore_mem>>
          %dma_start3A_295 = arith.constant 0 : i32
          %dma_start3A_296 = tpu.memref_slice %arg5[%mul3A_286, %dma_start3A_295] : memref<40960x64xf32, #tpu.memory_space<hbm>> -> memref<128x64xf32, #tpu.memory_space<hbm>>
          %dma_start3A_297 = arith.constant 0 : i32
          %dma_start3A_298 = arith.constant 0 : i32
          %dma_start3A_299 = tpu.memref_slice %run_scoped3A_17[%rem3A_284, %dma_start3A_297, %dma_start3A_298] : memref<2x128x64xf32, #tpu.memory_space<vmem>> -> memref<1x128x64xf32, #tpu.memory_space<vmem>>
          %dma_start3A_300 = tpu.memref_squeeze %dma_start3A_299 : memref<1x128x64xf32, #tpu.memory_space<vmem>> -> memref<128x64xf32, #tpu.memory_space<vmem>>
          tpu.enqueue_dma source(%dma_start3A_300 : memref<128x64xf32, #tpu.memory_space<vmem>>) target(%dma_start3A_296 : memref<128x64xf32, #tpu.memory_space<hbm>>) target_semaphore(%dma_start3A_294 : memref<!tpu.dma_semaphore, #tpu.memory_space<semaphore_mem>>)
          "tpu.trace_stop"() : () -> ()
        } else {
        }
        %and3A_232 = arith.constant true
        %and3A_233 = arith.andi %or3A_228, %and3A_232 : i1
        %add3A_234 = arith.constant 1 : i32
        %add3A_235 = arith.addi %scan3A_133, %add3A_234 : i32
        %select_n3A_236 = arith.select %and3A_233, %add3A_235, %scan3A_133 : i32
        %ne3A_237 = arith.cmpi ne, %add3A_140, %add3A_149 : i32
        %or3A_238 = arith.constant false
        %or3A_239 = arith.ori %or3A_238, %ne3A_237 : i1
        %or3A_240 = arith.constant false
        %or3A_241 = arith.ori %or3A_239, %or3A_240 : i1
        %not3A_242 = arith.constant true
        %not3A_243 = arith.xori %eq3A_137, %not3A_242 : i1
        %and3A_244 = arith.andi %or3A_241, %not3A_243 : i1
        %convert_element_type3A_245 = arith.extui %and3A_244 : i1 to i32
        %cond3A_246 = arith.constant 0 : i32
        %cond3A_247 = arith.cmpi ne, %convert_element_type3A_245, %cond3A_246 : i32
        scf.if %cond3A_247 {
        } else {
        }
        %and3A_248 = arith.constant false
        %and3A_249 = arith.andi %and3A_244, %and3A_248 : i1
        %ne3A_250 = arith.cmpi ne, %add3A_140, %add3A_149 : i32
        %or3A_251 = arith.constant false
        %or3A_252 = arith.ori %or3A_251, %ne3A_250 : i1
        %or3A_253 = arith.constant false
        %or3A_254 = arith.ori %or3A_252, %or3A_253 : i1
        %not3A_255 = arith.constant true
        %not3A_256 = arith.xori %eq3A_137, %not3A_255 : i1
        %and3A_257 = arith.andi %or3A_254, %not3A_256 : i1
        %convert_element_type3A_258 = arith.extui %and3A_257 : i1 to i32
        %cond3A_259 = arith.constant 0 : i32
        %cond3A_260 = arith.cmpi ne, %convert_element_type3A_258, %cond3A_259 : i32
        scf.if %cond3A_260 {
          "tpu.trace_start"() <{level = 10 : i32, message = "ep_wait_out"}> : () -> ()
          %rem3A_283 = arith.constant 2 : i32
          %rem3A_284 = arith.remui %scan3A_134, %rem3A_283 : i32
          %mul3A_285 = arith.constant 128 : i32
          %mul3A_286 = arith.muli %mul3A_285, %add3A_149 : i32
          %dma_wait3A_287 = arith.constant 0 : i32
          %dma_wait3A_288 = arith.constant 0 : i32
          %dma_wait3A_289 = tpu.memref_slice %run_scoped3A_17[%rem3A_284, %dma_wait3A_287, %dma_wait3A_288] : memref<2x128x64xf32, #tpu.memory_space<vmem>> -> memref<1x128x64xf32, #tpu.memory_space<vmem>>
          %dma_wait3A_290 = tpu.memref_squeeze %dma_wait3A_289 : memref<1x128x64xf32, #tpu.memory_space<vmem>> -> memref<128x64xf32, #tpu.memory_space<vmem>>
          %dma_wait3A_291 = arith.constant 0 : i32
          %dma_wait3A_292 = tpu.memref_slice %arg5[%mul3A_286, %dma_wait3A_291] : memref<40960x64xf32, #tpu.memory_space<hbm>> -> memref<128x64xf32, #tpu.memory_space<hbm>>
          %dma_wait3A_293 = tpu.memref_slice %run_scoped3A_18[%rem3A_284] : memref<2x!tpu.dma_semaphore, #tpu.memory_space<semaphore_mem>> -> memref<1x!tpu.dma_semaphore, #tpu.memory_space<semaphore_mem>>
          %dma_wait3A_294 = tpu.memref_squeeze %dma_wait3A_293 : memref<1x!tpu.dma_semaphore, #tpu.memory_space<semaphore_mem>> -> memref<!tpu.dma_semaphore, #tpu.memory_space<semaphore_mem>>
          %dma_wait3A_295 = arith.constant 0 : i32
          %dma_wait3A_296 = tpu.memref_slice %arg5[%mul3A_286, %dma_wait3A_295] : memref<40960x64xf32, #tpu.memory_space<hbm>> -> memref<128x64xf32, #tpu.memory_space<hbm>>
          %dma_wait3A_297 = arith.constant 0 : i32
          %dma_wait3A_298 = arith.constant 0 : i32
          %dma_wait3A_299 = tpu.memref_slice %run_scoped3A_17[%rem3A_284, %dma_wait3A_297, %dma_wait3A_298] : memref<2x128x64xf32, #tpu.memory_space<vmem>> -> memref<1x128x64xf32, #tpu.memory_space<vmem>>
          %dma_wait3A_300 = tpu.memref_squeeze %dma_wait3A_299 : memref<1x128x64xf32, #tpu.memory_space<vmem>> -> memref<128x64xf32, #tpu.memory_space<vmem>>
          tpu.wait_dma2 semaphore(%dma_wait3A_294 : memref<!tpu.dma_semaphore, #tpu.memory_space<semaphore_mem>>) src(%dma_wait3A_300 : memref<128x64xf32, #tpu.memory_space<vmem>>) dst(%dma_wait3A_296 : memref<128x64xf32, #tpu.memory_space<hbm>>)
          "tpu.trace_stop"() : () -> ()
        } else {
        }
        %and3A_261 = arith.constant true
        %and3A_262 = arith.andi %and3A_257, %and3A_261 : i1
        %add3A_263 = arith.constant 1 : i32
        %add3A_264 = arith.addi %scan3A_134, %add3A_263 : i32
        %select_n3A_265 = arith.select %and3A_262, %add3A_264, %scan3A_134 : i32
        %ne3A_266 = arith.cmpi ne, %add3A_140, %add3A_158 : i32
        %or3A_267 = arith.constant false
        %or3A_268 = arith.ori %or3A_267, %ne3A_266 : i1
        %or3A_269 = arith.constant false
        %or3A_270 = arith.ori %or3A_268, %or3A_269 : i1
        %or3A_271 = arith.ori %or3A_270, %eq3A_139 : i1
        %add3A_272 = arith.constant 1 : i32
        %add3A_273 = arith.addi %scan3A_132, %add3A_272 : i32
        %select_n3A_274 = arith.select %or3A_271, %add3A_273, %scan3A_132 : i32
        %add3A_275 = arith.constant 1 : i32
        %add3A_276 = arith.addi %scan3A_135, %add3A_275 : i32
        %select_n3A_277 = arith.constant true
        %select_n3A_278 = arith.select %select_n3A_277, %add3A_276, %scan3A_135 : i32
        %eq3A_279 = arith.constant 10 : i32
        %eq3A_280 = arith.cmpi eq, %select_n3A_278, %eq3A_279 : i32
        %select_n3A_281 = arith.constant 0 : i32
        %select_n3A_282 = arith.select %eq3A_280, %select_n3A_281, %select_n3A_278 : i32
        scf.yield %select_n3A_178, %select_n3A_274, %select_n3A_236, %select_n3A_265, %select_n3A_282 : i32, i32, i32, i32, i32
      }
      %scan3A_77 = arith.constant 10 : i32
      %sub3A = arith.constant 1 : i32
      %sub3A_78 = arith.subi %scan3A_76#4, %sub3A : i32
      %select_n3A_79 = arith.constant true
      %select_n3A_80 = arith.select %select_n3A_79, %sub3A_78, %scan3A_76#4 : i32
      %eq3A_81 = arith.constant -1 : i32
      %eq3A_82 = arith.cmpi eq, %select_n3A_80, %eq3A_81 : i32
      %select_n3A_83 = arith.constant 9 : i32
      %select_n3A_84 = arith.select %eq3A_82, %select_n3A_83, %select_n3A_80 : i32
      %add3A_85 = arith.addi %select_n3A_84, %mul3A_6 : i32
      %sub3A_86 = arith.constant 1 : i32
      %sub3A_87 = arith.subi %select_n3A_84, %sub3A_86 : i32
      %select_n3A_88 = arith.constant true
      %select_n3A_89 = arith.select %select_n3A_88, %sub3A_87, %select_n3A_84 : i32
      %eq3A_90 = arith.constant -1 : i32
      %eq3A_91 = arith.cmpi eq, %select_n3A_89, %eq3A_90 : i32
      %select_n3A_92 = arith.constant 9 : i32
      %select_n3A_93 = arith.select %eq3A_91, %select_n3A_92, %select_n3A_89 : i32
      %add3A_94 = arith.addi %select_n3A_93, %mul3A_6 : i32
      %add3A_95 = arith.constant 1 : i32
      %add3A_96 = arith.addi %select_n3A_84, %add3A_95 : i32
      %select_n3A_97 = arith.constant true
      %select_n3A_98 = arith.select %select_n3A_97, %add3A_96, %select_n3A_84 : i32
      %eq3A_99 = arith.constant 10 : i32
      %eq3A_100 = arith.cmpi eq, %select_n3A_98, %eq3A_99 : i32
      %select_n3A_101 = arith.constant 0 : i32
      %select_n3A_102 = arith.select %eq3A_100, %select_n3A_101, %select_n3A_98 : i32
      %add3A_103 = arith.addi %select_n3A_102, %mul3A_6 : i32
      %add3A_104 = arith.constant 1 : i32
      %add3A_105 = arith.addi %select_n3A_102, %add3A_104 : i32
      %select_n3A_106 = arith.constant true
      %select_n3A_107 = arith.select %select_n3A_106, %add3A_105, %select_n3A_102 : i32
      %eq3A_108 = arith.constant 10 : i32
      %eq3A_109 = arith.cmpi eq, %select_n3A_107, %eq3A_108 : i32
      %select_n3A_110 = arith.constant 0 : i32
      %select_n3A_111 = arith.select %eq3A_109, %select_n3A_110, %select_n3A_107 : i32
      %add3A_112 = arith.addi %select_n3A_111, %mul3A_6 : i32
      "tpu.trace_start"() <{level = 10 : i32, message = "ep_finalize"}> : () -> ()
      %rem3A_113 = arith.constant 2 : i32
      %rem3A_114 = arith.remui %scan3A_76#3, %rem3A_113 : i32
      %mul3A_115 = arith.constant 128 : i32
      %mul3A_116 = arith.muli %mul3A_115, %add3A_85 : i32
      %dma_wait3A = arith.constant 0 : i32
      %dma_wait3A_117 = arith.constant 0 : i32
      %dma_wait3A_118 = tpu.memref_slice %run_scoped3A_17[%rem3A_114, %dma_wait3A, %dma_wait3A_117] : memref<2x128x64xf32, #tpu.memory_space<vmem>> -> memref<1x128x64xf32, #tpu.memory_space<vmem>>
      %dma_wait3A_119 = tpu.memref_squeeze %dma_wait3A_118 : memref<1x128x64xf32, #tpu.memory_space<vmem>> -> memref<128x64xf32, #tpu.memory_space<vmem>>
      %dma_wait3A_120 = arith.constant 0 : i32
      %dma_wait3A_121 = tpu.memref_slice %arg5[%mul3A_116, %dma_wait3A_120] : memref<40960x64xf32, #tpu.memory_space<hbm>> -> memref<128x64xf32, #tpu.memory_space<hbm>>
      %dma_wait3A_122 = tpu.memref_slice %run_scoped3A_18[%rem3A_114] : memref<2x!tpu.dma_semaphore, #tpu.memory_space<semaphore_mem>> -> memref<1x!tpu.dma_semaphore, #tpu.memory_space<semaphore_mem>>
      %dma_wait3A_123 = tpu.memref_squeeze %dma_wait3A_122 : memref<1x!tpu.dma_semaphore, #tpu.memory_space<semaphore_mem>> -> memref<!tpu.dma_semaphore, #tpu.memory_space<semaphore_mem>>
      %dma_wait3A_124 = arith.constant 0 : i32
      %dma_wait3A_125 = tpu.memref_slice %arg5[%mul3A_116, %dma_wait3A_124] : memref<40960x64xf32, #tpu.memory_space<hbm>> -> memref<128x64xf32, #tpu.memory_space<hbm>>
      %dma_wait3A_126 = arith.constant 0 : i32
      %dma_wait3A_127 = arith.constant 0 : i32
      %dma_wait3A_128 = tpu.memref_slice %run_scoped3A_17[%rem3A_114, %dma_wait3A_126, %dma_wait3A_127] : memref<2x128x64xf32, #tpu.memory_space<vmem>> -> memref<1x128x64xf32, #tpu.memory_space<vmem>>
      %dma_wait3A_129 = tpu.memref_squeeze %dma_wait3A_128 : memref<1x128x64xf32, #tpu.memory_space<vmem>> -> memref<128x64xf32, #tpu.memory_space<vmem>>
      tpu.wait_dma2 semaphore(%dma_wait3A_123 : memref<!tpu.dma_semaphore, #tpu.memory_space<semaphore_mem>>) src(%dma_wait3A_129 : memref<128x64xf32, #tpu.memory_space<vmem>>) dst(%dma_wait3A_125 : memref<128x64xf32, #tpu.memory_space<hbm>>)
      "tpu.trace_stop"() : () -> ()
      tpu.yield
    }) : () -> ()
    %mul3A_7 = arith.constant 1 : i32
    %mul3A_8 = arith.muli %arg1, %mul3A_7 : i32
    %add3A_9 = arith.constant 0 : i32
    %add3A_10 = arith.addi %add3A_9, %mul3A_8 : i32
    %mul3A_11 = arith.constant 16 : i32
    %mul3A_12 = arith.muli %arg0, %mul3A_11 : i32
    %add3A_13 = arith.addi %add3A_10, %mul3A_12 : i32
    %mul3A_14 = arith.constant 100 : i32
    %mul3A_15 = arith.muli %add3A_13, %mul3A_14 : i32
    "tpu.region"() ({
      %run_scoped3A = memref.alloca() : memref<2x1x128xi32, #tpu.memory_space<vmem>>
      %run_scoped3A_16 = tpu.sem_alloc : memref<2x!tpu.dma_semaphore, #tpu.memory_space<semaphore_mem>>
      %run_scoped3A_17 = memref.alloca() : memref<2x128x64xf32, #tpu.memory_space<vmem>>
      %run_scoped3A_18 = tpu.sem_alloc : memref<2x!tpu.dma_semaphore, #tpu.memory_space<semaphore_mem>>
      %add3A_19 = arith.constant 0 : i32
      %add3A_20 = arith.addi %add3A_19, %mul3A_15 : i32
      %select_n3A = arith.constant true
      %select_n3A_21 = arith.constant 0 : i32
      %select_n3A_22 = arith.constant -1 : i32
      %select_n3A_23 = arith.select %select_n3A, %select_n3A_22, %select_n3A_21 : i32
      %eq3A = arith.constant -1 : i32
      %eq3A_24 = arith.cmpi eq, %select_n3A_23, %eq3A : i32
      %select_n3A_25 = arith.constant 99 : i32
      %select_n3A_26 = arith.select %eq3A_24, %select_n3A_25, %select_n3A_23 : i32
      %add3A_27 = arith.addi %select_n3A_26, %mul3A_15 : i32
      %select_n3A_28 = arith.constant true
      %select_n3A_29 = arith.constant 0 : i32
      %select_n3A_30 = arith.constant 1 : i32
      %select_n3A_31 = arith.select %select_n3A_28, %select_n3A_30, %select_n3A_29 : i32
      %eq3A_32 = arith.constant 100 : i32
      %eq3A_33 = arith.cmpi eq, %select_n3A_31, %eq3A_32 : i32
      %select_n3A_34 = arith.constant 0 : i32
      %select_n3A_35 = arith.select %eq3A_33, %select_n3A_34, %select_n3A_31 : i32
      %add3A_36 = arith.addi %select_n3A_35, %mul3A_15 : i32
      %add3A_37 = arith.constant 1 : i32
      %add3A_38 = arith.addi %select_n3A_35, %add3A_37 : i32
      %select_n3A_39 = arith.constant true
      %select_n3A_40 = arith.select %select_n3A_39, %add3A_38, %select_n3A_35 : i32
      %eq3A_41 = arith.constant 100 : i32
      %eq3A_42 = arith.cmpi eq, %select_n3A_40, %eq3A_41 : i32
      %select_n3A_43 = arith.constant 0 : i32
      %select_n3A_44 = arith.select %eq3A_42, %select_n3A_43, %select_n3A_40 : i32
      %add3A_45 = arith.addi %select_n3A_44, %mul3A_15 : i32
      "tpu.trace_start"() <{level = 10 : i32, message = "ep_initialize_0"}> : () -> ()
      %rem3A = arith.constant 0 : i32
      %rem3A_46 = arith.constant 2 : i32
      %rem3A_47 = arith.remui %rem3A, %rem3A_46 : i32
      %mul3A_48 = arith.constant 1 : i32
      %mul3A_49 = arith.muli %mul3A_48, %add3A_20 : i32
      %dma_start3A = arith.constant 0 : i32
      %dma_start3A_50 = arith.constant 0 : i32
      %dma_start3A_51 = tpu.memref_slice %run_scoped3A[%rem3A_47, %dma_start3A, %dma_start3A_50] : memref<2x1x128xi32, #tpu.memory_space<vmem>> -> memref<1x1x128xi32, #tpu.memory_space<vmem>>
      %dma_start3A_52 = tpu.memref_squeeze %dma_start3A_51 : memref<1x1x128xi32, #tpu.memory_space<vmem>> -> memref<1x128xi32, #tpu.memory_space<vmem>>
      %dma_start3A_53 = arith.constant 0 : i32
      %dma_start3A_54 = tpu.memref_slice %arg4[%mul3A_49, %dma_start3A_53] : memref<3200x128xi32, #tpu.memory_space<hbm>> -> memref<1x128xi32, #tpu.memory_space<hbm>>
      %dma_start3A_55 = tpu.memref_slice %run_scoped3A_16[%rem3A_47] : memref<2x!tpu.dma_semaphore, #tpu.memory_space<semaphore_mem>> -> memref<1x!tpu.dma_semaphore, #tpu.memory_space<semaphore_mem>>
      %dma_start3A_56 = tpu.memref_squeeze %dma_start3A_55 : memref<1x!tpu.dma_semaphore, #tpu.memory_space<semaphore_mem>> -> memref<!tpu.dma_semaphore, #tpu.memory_space<semaphore_mem>>
      %dma_start3A_57 = arith.constant 0 : i32
      %dma_start3A_58 = arith.constant 0 : i32
      %dma_start3A_59 = tpu.memref_slice %run_scoped3A[%rem3A_47, %dma_start3A_57, %dma_start3A_58] : memref<2x1x128xi32, #tpu.memory_space<vmem>> -> memref<1x1x128xi32, #tpu.memory_space<vmem>>
      %dma_start3A_60 = tpu.memref_squeeze %dma_start3A_59 : memref<1x1x128xi32, #tpu.memory_space<vmem>> -> memref<1x128xi32, #tpu.memory_space<vmem>>
      %dma_start3A_61 = arith.constant 0 : i32
      %dma_start3A_62 = tpu.memref_slice %arg4[%mul3A_49, %dma_start3A_61] : memref<3200x128xi32, #tpu.memory_space<hbm>> -> memref<1x128xi32, #tpu.memory_space<hbm>>
      tpu.enqueue_dma source(%dma_start3A_62 : memref<1x128xi32, #tpu.memory_space<hbm>>) target(%dma_start3A_60 : memref<1x128xi32, #tpu.memory_space<vmem>>) target_semaphore(%dma_start3A_56 : memref<!tpu.dma_semaphore, #tpu.memory_space<semaphore_mem>>)
      %add3A_63 = arith.constant 0 : i32
      %add3A_64 = arith.constant 1 : i32
      %add3A_65 = arith.addi %add3A_63, %add3A_64 : i32
      %select_n3A_66 = arith.constant true
      %select_n3A_67 = arith.constant 0 : i32
      %select_n3A_68 = arith.select %select_n3A_66, %add3A_65, %select_n3A_67 : i32
      "tpu.trace_stop"() : () -> ()
      %scan3A = arith.constant 0 : i32
      %scan3A_69 = arith.constant 0 : i32
      %scan3A_70 = arith.constant 0 : i32
      %scan3A_71 = arith.constant 0 : i32
      %scan3A_72 = arith.constant 0 : i32
      %scan3A_73 = arith.constant 100 : i32
      %scan3A_74 = arith.addi %scan3A_72, %scan3A_73 : i32
      %scan3A_75 = arith.constant 1 : i32
      %scan3A_76:5 = scf.for %scan3A_130 = %scan3A_72 to %scan3A_74 step %scan3A_75 iter_args(%scan3A_131 = %select_n3A_68, %scan3A_132 = %scan3A, %scan3A_133 = %scan3A_69, %scan3A_134 = %scan3A_70, %scan3A_135 = %scan3A_71) -> (i32, i32, i32, i32, i32)  : i32 {
        %eq3A_136 = arith.constant 0 : i32
        %eq3A_137 = arith.cmpi eq, %scan3A_130, %eq3A_136 : i32
        %eq3A_138 = arith.constant 99 : i32
        %eq3A_139 = arith.cmpi eq, %scan3A_130, %eq3A_138 : i32
        %add3A_140 = arith.addi %scan3A_135, %mul3A_15 : i32
        %sub3A_141 = arith.constant 1 : i32
        %sub3A_142 = arith.subi %scan3A_135, %sub3A_141 : i32
        %select_n3A_143 = arith.constant true
        %select_n3A_144 = arith.select %select_n3A_143, %sub3A_142, %scan3A_135 : i32
        %eq3A_145 = arith.constant -1 : i32
        %eq3A_146 = arith.cmpi eq, %select_n3A_144, %eq3A_145 : i32
        %select_n3A_147 = arith.constant 99 : i32
        %select_n3A_148 = arith.select %eq3A_146, %select_n3A_147, %select_n3A_144 : i32
        %add3A_149 = arith.addi %select_n3A_148, %mul3A_15 : i32
        %add3A_150 = arith.constant 1 : i32
        %add3A_151 = arith.addi %scan3A_135, %add3A_150 : i32
        %select_n3A_152 = arith.constant true
        %select_n3A_153 = arith.select %select_n3A_152, %add3A_151, %scan3A_135 : i32
        %eq3A_154 = arith.constant 100 : i32
        %eq3A_155 = arith.cmpi eq, %select_n3A_153, %eq3A_154 : i32
        %select_n3A_156 = arith.constant 0 : i32
        %select_n3A_157 = arith.select %eq3A_155, %select_n3A_156, %select_n3A_153 : i32
        %add3A_158 = arith.addi %select_n3A_157, %mul3A_15 : i32
        %add3A_159 = arith.constant 1 : i32
        %add3A_160 = arith.addi %select_n3A_157, %add3A_159 : i32
        %select_n3A_161 = arith.constant true
        %select_n3A_162 = arith.select %select_n3A_161, %add3A_160, %select_n3A_157 : i32
        %eq3A_163 = arith.constant 100 : i32
        %eq3A_164 = arith.cmpi eq, %select_n3A_162, %eq3A_163 : i32
        %select_n3A_165 = arith.constant 0 : i32
        %select_n3A_166 = arith.select %eq3A_164, %select_n3A_165, %select_n3A_162 : i32
        %add3A_167 = arith.addi %select_n3A_166, %mul3A_15 : i32
        %ne3A = arith.cmpi ne, %add3A_140, %add3A_158 : i32
        %or3A = arith.constant false
        %or3A_168 = arith.ori %or3A, %ne3A : i1
        %or3A_169 = arith.constant false
        %or3A_170 = arith.ori %or3A_168, %or3A_169 : i1
        %ge3A = arith.constant 99 : i32
        %ge3A_171 = arith.cmpi sge, %scan3A_130, %ge3A : i32
        %not3A = arith.constant true
        %not3A_172 = arith.xori %ge3A_171, %not3A : i1
        %and3A = arith.andi %or3A_170, %not3A_172 : i1
        %convert_element_type3A = arith.extui %and3A : i1 to i32
        %cond3A = arith.constant 0 : i32
        %cond3A_173 = arith.cmpi ne, %convert_element_type3A, %cond3A : i32
        scf.if %cond3A_173 {
          "tpu.trace_start"() <{level = 10 : i32, message = "ep_copy_in"}> : () -> ()
          %rem3A_283 = arith.constant 2 : i32
          %rem3A_284 = arith.remui %scan3A_131, %rem3A_283 : i32
          %mul3A_285 = arith.constant 1 : i32
          %mul3A_286 = arith.muli %mul3A_285, %add3A_158 : i32
          %dma_start3A_287 = arith.constant 0 : i32
          %dma_start3A_288 = arith.constant 0 : i32
          %dma_start3A_289 = tpu.memref_slice %run_scoped3A[%rem3A_284, %dma_start3A_287, %dma_start3A_288] : memref<2x1x128xi32, #tpu.memory_space<vmem>> -> memref<1x1x128xi32, #tpu.memory_space<vmem>>
          %dma_start3A_290 = tpu.memref_squeeze %dma_start3A_289 : memref<1x1x128xi32, #tpu.memory_space<vmem>> -> memref<1x128xi32, #tpu.memory_space<vmem>>
          %dma_start3A_291 = arith.constant 0 : i32
          %dma_start3A_292 = tpu.memref_slice %arg4[%mul3A_286, %dma_start3A_291] : memref<3200x128xi32, #tpu.memory_space<hbm>> -> memref<1x128xi32, #tpu.memory_space<hbm>>
          %dma_start3A_293 = tpu.memref_slice %run_scoped3A_16[%rem3A_284] : memref<2x!tpu.dma_semaphore, #tpu.memory_space<semaphore_mem>> -> memref<1x!tpu.dma_semaphore, #tpu.memory_space<semaphore_mem>>
          %dma_start3A_294 = tpu.memref_squeeze %dma_start3A_293 : memref<1x!tpu.dma_semaphore, #tpu.memory_space<semaphore_mem>> -> memref<!tpu.dma_semaphore, #tpu.memory_space<semaphore_mem>>
          %dma_start3A_295 = arith.constant 0 : i32
          %dma_start3A_296 = arith.constant 0 : i32
          %dma_start3A_297 = tpu.memref_slice %run_scoped3A[%rem3A_284, %dma_start3A_295, %dma_start3A_296] : memref<2x1x128xi32, #tpu.memory_space<vmem>> -> memref<1x1x128xi32, #tpu.memory_space<vmem>>
          %dma_start3A_298 = tpu.memref_squeeze %dma_start3A_297 : memref<1x1x128xi32, #tpu.memory_space<vmem>> -> memref<1x128xi32, #tpu.memory_space<vmem>>
          %dma_start3A_299 = arith.constant 0 : i32
          %dma_start3A_300 = tpu.memref_slice %arg4[%mul3A_286, %dma_start3A_299] : memref<3200x128xi32, #tpu.memory_space<hbm>> -> memref<1x128xi32, #tpu.memory_space<hbm>>
          tpu.enqueue_dma source(%dma_start3A_300 : memref<1x128xi32, #tpu.memory_space<hbm>>) target(%dma_start3A_298 : memref<1x128xi32, #tpu.memory_space<vmem>>) target_semaphore(%dma_start3A_294 : memref<!tpu.dma_semaphore, #tpu.memory_space<semaphore_mem>>)
          "tpu.trace_stop"() : () -> ()
        } else {
        }
        %and3A_174 = arith.constant true
        %and3A_175 = arith.andi %and3A, %and3A_174 : i1
        %add3A_176 = arith.constant 1 : i32
        %add3A_177 = arith.addi %scan3A_131, %add3A_176 : i32
        %select_n3A_178 = arith.select %and3A_175, %add3A_177, %scan3A_131 : i32
        %ne3A_179 = arith.cmpi ne, %add3A_140, %add3A_158 : i32
        %or3A_180 = arith.constant false
        %or3A_181 = arith.ori %or3A_180, %ne3A_179 : i1
        %or3A_182 = arith.constant false
        %or3A_183 = arith.ori %or3A_181, %or3A_182 : i1
        %ge3A_184 = arith.constant 99 : i32
        %ge3A_185 = arith.cmpi sge, %scan3A_130, %ge3A_184 : i32
        %not3A_186 = arith.constant true
        %not3A_187 = arith.xori %ge3A_185, %not3A_186 : i1
        %and3A_188 = arith.andi %or3A_183, %not3A_187 : i1
        %ne3A_189 = arith.cmpi ne, %add3A_140, %add3A_149 : i32
        %or3A_190 = arith.constant false
        %or3A_191 = arith.ori %or3A_190, %ne3A_189 : i1
        %or3A_192 = arith.constant false
        %or3A_193 = arith.ori %or3A_191, %or3A_192 : i1
        %or3A_194 = arith.ori %or3A_193, %eq3A_137 : i1
        %convert_element_type3A_195 = arith.extui %or3A_194 : i1 to i32
        %cond3A_196 = arith.constant 0 : i32
        %cond3A_197 = arith.cmpi ne, %convert_element_type3A_195, %cond3A_196 : i32
        scf.if %cond3A_197 {
          "tpu.trace_start"() <{level = 10 : i32, message = "ep_wait_in"}> : () -> ()
          %mul3A_283 = arith.constant 1 : i32
          %mul3A_284 = arith.muli %mul3A_283, %add3A_140 : i32
          %rem3A_285 = arith.constant 2 : i32
          %rem3A_286 = arith.remui %scan3A_132, %rem3A_285 : i32
          %dma_wait3A_287 = arith.constant 0 : i32
          %dma_wait3A_288 = arith.constant 0 : i32
          %dma_wait3A_289 = tpu.memref_slice %run_scoped3A[%rem3A_286, %dma_wait3A_287, %dma_wait3A_288] : memref<2x1x128xi32, #tpu.memory_space<vmem>> -> memref<1x1x128xi32, #tpu.memory_space<vmem>>
          %dma_wait3A_290 = tpu.memref_squeeze %dma_wait3A_289 : memref<1x1x128xi32, #tpu.memory_space<vmem>> -> memref<1x128xi32, #tpu.memory_space<vmem>>
          %dma_wait3A_291 = arith.constant 0 : i32
          %dma_wait3A_292 = tpu.memref_slice %arg4[%mul3A_284, %dma_wait3A_291] : memref<3200x128xi32, #tpu.memory_space<hbm>> -> memref<1x128xi32, #tpu.memory_space<hbm>>
          %dma_wait3A_293 = tpu.memref_slice %run_scoped3A_16[%rem3A_286] : memref<2x!tpu.dma_semaphore, #tpu.memory_space<semaphore_mem>> -> memref<1x!tpu.dma_semaphore, #tpu.memory_space<semaphore_mem>>
          %dma_wait3A_294 = tpu.memref_squeeze %dma_wait3A_293 : memref<1x!tpu.dma_semaphore, #tpu.memory_space<semaphore_mem>> -> memref<!tpu.dma_semaphore, #tpu.memory_space<semaphore_mem>>
          %dma_wait3A_295 = arith.constant 0 : i32
          %dma_wait3A_296 = arith.constant 0 : i32
          %dma_wait3A_297 = tpu.memref_slice %run_scoped3A[%rem3A_286, %dma_wait3A_295, %dma_wait3A_296] : memref<2x1x128xi32, #tpu.memory_space<vmem>> -> memref<1x1x128xi32, #tpu.memory_space<vmem>>
          %dma_wait3A_298 = tpu.memref_squeeze %dma_wait3A_297 : memref<1x1x128xi32, #tpu.memory_space<vmem>> -> memref<1x128xi32, #tpu.memory_space<vmem>>
          %dma_wait3A_299 = arith.constant 0 : i32
          %dma_wait3A_300 = tpu.memref_slice %arg4[%mul3A_284, %dma_wait3A_299] : memref<3200x128xi32, #tpu.memory_space<hbm>> -> memref<1x128xi32, #tpu.memory_space<hbm>>
          tpu.wait_dma2 semaphore(%dma_wait3A_294 : memref<!tpu.dma_semaphore, #tpu.memory_space<semaphore_mem>>) src(%dma_wait3A_300 : memref<1x128xi32, #tpu.memory_space<hbm>>) dst(%dma_wait3A_298 : memref<1x128xi32, #tpu.memory_space<vmem>>)
          "tpu.trace_stop"() : () -> ()
        } else {
        }
        %ne3A_198 = arith.cmpi ne, %add3A_140, %add3A_149 : i32
        %or3A_199 = arith.constant false
        %or3A_200 = arith.ori %or3A_199, %ne3A_198 : i1
        %or3A_201 = arith.constant false
        %or3A_202 = arith.ori %or3A_200, %or3A_201 : i1
        %or3A_203 = arith.ori %or3A_202, %eq3A_137 : i1
        %convert_element_type3A_204 = arith.extui %or3A_203 : i1 to i32
        %cond3A_205 = arith.constant 0 : i32
        %cond3A_206 = arith.cmpi ne, %convert_element_type3A_204, %cond3A_205 : i32
        scf.if %cond3A_206 {
        } else {
        }
        %rem3A_207 = arith.constant 2 : i32
        %rem3A_208 = arith.remui %scan3A_132, %rem3A_207 : i32
        %rem3A_209 = arith.constant 2 : i32
        %rem3A_210 = arith.remui %scan3A_133, %rem3A_209 : i32
        %run_scoped3A_211 = arith.constant 0 : i32
        "tpu.trace_start"() <{level = 10 : i32, message = "ep_run_kernel"}> : () -> ()
        "tpu.region"() ({
          %run_scoped3A_283 = tpu.sem_alloc : memref<!tpu.dma_semaphore, #tpu.memory_space<semaphore_mem>>
          %dma_start3A_284 = arith.constant 0 : i32
          %dma_start3A_285 = arith.constant 0 : i32
          %dma_start3A_286 = tpu.memref_slice %run_scoped3A_17[%rem3A_210, %dma_start3A_284, %dma_start3A_285] : memref<2x128x64xf32, #tpu.memory_space<vmem>> -> memref<1x128x64xf32, #tpu.memory_space<vmem>>
          %dma_start3A_287 = tpu.memref_squeeze %dma_start3A_286 : memref<1x128x64xf32, #tpu.memory_space<vmem>> -> memref<128x64xf32, #tpu.memory_space<vmem>>
          %dma_start3A_288 = arith.constant 0 : i32
          %dma_start3A_289 = arith.constant 0 : i32
          %dma_start3A_290 = tpu.memref_slice %run_scoped3A[%rem3A_208, %dma_start3A_288, %dma_start3A_289] : memref<2x1x128xi32, #tpu.memory_space<vmem>> -> memref<1x1x128xi32, #tpu.memory_space<vmem>>
          %dma_start3A_291 = tpu.memref_squeeze %dma_start3A_290 : memref<1x1x128xi32, #tpu.memory_space<vmem>> -> memref<1x128xi32, #tpu.memory_space<vmem>>
          %dma_start3A_292 = arith.constant 0 : i32
          %dma_start3A_293 = tpu.memref_slice %dma_start3A_291[%run_scoped3A_211, %dma_start3A_292] : memref<1x128xi32, #tpu.memory_space<vmem>> -> memref<1x128xi32, #tpu.memory_space<vmem>>
          %dma_start3A_294 = tpu.memref_squeeze %dma_start3A_293 : memref<1x128xi32, #tpu.memory_space<vmem>> -> memref<128xi32, #tpu.memory_space<vmem>>
          %dma_start3A_295 = arith.constant 0 : i32
          %dma_start3A_296 = arith.constant 0 : i32
          %dma_start3A_297 = tpu.memref_slice %arg2[%dma_start3A_295, %dma_start3A_296] : memref<1000000x64xf32, #tpu.memory_space<hbm>> -> memref<1000000x64xf32, #tpu.memory_space<hbm>>
          tpu.enqueue_indirect_dma source(%dma_start3A_297 : memref<1000000x64xf32, #tpu.memory_space<hbm>>) target(%dma_start3A_287 : memref<128x64xf32, #tpu.memory_space<vmem>>) offsets(%dma_start3A_294 : memref<128xi32, #tpu.memory_space<vmem>>) semaphore(%run_scoped3A_283 : memref<!tpu.dma_semaphore, #tpu.memory_space<semaphore_mem>>)
          %dma_wait3A_298 = arith.constant 0 : i32
          %dma_wait3A_299 = arith.constant 0 : i32
          %dma_wait3A_300 = tpu.memref_slice %run_scoped3A_17[%rem3A_210, %dma_wait3A_298, %dma_wait3A_299] : memref<2x128x64xf32, #tpu.memory_space<vmem>> -> memref<1x128x64xf32, #tpu.memory_space<vmem>>
          %dma_wait3A_301 = tpu.memref_squeeze %dma_wait3A_300 : memref<1x128x64xf32, #tpu.memory_space<vmem>> -> memref<128x64xf32, #tpu.memory_space<vmem>>
          %dma_wait3A_302 = arith.constant 0 : i32
          %dma_wait3A_303 = arith.constant 0 : i32
          %dma_wait3A_304 = tpu.memref_slice %run_scoped3A[%rem3A_208, %dma_wait3A_302, %dma_wait3A_303] : memref<2x1x128xi32, #tpu.memory_space<vmem>> -> memref<1x1x128xi32, #tpu.memory_space<vmem>>
          %dma_wait3A_305 = tpu.memref_squeeze %dma_wait3A_304 : memref<1x1x128xi32, #tpu.memory_space<vmem>> -> memref<1x128xi32, #tpu.memory_space<vmem>>
          %dma_wait3A_306 = arith.constant 0 : i32
          %dma_wait3A_307 = tpu.memref_slice %dma_wait3A_305[%run_scoped3A_211, %dma_wait3A_306] : memref<1x128xi32, #tpu.memory_space<vmem>> -> memref<1x128xi32, #tpu.memory_space<vmem>>
          %dma_wait3A_308 = tpu.memref_squeeze %dma_wait3A_307 : memref<1x128xi32, #tpu.memory_space<vmem>> -> memref<128xi32, #tpu.memory_space<vmem>>
          %dma_wait3A_309 = arith.constant 0 : i32
          %dma_wait3A_310 = arith.constant 0 : i32
          %dma_wait3A_311 = tpu.memref_slice %arg2[%dma_wait3A_309, %dma_wait3A_310] : memref<1000000x64xf32, #tpu.memory_space<hbm>> -> memref<1000000x64xf32, #tpu.memory_space<hbm>>
          tpu.wait_indirect_dma semaphore(%run_scoped3A_283 : memref<!tpu.dma_semaphore, #tpu.memory_space<semaphore_mem>>) src(%dma_wait3A_311 : memref<1000000x64xf32, #tpu.memory_space<hbm>>) dst(%dma_wait3A_301 : memref<128x64xf32, #tpu.memory_space<vmem>>)
          tpu.yield
        }) : () -> ()
        "tpu.trace_stop"() : () -> ()
        %ne3A_212 = arith.cmpi ne, %add3A_140, %add3A_158 : i32
        %or3A_213 = arith.constant false
        %or3A_214 = arith.ori %or3A_213, %ne3A_212 : i1
        %or3A_215 = arith.constant false
        %or3A_216 = arith.ori %or3A_214, %or3A_215 : i1
        %or3A_217 = arith.ori %or3A_216, %eq3A_139 : i1
        %convert_element_type3A_218 = arith.extui %or3A_217 : i1 to i32
        %cond3A_219 = arith.constant 0 : i32
        %cond3A_220 = arith.cmpi ne, %convert_element_type3A_218, %cond3A_219 : i32
        scf.if %cond3A_220 {
        } else {
        }
        %and3A_221 = arith.constant false
        %and3A_222 = arith.andi %or3A_217, %and3A_221 : i1
        %ne3A_223 = arith.cmpi ne, %add3A_140, %add3A_158 : i32
        %or3A_224 = arith.constant false
        %or3A_225 = arith.ori %or3A_224, %ne3A_223 : i1
        %or3A_226 = arith.constant false
        %or3A_227 = arith.ori %or3A_225, %or3A_226 : i1
        %or3A_228 = arith.ori %or3A_227, %eq3A_139 : i1
        %convert_element_type3A_229 = arith.extui %or3A_228 : i1 to i32
        %cond3A_230 = arith.constant 0 : i32
        %cond3A_231 = arith.cmpi ne, %convert_element_type3A_229, %cond3A_230 : i32
        scf.if %cond3A_231 {
          "tpu.trace_start"() <{level = 10 : i32, message = "ep_copy_out"}> : () -> ()
          %rem3A_283 = arith.constant 2 : i32
          %rem3A_284 = arith.remui %scan3A_133, %rem3A_283 : i32
          %mul3A_285 = arith.constant 128 : i32
          %mul3A_286 = arith.muli %mul3A_285, %add3A_140 : i32
          %dma_start3A_287 = arith.constant 0 : i32
          %dma_start3A_288 = arith.constant 0 : i32
          %dma_start3A_289 = tpu.memref_slice %run_scoped3A_17[%rem3A_284, %dma_start3A_287, %dma_start3A_288] : memref<2x128x64xf32, #tpu.memory_space<vmem>> -> memref<1x128x64xf32, #tpu.memory_space<vmem>>
          %dma_start3A_290 = tpu.memref_squeeze %dma_start3A_289 : memref<1x128x64xf32, #tpu.memory_space<vmem>> -> memref<128x64xf32, #tpu.memory_space<vmem>>
          %dma_start3A_291 = arith.constant 0 : i32
          %dma_start3A_292 = tpu.memref_slice %arg6[%mul3A_286, %dma_start3A_291] : memref<409600x64xf32, #tpu.memory_space<hbm>> -> memref<128x64xf32, #tpu.memory_space<hbm>>
          %dma_start3A_293 = tpu.memref_slice %run_scoped3A_18[%rem3A_284] : memref<2x!tpu.dma_semaphore, #tpu.memory_space<semaphore_mem>> -> memref<1x!tpu.dma_semaphore, #tpu.memory_space<semaphore_mem>>
          %dma_start3A_294 = tpu.memref_squeeze %dma_start3A_293 : memref<1x!tpu.dma_semaphore, #tpu.memory_space<semaphore_mem>> -> memref<!tpu.dma_semaphore, #tpu.memory_space<semaphore_mem>>
          %dma_start3A_295 = arith.constant 0 : i32
          %dma_start3A_296 = tpu.memref_slice %arg6[%mul3A_286, %dma_start3A_295] : memref<409600x64xf32, #tpu.memory_space<hbm>> -> memref<128x64xf32, #tpu.memory_space<hbm>>
          %dma_start3A_297 = arith.constant 0 : i32
          %dma_start3A_298 = arith.constant 0 : i32
          %dma_start3A_299 = tpu.memref_slice %run_scoped3A_17[%rem3A_284, %dma_start3A_297, %dma_start3A_298] : memref<2x128x64xf32, #tpu.memory_space<vmem>> -> memref<1x128x64xf32, #tpu.memory_space<vmem>>
          %dma_start3A_300 = tpu.memref_squeeze %dma_start3A_299 : memref<1x128x64xf32, #tpu.memory_space<vmem>> -> memref<128x64xf32, #tpu.memory_space<vmem>>
          tpu.enqueue_dma source(%dma_start3A_300 : memref<128x64xf32, #tpu.memory_space<vmem>>) target(%dma_start3A_296 : memref<128x64xf32, #tpu.memory_space<hbm>>) target_semaphore(%dma_start3A_294 : memref<!tpu.dma_semaphore, #tpu.memory_space<semaphore_mem>>)
          "tpu.trace_stop"() : () -> ()
        } else {
        }
        %and3A_232 = arith.constant true
        %and3A_233 = arith.andi %or3A_228, %and3A_232 : i1
        %add3A_234 = arith.constant 1 : i32
        %add3A_235 = arith.addi %scan3A_133, %add3A_234 : i32
        %select_n3A_236 = arith.select %and3A_233, %add3A_235, %scan3A_133 : i32
        %ne3A_237 = arith.cmpi ne, %add3A_140, %add3A_149 : i32
        %or3A_238 = arith.constant false
        %or3A_239 = arith.ori %or3A_238, %ne3A_237 : i1
        %or3A_240 = arith.constant false
        %or3A_241 = arith.ori %or3A_239, %or3A_240 : i1
        %not3A_242 = arith.constant true
        %not3A_243 = arith.xori %eq3A_137, %not3A_242 : i1
        %and3A_244 = arith.andi %or3A_241, %not3A_243 : i1
        %convert_element_type3A_245 = arith.extui %and3A_244 : i1 to i32
        %cond3A_246 = arith.constant 0 : i32
        %cond3A_247 = arith.cmpi ne, %convert_element_type3A_245, %cond3A_246 : i32
        scf.if %cond3A_247 {
        } else {
        }
        %and3A_248 = arith.constant false
        %and3A_249 = arith.andi %and3A_244, %and3A_248 : i1
        %ne3A_250 = arith.cmpi ne, %add3A_140, %add3A_149 : i32
        %or3A_251 = arith.constant false
        %or3A_252 = arith.ori %or3A_251, %ne3A_250 : i1
        %or3A_253 = arith.constant false
        %or3A_254 = arith.ori %or3A_252, %or3A_253 : i1
        %not3A_255 = arith.constant true
        %not3A_256 = arith.xori %eq3A_137, %not3A_255 : i1
        %and3A_257 = arith.andi %or3A_254, %not3A_256 : i1
        %convert_element_type3A_258 = arith.extui %and3A_257 : i1 to i32
        %cond3A_259 = arith.constant 0 : i32
        %cond3A_260 = arith.cmpi ne, %convert_element_type3A_258, %cond3A_259 : i32
        scf.if %cond3A_260 {
          "tpu.trace_start"() <{level = 10 : i32, message = "ep_wait_out"}> : () -> ()
          %rem3A_283 = arith.constant 2 : i32
          %rem3A_284 = arith.remui %scan3A_134, %rem3A_283 : i32
          %mul3A_285 = arith.constant 128 : i32
          %mul3A_286 = arith.muli %mul3A_285, %add3A_149 : i32
          %dma_wait3A_287 = arith.constant 0 : i32
          %dma_wait3A_288 = arith.constant 0 : i32
          %dma_wait3A_289 = tpu.memref_slice %run_scoped3A_17[%rem3A_284, %dma_wait3A_287, %dma_wait3A_288] : memref<2x128x64xf32, #tpu.memory_space<vmem>> -> memref<1x128x64xf32, #tpu.memory_space<vmem>>
          %dma_wait3A_290 = tpu.memref_squeeze %dma_wait3A_289 : memref<1x128x64xf32, #tpu.memory_space<vmem>> -> memref<128x64xf32, #tpu.memory_space<vmem>>
          %dma_wait3A_291 = arith.constant 0 : i32
          %dma_wait3A_292 = tpu.memref_slice %arg6[%mul3A_286, %dma_wait3A_291] : memref<409600x64xf32, #tpu.memory_space<hbm>> -> memref<128x64xf32, #tpu.memory_space<hbm>>
          %dma_wait3A_293 = tpu.memref_slice %run_scoped3A_18[%rem3A_284] : memref<2x!tpu.dma_semaphore, #tpu.memory_space<semaphore_mem>> -> memref<1x!tpu.dma_semaphore, #tpu.memory_space<semaphore_mem>>
          %dma_wait3A_294 = tpu.memref_squeeze %dma_wait3A_293 : memref<1x!tpu.dma_semaphore, #tpu.memory_space<semaphore_mem>> -> memref<!tpu.dma_semaphore, #tpu.memory_space<semaphore_mem>>
          %dma_wait3A_295 = arith.constant 0 : i32
          %dma_wait3A_296 = tpu.memref_slice %arg6[%mul3A_286, %dma_wait3A_295] : memref<409600x64xf32, #tpu.memory_space<hbm>> -> memref<128x64xf32, #tpu.memory_space<hbm>>
          %dma_wait3A_297 = arith.constant 0 : i32
          %dma_wait3A_298 = arith.constant 0 : i32
          %dma_wait3A_299 = tpu.memref_slice %run_scoped3A_17[%rem3A_284, %dma_wait3A_297, %dma_wait3A_298] : memref<2x128x64xf32, #tpu.memory_space<vmem>> -> memref<1x128x64xf32, #tpu.memory_space<vmem>>
          %dma_wait3A_300 = tpu.memref_squeeze %dma_wait3A_299 : memref<1x128x64xf32, #tpu.memory_space<vmem>> -> memref<128x64xf32, #tpu.memory_space<vmem>>
          tpu.wait_dma2 semaphore(%dma_wait3A_294 : memref<!tpu.dma_semaphore, #tpu.memory_space<semaphore_mem>>) src(%dma_wait3A_300 : memref<128x64xf32, #tpu.memory_space<vmem>>) dst(%dma_wait3A_296 : memref<128x64xf32, #tpu.memory_space<hbm>>)
          "tpu.trace_stop"() : () -> ()
        } else {
        }
        %and3A_261 = arith.constant true
        %and3A_262 = arith.andi %and3A_257, %and3A_261 : i1
        %add3A_263 = arith.constant 1 : i32
        %add3A_264 = arith.addi %scan3A_134, %add3A_263 : i32
        %select_n3A_265 = arith.select %and3A_262, %add3A_264, %scan3A_134 : i32
        %ne3A_266 = arith.cmpi ne, %add3A_140, %add3A_158 : i32
        %or3A_267 = arith.constant false
        %or3A_268 = arith.ori %or3A_267, %ne3A_266 : i1
        %or3A_269 = arith.constant false
        %or3A_270 = arith.ori %or3A_268, %or3A_269 : i1
        %or3A_271 = arith.ori %or3A_270, %eq3A_139 : i1
        %add3A_272 = arith.constant 1 : i32
        %add3A_273 = arith.addi %scan3A_132, %add3A_272 : i32
        %select_n3A_274 = arith.select %or3A_271, %add3A_273, %scan3A_132 : i32
        %add3A_275 = arith.constant 1 : i32
        %add3A_276 = arith.addi %scan3A_135, %add3A_275 : i32
        %select_n3A_277 = arith.constant true
        %select_n3A_278 = arith.select %select_n3A_277, %add3A_276, %scan3A_135 : i32
        %eq3A_279 = arith.constant 100 : i32
        %eq3A_280 = arith.cmpi eq, %select_n3A_278, %eq3A_279 : i32
        %select_n3A_281 = arith.constant 0 : i32
        %select_n3A_282 = arith.select %eq3A_280, %select_n3A_281, %select_n3A_278 : i32
        scf.yield %select_n3A_178, %select_n3A_274, %select_n3A_236, %select_n3A_265, %select_n3A_282 : i32, i32, i32, i32, i32
      }
      %scan3A_77 = arith.constant 100 : i32
      %sub3A = arith.constant 1 : i32
      %sub3A_78 = arith.subi %scan3A_76#4, %sub3A : i32
      %select_n3A_79 = arith.constant true
      %select_n3A_80 = arith.select %select_n3A_79, %sub3A_78, %scan3A_76#4 : i32
      %eq3A_81 = arith.constant -1 : i32
      %eq3A_82 = arith.cmpi eq, %select_n3A_80, %eq3A_81 : i32
      %select_n3A_83 = arith.constant 99 : i32
      %select_n3A_84 = arith.select %eq3A_82, %select_n3A_83, %select_n3A_80 : i32
      %add3A_85 = arith.addi %select_n3A_84, %mul3A_15 : i32
      %sub3A_86 = arith.constant 1 : i32
      %sub3A_87 = arith.subi %select_n3A_84, %sub3A_86 : i32
      %select_n3A_88 = arith.constant true
      %select_n3A_89 = arith.select %select_n3A_88, %sub3A_87, %select_n3A_84 : i32
      %eq3A_90 = arith.constant -1 : i32
      %eq3A_91 = arith.cmpi eq, %select_n3A_89, %eq3A_90 : i32
      %select_n3A_92 = arith.constant 99 : i32
      %select_n3A_93 = arith.select %eq3A_91, %select_n3A_92, %select_n3A_89 : i32
      %add3A_94 = arith.addi %select_n3A_93, %mul3A_15 : i32
      %add3A_95 = arith.constant 1 : i32
      %add3A_96 = arith.addi %select_n3A_84, %add3A_95 : i32
      %select_n3A_97 = arith.constant true
      %select_n3A_98 = arith.select %select_n3A_97, %add3A_96, %select_n3A_84 : i32
      %eq3A_99 = arith.constant 100 : i32
      %eq3A_100 = arith.cmpi eq, %select_n3A_98, %eq3A_99 : i32
      %select_n3A_101 = arith.constant 0 : i32
      %select_n3A_102 = arith.select %eq3A_100, %select_n3A_101, %select_n3A_98 : i32
      %add3A_103 = arith.addi %select_n3A_102, %mul3A_15 : i32
      %add3A_104 = arith.constant 1 : i32
      %add3A_105 = arith.addi %select_n3A_102, %add3A_104 : i32
      %select_n3A_106 = arith.constant true
      %select_n3A_107 = arith.select %select_n3A_106, %add3A_105, %select_n3A_102 : i32
      %eq3A_108 = arith.constant 100 : i32
      %eq3A_109 = arith.cmpi eq, %select_n3A_107, %eq3A_108 : i32
      %select_n3A_110 = arith.constant 0 : i32
      %select_n3A_111 = arith.select %eq3A_109, %select_n3A_110, %select_n3A_107 : i32
      %add3A_112 = arith.addi %select_n3A_111, %mul3A_15 : i32
      "tpu.trace_start"() <{level = 10 : i32, message = "ep_finalize"}> : () -> ()
      %rem3A_113 = arith.constant 2 : i32
      %rem3A_114 = arith.remui %scan3A_76#3, %rem3A_113 : i32
      %mul3A_115 = arith.constant 128 : i32
      %mul3A_116 = arith.muli %mul3A_115, %add3A_85 : i32
      %dma_wait3A = arith.constant 0 : i32
      %dma_wait3A_117 = arith.constant 0 : i32
      %dma_wait3A_118 = tpu.memref_slice %run_scoped3A_17[%rem3A_114, %dma_wait3A, %dma_wait3A_117] : memref<2x128x64xf32, #tpu.memory_space<vmem>> -> memref<1x128x64xf32, #tpu.memory_space<vmem>>
      %dma_wait3A_119 = tpu.memref_squeeze %dma_wait3A_118 : memref<1x128x64xf32, #tpu.memory_space<vmem>> -> memref<128x64xf32, #tpu.memory_space<vmem>>
      %dma_wait3A_120 = arith.constant 0 : i32
      %dma_wait3A_121 = tpu.memref_slice %arg6[%mul3A_116, %dma_wait3A_120] : memref<409600x64xf32, #tpu.memory_space<hbm>> -> memref<128x64xf32, #tpu.memory_space<hbm>>
      %dma_wait3A_122 = tpu.memref_slice %run_scoped3A_18[%rem3A_114] : memref<2x!tpu.dma_semaphore, #tpu.memory_space<semaphore_mem>> -> memref<1x!tpu.dma_semaphore, #tpu.memory_space<semaphore_mem>>
      %dma_wait3A_123 = tpu.memref_squeeze %dma_wait3A_122 : memref<1x!tpu.dma_semaphore, #tpu.memory_space<semaphore_mem>> -> memref<!tpu.dma_semaphore, #tpu.memory_space<semaphore_mem>>
      %dma_wait3A_124 = arith.constant 0 : i32
      %dma_wait3A_125 = tpu.memref_slice %arg6[%mul3A_116, %dma_wait3A_124] : memref<409600x64xf32, #tpu.memory_space<hbm>> -> memref<128x64xf32, #tpu.memory_space<hbm>>
      %dma_wait3A_126 = arith.constant 0 : i32
      %dma_wait3A_127 = arith.constant 0 : i32
      %dma_wait3A_128 = tpu.memref_slice %run_scoped3A_17[%rem3A_114, %dma_wait3A_126, %dma_wait3A_127] : memref<2x128x64xf32, #tpu.memory_space<vmem>> -> memref<1x128x64xf32, #tpu.memory_space<vmem>>
      %dma_wait3A_129 = tpu.memref_squeeze %dma_wait3A_128 : memref<1x128x64xf32, #tpu.memory_space<vmem>> -> memref<128x64xf32, #tpu.memory_space<vmem>>
      tpu.wait_dma2 semaphore(%dma_wait3A_123 : memref<!tpu.dma_semaphore, #tpu.memory_space<semaphore_mem>>) src(%dma_wait3A_129 : memref<128x64xf32, #tpu.memory_space<vmem>>) dst(%dma_wait3A_125 : memref<128x64xf32, #tpu.memory_space<hbm>>)
      "tpu.trace_stop"() : () -> ()
      tpu.yield
    }) : () -> ()
    return
  }
}

#map = affine_map<(d0, d1) -> (0, 0)>
module attributes {stable_mosaic.version = 14 : i64} {
  func.func @gather_kernel(%arg0: i32, %arg1: i32, %arg2: memref<1000000x64xf32, #tpu.memory_space<hbm>>, %arg3: memref<320x128xi32, #tpu.memory_space<hbm>>, %arg4: memref<3200x128xi32, #tpu.memory_space<hbm>>, %arg5: memref<40960x64xf32, #tpu.memory_space<hbm>>, %arg6: memref<409600x64xf32, #tpu.memory_space<hbm>>) attributes {dimension_semantics = [#tpu.dimension_semantics<core_parallel>, #tpu.dimension_semantics<subcore_parallel>], iteration_bounds = array<i64: 2, 16>, scalar_prefetch = 0 : i64, scratch_operands = 0 : i64, tpu.core_type = #tpu.core_type<sc_vector_subcore>, window_params = [{transform_indices = #map}, {transform_indices = #map}, {transform_indices = #map}, {transform_indices = #map}, {transform_indices = #map}]} {
    %mul3A = arith.constant 1 : i32
    %mul3A_0 = arith.muli %arg1, %mul3A : i32
    %add3A = arith.constant 0 : i32
    %add3A_1 = arith.addi %add3A, %mul3A_0 : i32
    %mul3A_2 = arith.constant 16 : i32
    %mul3A_3 = arith.muli %arg0, %mul3A_2 : i32
    %add3A_4 = arith.addi %add3A_1, %mul3A_3 : i32
    %mul3A_5 = arith.constant 10 : i32
    %mul3A_6 = arith.muli %add3A_4, %mul3A_5 : i32
    "tpu.region"() ({
      %run_scoped3A = memref.alloca() : memref<2x1x128xi32, #tpu.memory_space<vmem>>
      %run_scoped3A_16 = tpu.sem_alloc : memref<2x!tpu.dma_semaphore, #tpu.memory_space<semaphore_mem>>
      %run_scoped3A_17 = memref.alloca() : memref<2x128x64xf32, #tpu.memory_space<vmem>>
      %run_scoped3A_18 = tpu.sem_alloc : memref<2x!tpu.dma_semaphore, #tpu.memory_space<semaphore_mem>>
      %add3A_19 = arith.constant 0 : i32
      %add3A_20 = arith.addi %add3A_19, %mul3A_6 : i32
      %select_n3A = arith.constant true
      %select_n3A_21 = arith.constant 0 : i32
      %select_n3A_22 = arith.constant -1 : i32
      %select_n3A_23 = arith.select %select_n3A, %select_n3A_22, %select_n3A_21 : i32
      %eq3A = arith.constant -1 : i32
      %eq3A_24 = arith.cmpi eq, %select_n3A_23, %eq3A : i32
      %select_n3A_25 = arith.constant 9 : i32
      %select_n3A_26 = arith.select %eq3A_24, %select_n3A_25, %select_n3A_23 : i32
      %add3A_27 = arith.addi %select_n3A_26, %mul3A_6 : i32
      %select_n3A_28 = arith.constant true
      %select_n3A_29 = arith.constant 0 : i32
      %select_n3A_30 = arith.constant 1 : i32
      %select_n3A_31 = arith.select %select_n3A_28, %select_n3A_30, %select_n3A_29 : i32
      %eq3A_32 = arith.constant 10 : i32
      %eq3A_33 = arith.cmpi eq, %select_n3A_31, %eq3A_32 : i32
      %select_n3A_34 = arith.constant 0 : i32
      %select_n3A_35 = arith.select %eq3A_33, %select_n3A_34, %select_n3A_31 : i32
      %add3A_36 = arith.addi %select_n3A_35, %mul3A_6 : i32
      %add3A_37 = arith.constant 1 : i32
      %add3A_38 = arith.addi %select_n3A_35, %add3A_37 : i32
      %select_n3A_39 = arith.constant true
      %select_n3A_40 = arith.select %select_n3A_39, %add3A_38, %select_n3A_35 : i32
      %eq3A_41 = arith.constant 10 : i32
      %eq3A_42 = arith.cmpi eq, %select_n3A_40, %eq3A_41 : i32
      %select_n3A_43 = arith.constant 0 : i32
      %select_n3A_44 = arith.select %eq3A_42, %select_n3A_43, %select_n3A_40 : i32
      %add3A_45 = arith.addi %select_n3A_44, %mul3A_6 : i32
      "tpu.trace_start"() <{level = 10 : i32, message = "ep_initialize_0"}> : () -> ()
      %rem3A = arith.constant 0 : i32
      %rem3A_46 = arith.constant 2 : i32
      %rem3A_47 = arith.remui %rem3A, %rem3A_46 : i32
      %mul3A_48 = arith.constant 1 : i32
      %mul3A_49 = arith.muli %mul3A_48, %add3A_20 : i32
      %dma_start3A = arith.constant 0 : i32
      %dma_start3A_50 = arith.constant 0 : i32
      %dma_start3A_51 = tpu.memref_slice %run_scoped3A[%rem3A_47, %dma_start3A, %dma_start3A_50] : memref<2x1x128xi32, #tpu.memory_space<vmem>> -> memref<1x1x128xi32, #tpu.memory_space<vmem>>
      %dma_start3A_52 = tpu.memref_squeeze %dma_start3A_51 : memref<1x1x128xi32, #tpu.memory_space<vmem>> -> memref<1x128xi32, #tpu.memory_space<vmem>>
      %dma_start3A_53 = arith.constant 0 : i32
      %dma_start3A_54 = tpu.memref_slice %arg3[%mul3A_49, %dma_start3A_53] : memref<320x128xi32, #tpu.memory_space<hbm>> -> memref<1x128xi32, #tpu.memory_space<hbm>>
      %dma_start3A_55 = tpu.memref_slice %run_scoped3A_16[%rem3A_47] : memref<2x!tpu.dma_semaphore, #tpu.memory_space<semaphore_mem>> -> memref<1x!tpu.dma_semaphore, #tpu.memory_space<semaphore_mem>>
      %dma_start3A_56 = tpu.memref_squeeze %dma_start3A_55 : memref<1x!tpu.dma_semaphore, #tpu.memory_space<semaphore_mem>> -> memref<!tpu.dma_semaphore, #tpu.memory_space<semaphore_mem>>
      %dma_start3A_57 = arith.constant 0 : i32
      %dma_start3A_58 = arith.constant 0 : i32
      %dma_start3A_59 = tpu.memref_slice %run_scoped3A[%rem3A_47, %dma_start3A_57, %dma_start3A_58] : memref<2x1x128xi32, #tpu.memory_space<vmem>> -> memref<1x1x128xi32, #tpu.memory_space<vmem>>
      %dma_start3A_60 = tpu.memref_squeeze %dma_start3A_59 : memref<1x1x128xi32, #tpu.memory_space<vmem>> -> memref<1x128xi32, #tpu.memory_space<vmem>>
      %dma_start3A_61 = arith.constant 0 : i32
      %dma_start3A_62 = tpu.memref_slice %arg3[%mul3A_49, %dma_start3A_61] : memref<320x128xi32, #tpu.memory_space<hbm>> -> memref<1x128xi32, #tpu.memory_space<hbm>>
      tpu.enqueue_dma source(%dma_start3A_62 : memref<1x128xi32, #tpu.memory_space<hbm>>) target(%dma_start3A_60 : memref<1x128xi32, #tpu.memory_space<vmem>>) target_semaphore(%dma_start3A_56 : memref<!tpu.dma_semaphore, #tpu.memory_space<semaphore_mem>>)
      %add3A_63 = arith.constant 0 : i32
      %add3A_64 = arith.constant 1 : i32
      %add3A_65 = arith.addi %add3A_63, %add3A_64 : i32
      %select_n3A_66 = arith.constant true
      %select_n3A_67 = arith.constant 0 : i32
      %select_n3A_68 = arith.select %select_n3A_66, %add3A_65, %select_n3A_67 : i32
      "tpu.trace_stop"() : () -> ()
      %scan3A = arith.constant 0 : i32
      %scan3A_69 = arith.constant 0 : i32
      %scan3A_70 = arith.constant 0 : i32
      %scan3A_71 = arith.constant 0 : i32
      %scan3A_72 = arith.constant 0 : i32
      %scan3A_73 = arith.constant 10 : i32
      %scan3A_74 = arith.addi %scan3A_72, %scan3A_73 : i32
      %scan3A_75 = arith.constant 1 : i32
      %scan3A_76:5 = scf.for %scan3A_130 = %scan3A_72 to %scan3A_74 step %scan3A_75 iter_args(%scan3A_131 = %select_n3A_68, %scan3A_132 = %scan3A, %scan3A_133 = %scan3A_69, %scan3A_134 = %scan3A_70, %scan3A_135 = %scan3A_71) -> (i32, i32, i32, i32, i32)  : i32 {
        %eq3A_136 = arith.constant 0 : i32
        %eq3A_137 = arith.cmpi eq, %scan3A_130, %eq3A_136 : i32
        %eq3A_138 = arith.constant 9 : i32
        %eq3A_139 = arith.cmpi eq, %scan3A_130, %eq3A_138 : i32
        %add3A_140 = arith.addi %scan3A_135, %mul3A_6 : i32
        %sub3A_141 = arith.constant 1 : i32
        %sub3A_142 = arith.subi %scan3A_135, %sub3A_141 : i32
        %select_n3A_143 = arith.constant true
        %select_n3A_144 = arith.select %select_n3A_143, %sub3A_142, %scan3A_135 : i32
        %eq3A_145 = arith.constant -1 : i32
        %eq3A_146 = arith.cmpi eq, %select_n3A_144, %eq3A_145 : i32
        %select_n3A_147 = arith.constant 9 : i32
        %select_n3A_148 = arith.select %eq3A_146, %select_n3A_147, %select_n3A_144 : i32
        %add3A_149 = arith.addi %select_n3A_148, %mul3A_6 : i32
        %add3A_150 = arith.constant 1 : i32
        %add3A_151 = arith.addi %scan3A_135, %add3A_150 : i32
        %select_n3A_152 = arith.constant true
        %select_n3A_153 = arith.select %select_n3A_152, %add3A_151, %scan3A_135 : i32
        %eq3A_154 = arith.constant 10 : i32
        %eq3A_155 = arith.cmpi eq, %select_n3A_153, %eq3A_154 : i32
        %select_n3A_156 = arith.constant 0 : i32
        %select_n3A_157 = arith.select %eq3A_155, %select_n3A_156, %select_n3A_153 : i32
        %add3A_158 = arith.addi %select_n3A_157, %mul3A_6 : i32
        %add3A_159 = arith.constant 1 : i32
        %add3A_160 = arith.addi %select_n3A_157, %add3A_159 : i32
        %select_n3A_161 = arith.constant true
        %select_n3A_162 = arith.select %select_n3A_161, %add3A_160, %select_n3A_157 : i32
        %eq3A_163 = arith.constant 10 : i32
        %eq3A_164 = arith.cmpi eq, %select_n3A_162, %eq3A_163 : i32
        %select_n3A_165 = arith.constant 0 : i32
        %select_n3A_166 = arith.select %eq3A_164, %select_n3A_165, %select_n3A_162 : i32
        %add3A_167 = arith.addi %select_n3A_166, %mul3A_6 : i32
        %ne3A = arith.cmpi ne, %add3A_140, %add3A_158 : i32
        %or3A = arith.constant false
        %or3A_168 = arith.ori %or3A, %ne3A : i1
        %or3A_169 = arith.constant false
        %or3A_170 = arith.ori %or3A_168, %or3A_169 : i1
        %ge3A = arith.constant 9 : i32
        %ge3A_171 = arith.cmpi sge, %scan3A_130, %ge3A : i32
        %not3A = arith.constant true
        %not3A_172 = arith.xori %ge3A_171, %not3A : i1
        %and3A = arith.andi %or3A_170, %not3A_172 : i1
        %convert_element_type3A = arith.extui %and3A : i1 to i32
        %cond3A = arith.constant 0 : i32
        %cond3A_173 = arith.cmpi ne, %convert_element_type3A, %cond3A : i32
        scf.if %cond3A_173 {
          "tpu.trace_start"() <{level = 10 : i32, message = "ep_copy_in"}> : () -> ()
          %rem3A_283 = arith.constant 2 : i32
          %rem3A_284 = arith.remui %scan3A_131, %rem3A_283 : i32
          %mul3A_285 = arith.constant 1 : i32
          %mul3A_286 = arith.muli %mul3A_285, %add3A_158 : i32
          %dma_start3A_287 = arith.constant 0 : i32
          %dma_start3A_288 = arith.constant 0 : i32
          %dma_start3A_289 = tpu.memref_slice %run_scoped3A[%rem3A_284, %dma_start3A_287, %dma_start3A_288] : memref<2x1x128xi32, #tpu.memory_space<vmem>> -> memref<1x1x128xi32, #tpu.memory_space<vmem>>
          %dma_start3A_290 = tpu.memref_squeeze %dma_start3A_289 : memref<1x1x128xi32, #tpu.memory_space<vmem>> -> memref<1x128xi32, #tpu.memory_space<vmem>>
          %dma_start3A_291 = arith.constant 0 : i32
          %dma_start3A_292 = tpu.memref_slice %arg3[%mul3A_286, %dma_start3A_291] : memref<320x128xi32, #tpu.memory_space<hbm>> -> memref<1x128xi32, #tpu.memory_space<hbm>>
          %dma_start3A_293 = tpu.memref_slice %run_scoped3A_16[%rem3A_284] : memref<2x!tpu.dma_semaphore, #tpu.memory_space<semaphore_mem>> -> memref<1x!tpu.dma_semaphore, #tpu.memory_space<semaphore_mem>>
          %dma_start3A_294 = tpu.memref_squeeze %dma_start3A_293 : memref<1x!tpu.dma_semaphore, #tpu.memory_space<semaphore_mem>> -> memref<!tpu.dma_semaphore, #tpu.memory_space<semaphore_mem>>
          %dma_start3A_295 = arith.constant 0 : i32
          %dma_start3A_296 = arith.constant 0 : i32
          %dma_start3A_297 = tpu.memref_slice %run_scoped3A[%rem3A_284, %dma_start3A_295, %dma_start3A_296] : memref<2x1x128xi32, #tpu.memory_space<vmem>> -> memref<1x1x128xi32, #tpu.memory_space<vmem>>
          %dma_start3A_298 = tpu.memref_squeeze %dma_start3A_297 : memref<1x1x128xi32, #tpu.memory_space<vmem>> -> memref<1x128xi32, #tpu.memory_space<vmem>>
          %dma_start3A_299 = arith.constant 0 : i32
          %dma_start3A_300 = tpu.memref_slice %arg3[%mul3A_286, %dma_start3A_299] : memref<320x128xi32, #tpu.memory_space<hbm>> -> memref<1x128xi32, #tpu.memory_space<hbm>>
          tpu.enqueue_dma source(%dma_start3A_300 : memref<1x128xi32, #tpu.memory_space<hbm>>) target(%dma_start3A_298 : memref<1x128xi32, #tpu.memory_space<vmem>>) target_semaphore(%dma_start3A_294 : memref<!tpu.dma_semaphore, #tpu.memory_space<semaphore_mem>>)
          "tpu.trace_stop"() : () -> ()
        } else {
        }
        %and3A_174 = arith.constant true
        %and3A_175 = arith.andi %and3A, %and3A_174 : i1
        %add3A_176 = arith.constant 1 : i32
        %add3A_177 = arith.addi %scan3A_131, %add3A_176 : i32
        %select_n3A_178 = arith.select %and3A_175, %add3A_177, %scan3A_131 : i32
        %ne3A_179 = arith.cmpi ne, %add3A_140, %add3A_158 : i32
        %or3A_180 = arith.constant false
        %or3A_181 = arith.ori %or3A_180, %ne3A_179 : i1
        %or3A_182 = arith.constant false
        %or3A_183 = arith.ori %or3A_181, %or3A_182 : i1
        %ge3A_184 = arith.constant 9 : i32
        %ge3A_185 = arith.cmpi sge, %scan3A_130, %ge3A_184 : i32
        %not3A_186 = arith.constant true
        %not3A_187 = arith.xori %ge3A_185, %not3A_186 : i1
        %and3A_188 = arith.andi %or3A_183, %not3A_187 : i1
        %ne3A_189 = arith.cmpi ne, %add3A_140, %add3A_149 : i32
        %or3A_190 = arith.constant false
        %or3A_191 = arith.ori %or3A_190, %ne3A_189 : i1
        %or3A_192 = arith.constant false
        %or3A_193 = arith.ori %or3A_191, %or3A_192 : i1
        %or3A_194 = arith.ori %or3A_193, %eq3A_137 : i1
        %convert_element_type3A_195 = arith.extui %or3A_194 : i1 to i32
        %cond3A_196 = arith.constant 0 : i32
        %cond3A_197 = arith.cmpi ne, %convert_element_type3A_195, %cond3A_196 : i32
        scf.if %cond3A_197 {
          "tpu.trace_start"() <{level = 10 : i32, message = "ep_wait_in"}> : () -> ()
          %mul3A_283 = arith.constant 1 : i32
          %mul3A_284 = arith.muli %mul3A_283, %add3A_140 : i32
          %rem3A_285 = arith.constant 2 : i32
          %rem3A_286 = arith.remui %scan3A_132, %rem3A_285 : i32
          %dma_wait3A_287 = arith.constant 0 : i32
          %dma_wait3A_288 = arith.constant 0 : i32
          %dma_wait3A_289 = tpu.memref_slice %run_scoped3A[%rem3A_286, %dma_wait3A_287, %dma_wait3A_288] : memref<2x1x128xi32, #tpu.memory_space<vmem>> -> memref<1x1x128xi32, #tpu.memory_space<vmem>>
          %dma_wait3A_290 = tpu.memref_squeeze %dma_wait3A_289 : memref<1x1x128xi32, #tpu.memory_space<vmem>> -> memref<1x128xi32, #tpu.memory_space<vmem>>
          %dma_wait3A_291 = arith.constant 0 : i32
          %dma_wait3A_292 = tpu.memref_slice %arg3[%mul3A_284, %dma_wait3A_291] : memref<320x128xi32, #tpu.memory_space<hbm>> -> memref<1x128xi32, #tpu.memory_space<hbm>>
          %dma_wait3A_293 = tpu.memref_slice %run_scoped3A_16[%rem3A_286] : memref<2x!tpu.dma_semaphore, #tpu.memory_space<semaphore_mem>> -> memref<1x!tpu.dma_semaphore, #tpu.memory_space<semaphore_mem>>
          %dma_wait3A_294 = tpu.memref_squeeze %dma_wait3A_293 : memref<1x!tpu.dma_semaphore, #tpu.memory_space<semaphore_mem>> -> memref<!tpu.dma_semaphore, #tpu.memory_space<semaphore_mem>>
          %dma_wait3A_295 = arith.constant 0 : i32
          %dma_wait3A_296 = arith.constant 0 : i32
          %dma_wait3A_297 = tpu.memref_slice %run_scoped3A[%rem3A_286, %dma_wait3A_295, %dma_wait3A_296] : memref<2x1x128xi32, #tpu.memory_space<vmem>> -> memref<1x1x128xi32, #tpu.memory_space<vmem>>
          %dma_wait3A_298 = tpu.memref_squeeze %dma_wait3A_297 : memref<1x1x128xi32, #tpu.memory_space<vmem>> -> memref<1x128xi32, #tpu.memory_space<vmem>>
          %dma_wait3A_299 = arith.constant 0 : i32
          %dma_wait3A_300 = tpu.memref_slice %arg3[%mul3A_284, %dma_wait3A_299] : memref<320x128xi32, #tpu.memory_space<hbm>> -> memref<1x128xi32, #tpu.memory_space<hbm>>
          tpu.wait_dma2 semaphore(%dma_wait3A_294 : memref<!tpu.dma_semaphore, #tpu.memory_space<semaphore_mem>>) src(%dma_wait3A_300 : memref<1x128xi32, #tpu.memory_space<hbm>>) dst(%dma_wait3A_298 : memref<1x128xi32, #tpu.memory_space<vmem>>)
          "tpu.trace_stop"() : () -> ()
        } else {
        }
        %ne3A_198 = arith.cmpi ne, %add3A_140, %add3A_149 : i32
        %or3A_199 = arith.constant false
        %or3A_200 = arith.ori %or3A_199, %ne3A_198 : i1
        %or3A_201 = arith.constant false
        %or3A_202 = arith.ori %or3A_200, %or3A_201 : i1
        %or3A_203 = arith.ori %or3A_202, %eq3A_137 : i1
        %convert_element_type3A_204 = arith.extui %or3A_203 : i1 to i32
        %cond3A_205 = arith.constant 0 : i32
        %cond3A_206 = arith.cmpi ne, %convert_element_type3A_204, %cond3A_205 : i32
        scf.if %cond3A_206 {
        } else {
        }
        %rem3A_207 = arith.constant 2 : i32
        %rem3A_208 = arith.remui %scan3A_132, %rem3A_207 : i32
        %rem3A_209 = arith.constant 2 : i32
        %rem3A_210 = arith.remui %scan3A_133, %rem3A_209 : i32
        %run_scoped3A_211 = arith.constant 0 : i32
        "tpu.trace_start"() <{level = 10 : i32, message = "ep_run_kernel"}> : () -> ()
        "tpu.region"() ({
          %run_scoped3A_283 = tpu.sem_alloc : memref<!tpu.dma_semaphore, #tpu.memory_space<semaphore_mem>>
          %dma_start3A_284 = arith.constant 0 : i32
          %dma_start3A_285 = arith.constant 0 : i32
          %dma_start3A_286 = tpu.memref_slice %run_scoped3A_17[%rem3A_210, %dma_start3A_284, %dma_start3A_285] : memref<2x128x64xf32, #tpu.memory_space<vmem>> -> memref<1x128x64xf32, #tpu.memory_space<vmem>>
          %dma_start3A_287 = tpu.memref_squeeze %dma_start3A_286 : memref<1x128x64xf32, #tpu.memory_space<vmem>> -> memref<128x64xf32, #tpu.memory_space<vmem>>
          %dma_start3A_288 = arith.constant 0 : i32
          %dma_start3A_289 = arith.constant 0 : i32
          %dma_start3A_290 = tpu.memref_slice %run_scoped3A[%rem3A_208, %dma_start3A_288, %dma_start3A_289] : memref<2x1x128xi32, #tpu.memory_space<vmem>> -> memref<1x1x128xi32, #tpu.memory_space<vmem>>
          %dma_start3A_291 = tpu.memref_squeeze %dma_start3A_290 : memref<1x1x128xi32, #tpu.memory_space<vmem>> -> memref<1x128xi32, #tpu.memory_space<vmem>>
          %dma_start3A_292 = arith.constant 0 : i32
          %dma_start3A_293 = tpu.memref_slice %dma_start3A_291[%run_scoped3A_211, %dma_start3A_292] : memref<1x128xi32, #tpu.memory_space<vmem>> -> memref<1x128xi32, #tpu.memory_space<vmem>>
          %dma_start3A_294 = tpu.memref_squeeze %dma_start3A_293 : memref<1x128xi32, #tpu.memory_space<vmem>> -> memref<128xi32, #tpu.memory_space<vmem>>
          %dma_start3A_295 = arith.constant 0 : i32
          %dma_start3A_296 = arith.constant 0 : i32
          %dma_start3A_297 = tpu.memref_slice %arg2[%dma_start3A_295, %dma_start3A_296] : memref<1000000x64xf32, #tpu.memory_space<hbm>> -> memref<1000000x64xf32, #tpu.memory_space<hbm>>
          tpu.enqueue_indirect_dma source(%dma_start3A_297 : memref<1000000x64xf32, #tpu.memory_space<hbm>>) target(%dma_start3A_287 : memref<128x64xf32, #tpu.memory_space<vmem>>) offsets(%dma_start3A_294 : memref<128xi32, #tpu.memory_space<vmem>>) semaphore(%run_scoped3A_283 : memref<!tpu.dma_semaphore, #tpu.memory_space<semaphore_mem>>)
          %dma_wait3A_298 = arith.constant 0 : i32
          %dma_wait3A_299 = arith.constant 0 : i32
          %dma_wait3A_300 = tpu.memref_slice %run_scoped3A_17[%rem3A_210, %dma_wait3A_298, %dma_wait3A_299] : memref<2x128x64xf32, #tpu.memory_space<vmem>> -> memref<1x128x64xf32, #tpu.memory_space<vmem>>
          %dma_wait3A_301 = tpu.memref_squeeze %dma_wait3A_300 : memref<1x128x64xf32, #tpu.memory_space<vmem>> -> memref<128x64xf32, #tpu.memory_space<vmem>>
          %dma_wait3A_302 = arith.constant 0 : i32
          %dma_wait3A_303 = arith.constant 0 : i32
          %dma_wait3A_304 = tpu.memref_slice %run_scoped3A[%rem3A_208, %dma_wait3A_302, %dma_wait3A_303] : memref<2x1x128xi32, #tpu.memory_space<vmem>> -> memref<1x1x128xi32, #tpu.memory_space<vmem>>
          %dma_wait3A_305 = tpu.memref_squeeze %dma_wait3A_304 : memref<1x1x128xi32, #tpu.memory_space<vmem>> -> memref<1x128xi32, #tpu.memory_space<vmem>>
          %dma_wait3A_306 = arith.constant 0 : i32
          %dma_wait3A_307 = tpu.memref_slice %dma_wait3A_305[%run_scoped3A_211, %dma_wait3A_306] : memref<1x128xi32, #tpu.memory_space<vmem>> -> memref<1x128xi32, #tpu.memory_space<vmem>>
          %dma_wait3A_308 = tpu.memref_squeeze %dma_wait3A_307 : memref<1x128xi32, #tpu.memory_space<vmem>> -> memref<128xi32, #tpu.memory_space<vmem>>
          %dma_wait3A_309 = arith.constant 0 : i32
          %dma_wait3A_310 = arith.constant 0 : i32
          %dma_wait3A_311 = tpu.memref_slice %arg2[%dma_wait3A_309, %dma_wait3A_310] : memref<1000000x64xf32, #tpu.memory_space<hbm>> -> memref<1000000x64xf32, #tpu.memory_space<hbm>>
          tpu.wait_indirect_dma semaphore(%run_scoped3A_283 : memref<!tpu.dma_semaphore, #tpu.memory_space<semaphore_mem>>) src(%dma_wait3A_311 : memref<1000000x64xf32, #tpu.memory_space<hbm>>) dst(%dma_wait3A_301 : memref<128x64xf32, #tpu.memory_space<vmem>>)
          tpu.yield
        }) : () -> ()
        "tpu.trace_stop"() : () -> ()
        %ne3A_212 = arith.cmpi ne, %add3A_140, %add3A_158 : i32
        %or3A_213 = arith.constant false
        %or3A_214 = arith.ori %or3A_213, %ne3A_212 : i1
        %or3A_215 = arith.constant false
        %or3A_216 = arith.ori %or3A_214, %or3A_215 : i1
        %or3A_217 = arith.ori %or3A_216, %eq3A_139 : i1
        %convert_element_type3A_218 = arith.extui %or3A_217 : i1 to i32
        %cond3A_219 = arith.constant 0 : i32
        %cond3A_220 = arith.cmpi ne, %convert_element_type3A_218, %cond3A_219 : i32
        scf.if %cond3A_220 {
        } else {
        }
        %and3A_221 = arith.constant false
        %and3A_222 = arith.andi %or3A_217, %and3A_221 : i1
        %ne3A_223 = arith.cmpi ne, %add3A_140, %add3A_158 : i32
        %or3A_224 = arith.constant false
        %or3A_225 = arith.ori %or3A_224, %ne3A_223 : i1
        %or3A_226 = arith.constant false
        %or3A_227 = arith.ori %or3A_225, %or3A_226 : i1
        %or3A_228 = arith.ori %or3A_227, %eq3A_139 : i1
        %convert_element_type3A_229 = arith.extui %or3A_228 : i1 to i32
        %cond3A_230 = arith.constant 0 : i32
        %cond3A_231 = arith.cmpi ne, %convert_element_type3A_229, %cond3A_230 : i32
        scf.if %cond3A_231 {
          "tpu.trace_start"() <{level = 10 : i32, message = "ep_copy_out"}> : () -> ()
          %rem3A_283 = arith.constant 2 : i32
          %rem3A_284 = arith.remui %scan3A_133, %rem3A_283 : i32
          %mul3A_285 = arith.constant 128 : i32
          %mul3A_286 = arith.muli %mul3A_285, %add3A_140 : i32
          %dma_start3A_287 = arith.constant 0 : i32
          %dma_start3A_288 = arith.constant 0 : i32
          %dma_start3A_289 = tpu.memref_slice %run_scoped3A_17[%rem3A_284, %dma_start3A_287, %dma_start3A_288] : memref<2x128x64xf32, #tpu.memory_space<vmem>> -> memref<1x128x64xf32, #tpu.memory_space<vmem>>
          %dma_start3A_290 = tpu.memref_squeeze %dma_start3A_289 : memref<1x128x64xf32, #tpu.memory_space<vmem>> -> memref<128x64xf32, #tpu.memory_space<vmem>>
          %dma_start3A_291 = arith.constant 0 : i32
          %dma_start3A_292 = tpu.memref_slice %arg5[%mul3A_286, %dma_start3A_291] : memref<40960x64xf32, #tpu.memory_space<hbm>> -> memref<128x64xf32, #tpu.memory_space<hbm>>
          %dma_start3A_293 = tpu.memref_slice %run_scoped3A_18[%rem3A_284] : memref<2x!tpu.dma_semaphore, #tpu.memory_space<semaphore_mem>> -> memref<1x!tpu.dma_semaphore, #tpu.memory_space<semaphore_mem>>
          %dma_start3A_294 = tpu.memref_squeeze %dma_start3A_293 : memref<1x!tpu.dma_semaphore, #tpu.memory_space<semaphore_mem>> -> memref<!tpu.dma_semaphore, #tpu.memory_space<semaphore_mem>>
          %dma_start3A_295 = arith.constant 0 : i32
          %dma_start3A_296 = tpu.memref_slice %arg5[%mul3A_286, %dma_start3A_295] : memref<40960x64xf32, #tpu.memory_space<hbm>> -> memref<128x64xf32, #tpu.memory_space<hbm>>
          %dma_start3A_297 = arith.constant 0 : i32
          %dma_start3A_298 = arith.constant 0 : i32
          %dma_start3A_299 = tpu.memref_slice %run_scoped3A_17[%rem3A_284, %dma_start3A_297, %dma_start3A_298] : memref<2x128x64xf32, #tpu.memory_space<vmem>> -> memref<1x128x64xf32, #tpu.memory_space<vmem>>
          %dma_start3A_300 = tpu.memref_squeeze %dma_start3A_299 : memref<1x128x64xf32, #tpu.memory_space<vmem>> -> memref<128x64xf32, #tpu.memory_space<vmem>>
          tpu.enqueue_dma source(%dma_start3A_300 : memref<128x64xf32, #tpu.memory_space<vmem>>) target(%dma_start3A_296 : memref<128x64xf32, #tpu.memory_space<hbm>>) target_semaphore(%dma_start3A_294 : memref<!tpu.dma_semaphore, #tpu.memory_space<semaphore_mem>>)
          "tpu.trace_stop"() : () -> ()
        } else {
        }
        %and3A_232 = arith.constant true
        %and3A_233 = arith.andi %or3A_228, %and3A_232 : i1
        %add3A_234 = arith.constant 1 : i32
        %add3A_235 = arith.addi %scan3A_133, %add3A_234 : i32
        %select_n3A_236 = arith.select %and3A_233, %add3A_235, %scan3A_133 : i32
        %ne3A_237 = arith.cmpi ne, %add3A_140, %add3A_149 : i32
        %or3A_238 = arith.constant false
        %or3A_239 = arith.ori %or3A_238, %ne3A_237 : i1
        %or3A_240 = arith.constant false
        %or3A_241 = arith.ori %or3A_239, %or3A_240 : i1
        %not3A_242 = arith.constant true
        %not3A_243 = arith.xori %eq3A_137, %not3A_242 : i1
        %and3A_244 = arith.andi %or3A_241, %not3A_243 : i1
        %convert_element_type3A_245 = arith.extui %and3A_244 : i1 to i32
        %cond3A_246 = arith.constant 0 : i32
        %cond3A_247 = arith.cmpi ne, %convert_element_type3A_245, %cond3A_246 : i32
        scf.if %cond3A_247 {
        } else {
        }
        %and3A_248 = arith.constant false
        %and3A_249 = arith.andi %and3A_244, %and3A_248 : i1
        %ne3A_250 = arith.cmpi ne, %add3A_140, %add3A_149 : i32
        %or3A_251 = arith.constant false
        %or3A_252 = arith.ori %or3A_251, %ne3A_250 : i1
        %or3A_253 = arith.constant false
        %or3A_254 = arith.ori %or3A_252, %or3A_253 : i1
        %not3A_255 = arith.constant true
        %not3A_256 = arith.xori %eq3A_137, %not3A_255 : i1
        %and3A_257 = arith.andi %or3A_254, %not3A_256 : i1
        %convert_element_type3A_258 = arith.extui %and3A_257 : i1 to i32
        %cond3A_259 = arith.constant 0 : i32
        %cond3A_260 = arith.cmpi ne, %convert_element_type3A_258, %cond3A_259 : i32
        scf.if %cond3A_260 {
          "tpu.trace_start"() <{level = 10 : i32, message = "ep_wait_out"}> : () -> ()
          %rem3A_283 = arith.constant 2 : i32
          %rem3A_284 = arith.remui %scan3A_134, %rem3A_283 : i32
          %mul3A_285 = arith.constant 128 : i32
          %mul3A_286 = arith.muli %mul3A_285, %add3A_149 : i32
          %dma_wait3A_287 = arith.constant 0 : i32
          %dma_wait3A_288 = arith.constant 0 : i32
          %dma_wait3A_289 = tpu.memref_slice %run_scoped3A_17[%rem3A_284, %dma_wait3A_287, %dma_wait3A_288] : memref<2x128x64xf32, #tpu.memory_space<vmem>> -> memref<1x128x64xf32, #tpu.memory_space<vmem>>
          %dma_wait3A_290 = tpu.memref_squeeze %dma_wait3A_289 : memref<1x128x64xf32, #tpu.memory_space<vmem>> -> memref<128x64xf32, #tpu.memory_space<vmem>>
          %dma_wait3A_291 = arith.constant 0 : i32
          %dma_wait3A_292 = tpu.memref_slice %arg5[%mul3A_286, %dma_wait3A_291] : memref<40960x64xf32, #tpu.memory_space<hbm>> -> memref<128x64xf32, #tpu.memory_space<hbm>>
          %dma_wait3A_293 = tpu.memref_slice %run_scoped3A_18[%rem3A_284] : memref<2x!tpu.dma_semaphore, #tpu.memory_space<semaphore_mem>> -> memref<1x!tpu.dma_semaphore, #tpu.memory_space<semaphore_mem>>
          %dma_wait3A_294 = tpu.memref_squeeze %dma_wait3A_293 : memref<1x!tpu.dma_semaphore, #tpu.memory_space<semaphore_mem>> -> memref<!tpu.dma_semaphore, #tpu.memory_space<semaphore_mem>>
          %dma_wait3A_295 = arith.constant 0 : i32
          %dma_wait3A_296 = tpu.memref_slice %arg5[%mul3A_286, %dma_wait3A_295] : memref<40960x64xf32, #tpu.memory_space<hbm>> -> memref<128x64xf32, #tpu.memory_space<hbm>>
          %dma_wait3A_297 = arith.constant 0 : i32
          %dma_wait3A_298 = arith.constant 0 : i32
          %dma_wait3A_299 = tpu.memref_slice %run_scoped3A_17[%rem3A_284, %dma_wait3A_297, %dma_wait3A_298] : memref<2x128x64xf32, #tpu.memory_space<vmem>> -> memref<1x128x64xf32, #tpu.memory_space<vmem>>
          %dma_wait3A_300 = tpu.memref_squeeze %dma_wait3A_299 : memref<1x128x64xf32, #tpu.memory_space<vmem>> -> memref<128x64xf32, #tpu.memory_space<vmem>>
          tpu.wait_dma2 semaphore(%dma_wait3A_294 : memref<!tpu.dma_semaphore, #tpu.memory_space<semaphore_mem>>) src(%dma_wait3A_300 : memref<128x64xf32, #tpu.memory_space<vmem>>) dst(%dma_wait3A_296 : memref<128x64xf32, #tpu.memory_space<hbm>>)
          "tpu.trace_stop"() : () -> ()
        } else {
        }
        %and3A_261 = arith.constant true
        %and3A_262 = arith.andi %and3A_257, %and3A_261 : i1
        %add3A_263 = arith.constant 1 : i32
        %add3A_264 = arith.addi %scan3A_134, %add3A_263 : i32
        %select_n3A_265 = arith.select %and3A_262, %add3A_264, %scan3A_134 : i32
        %ne3A_266 = arith.cmpi ne, %add3A_140, %add3A_158 : i32
        %or3A_267 = arith.constant false
        %or3A_268 = arith.ori %or3A_267, %ne3A_266 : i1
        %or3A_269 = arith.constant false
        %or3A_270 = arith.ori %or3A_268, %or3A_269 : i1
        %or3A_271 = arith.ori %or3A_270, %eq3A_139 : i1
        %add3A_272 = arith.constant 1 : i32
        %add3A_273 = arith.addi %scan3A_132, %add3A_272 : i32
        %select_n3A_274 = arith.select %or3A_271, %add3A_273, %scan3A_132 : i32
        %add3A_275 = arith.constant 1 : i32
        %add3A_276 = arith.addi %scan3A_135, %add3A_275 : i32
        %select_n3A_277 = arith.constant true
        %select_n3A_278 = arith.select %select_n3A_277, %add3A_276, %scan3A_135 : i32
        %eq3A_279 = arith.constant 10 : i32
        %eq3A_280 = arith.cmpi eq, %select_n3A_278, %eq3A_279 : i32
        %select_n3A_281 = arith.constant 0 : i32
        %select_n3A_282 = arith.select %eq3A_280, %select_n3A_281, %select_n3A_278 : i32
        scf.yield %select_n3A_178, %select_n3A_274, %select_n3A_236, %select_n3A_265, %select_n3A_282 : i32, i32, i32, i32, i32
      }
      %scan3A_77 = arith.constant 10 : i32
      %sub3A = arith.constant 1 : i32
      %sub3A_78 = arith.subi %scan3A_76#4, %sub3A : i32
      %select_n3A_79 = arith.constant true
      %select_n3A_80 = arith.select %select_n3A_79, %sub3A_78, %scan3A_76#4 : i32
      %eq3A_81 = arith.constant -1 : i32
      %eq3A_82 = arith.cmpi eq, %select_n3A_80, %eq3A_81 : i32
      %select_n3A_83 = arith.constant 9 : i32
      %select_n3A_84 = arith.select %eq3A_82, %select_n3A_83, %select_n3A_80 : i32
      %add3A_85 = arith.addi %select_n3A_84, %mul3A_6 : i32
      %sub3A_86 = arith.constant 1 : i32
      %sub3A_87 = arith.subi %select_n3A_84, %sub3A_86 : i32
      %select_n3A_88 = arith.constant true
      %select_n3A_89 = arith.select %select_n3A_88, %sub3A_87, %select_n3A_84 : i32
      %eq3A_90 = arith.constant -1 : i32
      %eq3A_91 = arith.cmpi eq, %select_n3A_89, %eq3A_90 : i32
      %select_n3A_92 = arith.constant 9 : i32
      %select_n3A_93 = arith.select %eq3A_91, %select_n3A_92, %select_n3A_89 : i32
      %add3A_94 = arith.addi %select_n3A_93, %mul3A_6 : i32
      %add3A_95 = arith.constant 1 : i32
      %add3A_96 = arith.addi %select_n3A_84, %add3A_95 : i32
      %select_n3A_97 = arith.constant true
      %select_n3A_98 = arith.select %select_n3A_97, %add3A_96, %select_n3A_84 : i32
      %eq3A_99 = arith.constant 10 : i32
      %eq3A_100 = arith.cmpi eq, %select_n3A_98, %eq3A_99 : i32
      %select_n3A_101 = arith.constant 0 : i32
      %select_n3A_102 = arith.select %eq3A_100, %select_n3A_101, %select_n3A_98 : i32
      %add3A_103 = arith.addi %select_n3A_102, %mul3A_6 : i32
      %add3A_104 = arith.constant 1 : i32
      %add3A_105 = arith.addi %select_n3A_102, %add3A_104 : i32
      %select_n3A_106 = arith.constant true
      %select_n3A_107 = arith.select %select_n3A_106, %add3A_105, %select_n3A_102 : i32
      %eq3A_108 = arith.constant 10 : i32
      %eq3A_109 = arith.cmpi eq, %select_n3A_107, %eq3A_108 : i32
      %select_n3A_110 = arith.constant 0 : i32
      %select_n3A_111 = arith.select %eq3A_109, %select_n3A_110, %select_n3A_107 : i32
      %add3A_112 = arith.addi %select_n3A_111, %mul3A_6 : i32
      "tpu.trace_start"() <{level = 10 : i32, message = "ep_finalize"}> : () -> ()
      %rem3A_113 = arith.constant 2 : i32
      %rem3A_114 = arith.remui %scan3A_76#3, %rem3A_113 : i32
      %mul3A_115 = arith.constant 128 : i32
      %mul3A_116 = arith.muli %mul3A_115, %add3A_85 : i32
      %dma_wait3A = arith.constant 0 : i32
      %dma_wait3A_117 = arith.constant 0 : i32
      %dma_wait3A_118 = tpu.memref_slice %run_scoped3A_17[%rem3A_114, %dma_wait3A, %dma_wait3A_117] : memref<2x128x64xf32, #tpu.memory_space<vmem>> -> memref<1x128x64xf32, #tpu.memory_space<vmem>>
      %dma_wait3A_119 = tpu.memref_squeeze %dma_wait3A_118 : memref<1x128x64xf32, #tpu.memory_space<vmem>> -> memref<128x64xf32, #tpu.memory_space<vmem>>
      %dma_wait3A_120 = arith.constant 0 : i32
      %dma_wait3A_121 = tpu.memref_slice %arg5[%mul3A_116, %dma_wait3A_120] : memref<40960x64xf32, #tpu.memory_space<hbm>> -> memref<128x64xf32, #tpu.memory_space<hbm>>
      %dma_wait3A_122 = tpu.memref_slice %run_scoped3A_18[%rem3A_114] : memref<2x!tpu.dma_semaphore, #tpu.memory_space<semaphore_mem>> -> memref<1x!tpu.dma_semaphore, #tpu.memory_space<semaphore_mem>>
      %dma_wait3A_123 = tpu.memref_squeeze %dma_wait3A_122 : memref<1x!tpu.dma_semaphore, #tpu.memory_space<semaphore_mem>> -> memref<!tpu.dma_semaphore, #tpu.memory_space<semaphore_mem>>
      %dma_wait3A_124 = arith.constant 0 : i32
      %dma_wait3A_125 = tpu.memref_slice %arg5[%mul3A_116, %dma_wait3A_124] : memref<40960x64xf32, #tpu.memory_space<hbm>> -> memref<128x64xf32, #tpu.memory_space<hbm>>
      %dma_wait3A_126 = arith.constant 0 : i32
      %dma_wait3A_127 = arith.constant 0 : i32
      %dma_wait3A_128 = tpu.memref_slice %run_scoped3A_17[%rem3A_114, %dma_wait3A_126, %dma_wait3A_127] : memref<2x128x64xf32, #tpu.memory_space<vmem>> -> memref<1x128x64xf32, #tpu.memory_space<vmem>>
      %dma_wait3A_129 = tpu.memref_squeeze %dma_wait3A_128 : memref<1x128x64xf32, #tpu.memory_space<vmem>> -> memref<128x64xf32, #tpu.memory_space<vmem>>
      tpu.wait_dma2 semaphore(%dma_wait3A_123 : memref<!tpu.dma_semaphore, #tpu.memory_space<semaphore_mem>>) src(%dma_wait3A_129 : memref<128x64xf32, #tpu.memory_space<vmem>>) dst(%dma_wait3A_125 : memref<128x64xf32, #tpu.memory_space<hbm>>)
      "tpu.trace_stop"() : () -> ()
      tpu.yield
    }) : () -> ()
    %mul3A_7 = arith.constant 1 : i32
    %mul3A_8 = arith.muli %arg1, %mul3A_7 : i32
    %add3A_9 = arith.constant 0 : i32
    %add3A_10 = arith.addi %add3A_9, %mul3A_8 : i32
    %mul3A_11 = arith.constant 16 : i32
    %mul3A_12 = arith.muli %arg0, %mul3A_11 : i32
    %add3A_13 = arith.addi %add3A_10, %mul3A_12 : i32
    %mul3A_14 = arith.constant 100 : i32
    %mul3A_15 = arith.muli %add3A_13, %mul3A_14 : i32
    "tpu.region"() ({
      %run_scoped3A = memref.alloca() : memref<2x1x128xi32, #tpu.memory_space<vmem>>
      %run_scoped3A_16 = tpu.sem_alloc : memref<2x!tpu.dma_semaphore, #tpu.memory_space<semaphore_mem>>
      %run_scoped3A_17 = memref.alloca() : memref<2x128x64xf32, #tpu.memory_space<vmem>>
      %run_scoped3A_18 = tpu.sem_alloc : memref<2x!tpu.dma_semaphore, #tpu.memory_space<semaphore_mem>>
      %add3A_19 = arith.constant 0 : i32
      %add3A_20 = arith.addi %add3A_19, %mul3A_15 : i32
      %select_n3A = arith.constant true
      %select_n3A_21 = arith.constant 0 : i32
      %select_n3A_22 = arith.constant -1 : i32
      %select_n3A_23 = arith.select %select_n3A, %select_n3A_22, %select_n3A_21 : i32
      %eq3A = arith.constant -1 : i32
      %eq3A_24 = arith.cmpi eq, %select_n3A_23, %eq3A : i32
      %select_n3A_25 = arith.constant 99 : i32
      %select_n3A_26 = arith.select %eq3A_24, %select_n3A_25, %select_n3A_23 : i32
      %add3A_27 = arith.addi %select_n3A_26, %mul3A_15 : i32
      %select_n3A_28 = arith.constant true
      %select_n3A_29 = arith.constant 0 : i32
      %select_n3A_30 = arith.constant 1 : i32
      %select_n3A_31 = arith.select %select_n3A_28, %select_n3A_30, %select_n3A_29 : i32
      %eq3A_32 = arith.constant 100 : i32
      %eq3A_33 = arith.cmpi eq, %select_n3A_31, %eq3A_32 : i32
      %select_n3A_34 = arith.constant 0 : i32
      %select_n3A_35 = arith.select %eq3A_33, %select_n3A_34, %select_n3A_31 : i32
      %add3A_36 = arith.addi %select_n3A_35, %mul3A_15 : i32
      %add3A_37 = arith.constant 1 : i32
      %add3A_38 = arith.addi %select_n3A_35, %add3A_37 : i32
      %select_n3A_39 = arith.constant true
      %select_n3A_40 = arith.select %select_n3A_39, %add3A_38, %select_n3A_35 : i32
      %eq3A_41 = arith.constant 100 : i32
      %eq3A_42 = arith.cmpi eq, %select_n3A_40, %eq3A_41 : i32
      %select_n3A_43 = arith.constant 0 : i32
      %select_n3A_44 = arith.select %eq3A_42, %select_n3A_43, %select_n3A_40 : i32
      %add3A_45 = arith.addi %select_n3A_44, %mul3A_15 : i32
      "tpu.trace_start"() <{level = 10 : i32, message = "ep_initialize_0"}> : () -> ()
      %rem3A = arith.constant 0 : i32
      %rem3A_46 = arith.constant 2 : i32
      %rem3A_47 = arith.remui %rem3A, %rem3A_46 : i32
      %mul3A_48 = arith.constant 1 : i32
      %mul3A_49 = arith.muli %mul3A_48, %add3A_20 : i32
      %dma_start3A = arith.constant 0 : i32
      %dma_start3A_50 = arith.constant 0 : i32
      %dma_start3A_51 = tpu.memref_slice %run_scoped3A[%rem3A_47, %dma_start3A, %dma_start3A_50] : memref<2x1x128xi32, #tpu.memory_space<vmem>> -> memref<1x1x128xi32, #tpu.memory_space<vmem>>
      %dma_start3A_52 = tpu.memref_squeeze %dma_start3A_51 : memref<1x1x128xi32, #tpu.memory_space<vmem>> -> memref<1x128xi32, #tpu.memory_space<vmem>>
      %dma_start3A_53 = arith.constant 0 : i32
      %dma_start3A_54 = tpu.memref_slice %arg4[%mul3A_49, %dma_start3A_53] : memref<3200x128xi32, #tpu.memory_space<hbm>> -> memref<1x128xi32, #tpu.memory_space<hbm>>
      %dma_start3A_55 = tpu.memref_slice %run_scoped3A_16[%rem3A_47] : memref<2x!tpu.dma_semaphore, #tpu.memory_space<semaphore_mem>> -> memref<1x!tpu.dma_semaphore, #tpu.memory_space<semaphore_mem>>
      %dma_start3A_56 = tpu.memref_squeeze %dma_start3A_55 : memref<1x!tpu.dma_semaphore, #tpu.memory_space<semaphore_mem>> -> memref<!tpu.dma_semaphore, #tpu.memory_space<semaphore_mem>>
      %dma_start3A_57 = arith.constant 0 : i32
      %dma_start3A_58 = arith.constant 0 : i32
      %dma_start3A_59 = tpu.memref_slice %run_scoped3A[%rem3A_47, %dma_start3A_57, %dma_start3A_58] : memref<2x1x128xi32, #tpu.memory_space<vmem>> -> memref<1x1x128xi32, #tpu.memory_space<vmem>>
      %dma_start3A_60 = tpu.memref_squeeze %dma_start3A_59 : memref<1x1x128xi32, #tpu.memory_space<vmem>> -> memref<1x128xi32, #tpu.memory_space<vmem>>
      %dma_start3A_61 = arith.constant 0 : i32
      %dma_start3A_62 = tpu.memref_slice %arg4[%mul3A_49, %dma_start3A_61] : memref<3200x128xi32, #tpu.memory_space<hbm>> -> memref<1x128xi32, #tpu.memory_space<hbm>>
      tpu.enqueue_dma source(%dma_start3A_62 : memref<1x128xi32, #tpu.memory_space<hbm>>) target(%dma_start3A_60 : memref<1x128xi32, #tpu.memory_space<vmem>>) target_semaphore(%dma_start3A_56 : memref<!tpu.dma_semaphore, #tpu.memory_space<semaphore_mem>>)
      %add3A_63 = arith.constant 0 : i32
      %add3A_64 = arith.constant 1 : i32
      %add3A_65 = arith.addi %add3A_63, %add3A_64 : i32
      %select_n3A_66 = arith.constant true
      %select_n3A_67 = arith.constant 0 : i32
      %select_n3A_68 = arith.select %select_n3A_66, %add3A_65, %select_n3A_67 : i32
      "tpu.trace_stop"() : () -> ()
      %scan3A = arith.constant 0 : i32
      %scan3A_69 = arith.constant 0 : i32
      %scan3A_70 = arith.constant 0 : i32
      %scan3A_71 = arith.constant 0 : i32
      %scan3A_72 = arith.constant 0 : i32
      %scan3A_73 = arith.constant 100 : i32
      %scan3A_74 = arith.addi %scan3A_72, %scan3A_73 : i32
      %scan3A_75 = arith.constant 1 : i32
      %scan3A_76:5 = scf.for %scan3A_130 = %scan3A_72 to %scan3A_74 step %scan3A_75 iter_args(%scan3A_131 = %select_n3A_68, %scan3A_132 = %scan3A, %scan3A_133 = %scan3A_69, %scan3A_134 = %scan3A_70, %scan3A_135 = %scan3A_71) -> (i32, i32, i32, i32, i32)  : i32 {
        %eq3A_136 = arith.constant 0 : i32
        %eq3A_137 = arith.cmpi eq, %scan3A_130, %eq3A_136 : i32
        %eq3A_138 = arith.constant 99 : i32
        %eq3A_139 = arith.cmpi eq, %scan3A_130, %eq3A_138 : i32
        %add3A_140 = arith.addi %scan3A_135, %mul3A_15 : i32
        %sub3A_141 = arith.constant 1 : i32
        %sub3A_142 = arith.subi %scan3A_135, %sub3A_141 : i32
        %select_n3A_143 = arith.constant true
        %select_n3A_144 = arith.select %select_n3A_143, %sub3A_142, %scan3A_135 : i32
        %eq3A_145 = arith.constant -1 : i32
        %eq3A_146 = arith.cmpi eq, %select_n3A_144, %eq3A_145 : i32
        %select_n3A_147 = arith.constant 99 : i32
        %select_n3A_148 = arith.select %eq3A_146, %select_n3A_147, %select_n3A_144 : i32
        %add3A_149 = arith.addi %select_n3A_148, %mul3A_15 : i32
        %add3A_150 = arith.constant 1 : i32
        %add3A_151 = arith.addi %scan3A_135, %add3A_150 : i32
        %select_n3A_152 = arith.constant true
        %select_n3A_153 = arith.select %select_n3A_152, %add3A_151, %scan3A_135 : i32
        %eq3A_154 = arith.constant 100 : i32
        %eq3A_155 = arith.cmpi eq, %select_n3A_153, %eq3A_154 : i32
        %select_n3A_156 = arith.constant 0 : i32
        %select_n3A_157 = arith.select %eq3A_155, %select_n3A_156, %select_n3A_153 : i32
        %add3A_158 = arith.addi %select_n3A_157, %mul3A_15 : i32
        %add3A_159 = arith.constant 1 : i32
        %add3A_160 = arith.addi %select_n3A_157, %add3A_159 : i32
        %select_n3A_161 = arith.constant true
        %select_n3A_162 = arith.select %select_n3A_161, %add3A_160, %select_n3A_157 : i32
        %eq3A_163 = arith.constant 100 : i32
        %eq3A_164 = arith.cmpi eq, %select_n3A_162, %eq3A_163 : i32
        %select_n3A_165 = arith.constant 0 : i32
        %select_n3A_166 = arith.select %eq3A_164, %select_n3A_165, %select_n3A_162 : i32
        %add3A_167 = arith.addi %select_n3A_166, %mul3A_15 : i32
        %ne3A = arith.cmpi ne, %add3A_140, %add3A_158 : i32
        %or3A = arith.constant false
        %or3A_168 = arith.ori %or3A, %ne3A : i1
        %or3A_169 = arith.constant false
        %or3A_170 = arith.ori %or3A_168, %or3A_169 : i1
        %ge3A = arith.constant 99 : i32
        %ge3A_171 = arith.cmpi sge, %scan3A_130, %ge3A : i32
        %not3A = arith.constant true
        %not3A_172 = arith.xori %ge3A_171, %not3A : i1
        %and3A = arith.andi %or3A_170, %not3A_172 : i1
        %convert_element_type3A = arith.extui %and3A : i1 to i32
        %cond3A = arith.constant 0 : i32
        %cond3A_173 = arith.cmpi ne, %convert_element_type3A, %cond3A : i32
        scf.if %cond3A_173 {
          "tpu.trace_start"() <{level = 10 : i32, message = "ep_copy_in"}> : () -> ()
          %rem3A_283 = arith.constant 2 : i32
          %rem3A_284 = arith.remui %scan3A_131, %rem3A_283 : i32
          %mul3A_285 = arith.constant 1 : i32
          %mul3A_286 = arith.muli %mul3A_285, %add3A_158 : i32
          %dma_start3A_287 = arith.constant 0 : i32
          %dma_start3A_288 = arith.constant 0 : i32
          %dma_start3A_289 = tpu.memref_slice %run_scoped3A[%rem3A_284, %dma_start3A_287, %dma_start3A_288] : memref<2x1x128xi32, #tpu.memory_space<vmem>> -> memref<1x1x128xi32, #tpu.memory_space<vmem>>
          %dma_start3A_290 = tpu.memref_squeeze %dma_start3A_289 : memref<1x1x128xi32, #tpu.memory_space<vmem>> -> memref<1x128xi32, #tpu.memory_space<vmem>>
          %dma_start3A_291 = arith.constant 0 : i32
          %dma_start3A_292 = tpu.memref_slice %arg4[%mul3A_286, %dma_start3A_291] : memref<3200x128xi32, #tpu.memory_space<hbm>> -> memref<1x128xi32, #tpu.memory_space<hbm>>
          %dma_start3A_293 = tpu.memref_slice %run_scoped3A_16[%rem3A_284] : memref<2x!tpu.dma_semaphore, #tpu.memory_space<semaphore_mem>> -> memref<1x!tpu.dma_semaphore, #tpu.memory_space<semaphore_mem>>
          %dma_start3A_294 = tpu.memref_squeeze %dma_start3A_293 : memref<1x!tpu.dma_semaphore, #tpu.memory_space<semaphore_mem>> -> memref<!tpu.dma_semaphore, #tpu.memory_space<semaphore_mem>>
          %dma_start3A_295 = arith.constant 0 : i32
          %dma_start3A_296 = arith.constant 0 : i32
          %dma_start3A_297 = tpu.memref_slice %run_scoped3A[%rem3A_284, %dma_start3A_295, %dma_start3A_296] : memref<2x1x128xi32, #tpu.memory_space<vmem>> -> memref<1x1x128xi32, #tpu.memory_space<vmem>>
          %dma_start3A_298 = tpu.memref_squeeze %dma_start3A_297 : memref<1x1x128xi32, #tpu.memory_space<vmem>> -> memref<1x128xi32, #tpu.memory_space<vmem>>
          %dma_start3A_299 = arith.constant 0 : i32
          %dma_start3A_300 = tpu.memref_slice %arg4[%mul3A_286, %dma_start3A_299] : memref<3200x128xi32, #tpu.memory_space<hbm>> -> memref<1x128xi32, #tpu.memory_space<hbm>>
          tpu.enqueue_dma source(%dma_start3A_300 : memref<1x128xi32, #tpu.memory_space<hbm>>) target(%dma_start3A_298 : memref<1x128xi32, #tpu.memory_space<vmem>>) target_semaphore(%dma_start3A_294 : memref<!tpu.dma_semaphore, #tpu.memory_space<semaphore_mem>>)
          "tpu.trace_stop"() : () -> ()
        } else {
        }
        %and3A_174 = arith.constant true
        %and3A_175 = arith.andi %and3A, %and3A_174 : i1
        %add3A_176 = arith.constant 1 : i32
        %add3A_177 = arith.addi %scan3A_131, %add3A_176 : i32
        %select_n3A_178 = arith.select %and3A_175, %add3A_177, %scan3A_131 : i32
        %ne3A_179 = arith.cmpi ne, %add3A_140, %add3A_158 : i32
        %or3A_180 = arith.constant false
        %or3A_181 = arith.ori %or3A_180, %ne3A_179 : i1
        %or3A_182 = arith.constant false
        %or3A_183 = arith.ori %or3A_181, %or3A_182 : i1
        %ge3A_184 = arith.constant 99 : i32
        %ge3A_185 = arith.cmpi sge, %scan3A_130, %ge3A_184 : i32
        %not3A_186 = arith.constant true
        %not3A_187 = arith.xori %ge3A_185, %not3A_186 : i1
        %and3A_188 = arith.andi %or3A_183, %not3A_187 : i1
        %ne3A_189 = arith.cmpi ne, %add3A_140, %add3A_149 : i32
        %or3A_190 = arith.constant false
        %or3A_191 = arith.ori %or3A_190, %ne3A_189 : i1
        %or3A_192 = arith.constant false
        %or3A_193 = arith.ori %or3A_191, %or3A_192 : i1
        %or3A_194 = arith.ori %or3A_193, %eq3A_137 : i1
        %convert_element_type3A_195 = arith.extui %or3A_194 : i1 to i32
        %cond3A_196 = arith.constant 0 : i32
        %cond3A_197 = arith.cmpi ne, %convert_element_type3A_195, %cond3A_196 : i32
        scf.if %cond3A_197 {
          "tpu.trace_start"() <{level = 10 : i32, message = "ep_wait_in"}> : () -> ()
          %mul3A_283 = arith.constant 1 : i32
          %mul3A_284 = arith.muli %mul3A_283, %add3A_140 : i32
          %rem3A_285 = arith.constant 2 : i32
          %rem3A_286 = arith.remui %scan3A_132, %rem3A_285 : i32
          %dma_wait3A_287 = arith.constant 0 : i32
          %dma_wait3A_288 = arith.constant 0 : i32
          %dma_wait3A_289 = tpu.memref_slice %run_scoped3A[%rem3A_286, %dma_wait3A_287, %dma_wait3A_288] : memref<2x1x128xi32, #tpu.memory_space<vmem>> -> memref<1x1x128xi32, #tpu.memory_space<vmem>>
          %dma_wait3A_290 = tpu.memref_squeeze %dma_wait3A_289 : memref<1x1x128xi32, #tpu.memory_space<vmem>> -> memref<1x128xi32, #tpu.memory_space<vmem>>
          %dma_wait3A_291 = arith.constant 0 : i32
          %dma_wait3A_292 = tpu.memref_slice %arg4[%mul3A_284, %dma_wait3A_291] : memref<3200x128xi32, #tpu.memory_space<hbm>> -> memref<1x128xi32, #tpu.memory_space<hbm>>
          %dma_wait3A_293 = tpu.memref_slice %run_scoped3A_16[%rem3A_286] : memref<2x!tpu.dma_semaphore, #tpu.memory_space<semaphore_mem>> -> memref<1x!tpu.dma_semaphore, #tpu.memory_space<semaphore_mem>>
          %dma_wait3A_294 = tpu.memref_squeeze %dma_wait3A_293 : memref<1x!tpu.dma_semaphore, #tpu.memory_space<semaphore_mem>> -> memref<!tpu.dma_semaphore, #tpu.memory_space<semaphore_mem>>
          %dma_wait3A_295 = arith.constant 0 : i32
          %dma_wait3A_296 = arith.constant 0 : i32
          %dma_wait3A_297 = tpu.memref_slice %run_scoped3A[%rem3A_286, %dma_wait3A_295, %dma_wait3A_296] : memref<2x1x128xi32, #tpu.memory_space<vmem>> -> memref<1x1x128xi32, #tpu.memory_space<vmem>>
          %dma_wait3A_298 = tpu.memref_squeeze %dma_wait3A_297 : memref<1x1x128xi32, #tpu.memory_space<vmem>> -> memref<1x128xi32, #tpu.memory_space<vmem>>
          %dma_wait3A_299 = arith.constant 0 : i32
          %dma_wait3A_300 = tpu.memref_slice %arg4[%mul3A_284, %dma_wait3A_299] : memref<3200x128xi32, #tpu.memory_space<hbm>> -> memref<1x128xi32, #tpu.memory_space<hbm>>
          tpu.wait_dma2 semaphore(%dma_wait3A_294 : memref<!tpu.dma_semaphore, #tpu.memory_space<semaphore_mem>>) src(%dma_wait3A_300 : memref<1x128xi32, #tpu.memory_space<hbm>>) dst(%dma_wait3A_298 : memref<1x128xi32, #tpu.memory_space<vmem>>)
          "tpu.trace_stop"() : () -> ()
        } else {
        }
        %ne3A_198 = arith.cmpi ne, %add3A_140, %add3A_149 : i32
        %or3A_199 = arith.constant false
        %or3A_200 = arith.ori %or3A_199, %ne3A_198 : i1
        %or3A_201 = arith.constant false
        %or3A_202 = arith.ori %or3A_200, %or3A_201 : i1
        %or3A_203 = arith.ori %or3A_202, %eq3A_137 : i1
        %convert_element_type3A_204 = arith.extui %or3A_203 : i1 to i32
        %cond3A_205 = arith.constant 0 : i32
        %cond3A_206 = arith.cmpi ne, %convert_element_type3A_204, %cond3A_205 : i32
        scf.if %cond3A_206 {
        } else {
        }
        %rem3A_207 = arith.constant 2 : i32
        %rem3A_208 = arith.remui %scan3A_132, %rem3A_207 : i32
        %rem3A_209 = arith.constant 2 : i32
        %rem3A_210 = arith.remui %scan3A_133, %rem3A_209 : i32
        %run_scoped3A_211 = arith.constant 0 : i32
        "tpu.trace_start"() <{level = 10 : i32, message = "ep_run_kernel"}> : () -> ()
        "tpu.region"() ({
          %run_scoped3A_283 = tpu.sem_alloc : memref<!tpu.dma_semaphore, #tpu.memory_space<semaphore_mem>>
          %dma_start3A_284 = arith.constant 0 : i32
          %dma_start3A_285 = arith.constant 0 : i32
          %dma_start3A_286 = tpu.memref_slice %run_scoped3A_17[%rem3A_210, %dma_start3A_284, %dma_start3A_285] : memref<2x128x64xf32, #tpu.memory_space<vmem>> -> memref<1x128x64xf32, #tpu.memory_space<vmem>>
          %dma_start3A_287 = tpu.memref_squeeze %dma_start3A_286 : memref<1x128x64xf32, #tpu.memory_space<vmem>> -> memref<128x64xf32, #tpu.memory_space<vmem>>
          %dma_start3A_288 = arith.constant 0 : i32
          %dma_start3A_289 = arith.constant 0 : i32
          %dma_start3A_290 = tpu.memref_slice %run_scoped3A[%rem3A_208, %dma_start3A_288, %dma_start3A_289] : memref<2x1x128xi32, #tpu.memory_space<vmem>> -> memref<1x1x128xi32, #tpu.memory_space<vmem>>
          %dma_start3A_291 = tpu.memref_squeeze %dma_start3A_290 : memref<1x1x128xi32, #tpu.memory_space<vmem>> -> memref<1x128xi32, #tpu.memory_space<vmem>>
          %dma_start3A_292 = arith.constant 0 : i32
          %dma_start3A_293 = tpu.memref_slice %dma_start3A_291[%run_scoped3A_211, %dma_start3A_292] : memref<1x128xi32, #tpu.memory_space<vmem>> -> memref<1x128xi32, #tpu.memory_space<vmem>>
          %dma_start3A_294 = tpu.memref_squeeze %dma_start3A_293 : memref<1x128xi32, #tpu.memory_space<vmem>> -> memref<128xi32, #tpu.memory_space<vmem>>
          %dma_start3A_295 = arith.constant 0 : i32
          %dma_start3A_296 = arith.constant 0 : i32
          %dma_start3A_297 = tpu.memref_slice %arg2[%dma_start3A_295, %dma_start3A_296] : memref<1000000x64xf32, #tpu.memory_space<hbm>> -> memref<1000000x64xf32, #tpu.memory_space<hbm>>
          tpu.enqueue_indirect_dma source(%dma_start3A_297 : memref<1000000x64xf32, #tpu.memory_space<hbm>>) target(%dma_start3A_287 : memref<128x64xf32, #tpu.memory_space<vmem>>) offsets(%dma_start3A_294 : memref<128xi32, #tpu.memory_space<vmem>>) semaphore(%run_scoped3A_283 : memref<!tpu.dma_semaphore, #tpu.memory_space<semaphore_mem>>)
          %dma_wait3A_298 = arith.constant 0 : i32
          %dma_wait3A_299 = arith.constant 0 : i32
          %dma_wait3A_300 = tpu.memref_slice %run_scoped3A_17[%rem3A_210, %dma_wait3A_298, %dma_wait3A_299] : memref<2x128x64xf32, #tpu.memory_space<vmem>> -> memref<1x128x64xf32, #tpu.memory_space<vmem>>
          %dma_wait3A_301 = tpu.memref_squeeze %dma_wait3A_300 : memref<1x128x64xf32, #tpu.memory_space<vmem>> -> memref<128x64xf32, #tpu.memory_space<vmem>>
          %dma_wait3A_302 = arith.constant 0 : i32
          %dma_wait3A_303 = arith.constant 0 : i32
          %dma_wait3A_304 = tpu.memref_slice %run_scoped3A[%rem3A_208, %dma_wait3A_302, %dma_wait3A_303] : memref<2x1x128xi32, #tpu.memory_space<vmem>> -> memref<1x1x128xi32, #tpu.memory_space<vmem>>
          %dma_wait3A_305 = tpu.memref_squeeze %dma_wait3A_304 : memref<1x1x128xi32, #tpu.memory_space<vmem>> -> memref<1x128xi32, #tpu.memory_space<vmem>>
          %dma_wait3A_306 = arith.constant 0 : i32
          %dma_wait3A_307 = tpu.memref_slice %dma_wait3A_305[%run_scoped3A_211, %dma_wait3A_306] : memref<1x128xi32, #tpu.memory_space<vmem>> -> memref<1x128xi32, #tpu.memory_space<vmem>>
          %dma_wait3A_308 = tpu.memref_squeeze %dma_wait3A_307 : memref<1x128xi32, #tpu.memory_space<vmem>> -> memref<128xi32, #tpu.memory_space<vmem>>
          %dma_wait3A_309 = arith.constant 0 : i32
          %dma_wait3A_310 = arith.constant 0 : i32
          %dma_wait3A_311 = tpu.memref_slice %arg2[%dma_wait3A_309, %dma_wait3A_310] : memref<1000000x64xf32, #tpu.memory_space<hbm>> -> memref<1000000x64xf32, #tpu.memory_space<hbm>>
          tpu.wait_indirect_dma semaphore(%run_scoped3A_283 : memref<!tpu.dma_semaphore, #tpu.memory_space<semaphore_mem>>) src(%dma_wait3A_311 : memref<1000000x64xf32, #tpu.memory_space<hbm>>) dst(%dma_wait3A_301 : memref<128x64xf32, #tpu.memory_space<vmem>>)
          tpu.yield
        }) : () -> ()
        "tpu.trace_stop"() : () -> ()
        %ne3A_212 = arith.cmpi ne, %add3A_140, %add3A_158 : i32
        %or3A_213 = arith.constant false
        %or3A_214 = arith.ori %or3A_213, %ne3A_212 : i1
        %or3A_215 = arith.constant false
        %or3A_216 = arith.ori %or3A_214, %or3A_215 : i1
        %or3A_217 = arith.ori %or3A_216, %eq3A_139 : i1
        %convert_element_type3A_218 = arith.extui %or3A_217 : i1 to i32
        %cond3A_219 = arith.constant 0 : i32
        %cond3A_220 = arith.cmpi ne, %convert_element_type3A_218, %cond3A_219 : i32
        scf.if %cond3A_220 {
        } else {
        }
        %and3A_221 = arith.constant false
        %and3A_222 = arith.andi %or3A_217, %and3A_221 : i1
        %ne3A_223 = arith.cmpi ne, %add3A_140, %add3A_158 : i32
        %or3A_224 = arith.constant false
        %or3A_225 = arith.ori %or3A_224, %ne3A_223 : i1
        %or3A_226 = arith.constant false
        %or3A_227 = arith.ori %or3A_225, %or3A_226 : i1
        %or3A_228 = arith.ori %or3A_227, %eq3A_139 : i1
        %convert_element_type3A_229 = arith.extui %or3A_228 : i1 to i32
        %cond3A_230 = arith.constant 0 : i32
        %cond3A_231 = arith.cmpi ne, %convert_element_type3A_229, %cond3A_230 : i32
        scf.if %cond3A_231 {
          "tpu.trace_start"() <{level = 10 : i32, message = "ep_copy_out"}> : () -> ()
          %rem3A_283 = arith.constant 2 : i32
          %rem3A_284 = arith.remui %scan3A_133, %rem3A_283 : i32
          %mul3A_285 = arith.constant 128 : i32
          %mul3A_286 = arith.muli %mul3A_285, %add3A_140 : i32
          %dma_start3A_287 = arith.constant 0 : i32
          %dma_start3A_288 = arith.constant 0 : i32
          %dma_start3A_289 = tpu.memref_slice %run_scoped3A_17[%rem3A_284, %dma_start3A_287, %dma_start3A_288] : memref<2x128x64xf32, #tpu.memory_space<vmem>> -> memref<1x128x64xf32, #tpu.memory_space<vmem>>
          %dma_start3A_290 = tpu.memref_squeeze %dma_start3A_289 : memref<1x128x64xf32, #tpu.memory_space<vmem>> -> memref<128x64xf32, #tpu.memory_space<vmem>>
          %dma_start3A_291 = arith.constant 0 : i32
          %dma_start3A_292 = tpu.memref_slice %arg6[%mul3A_286, %dma_start3A_291] : memref<409600x64xf32, #tpu.memory_space<hbm>> -> memref<128x64xf32, #tpu.memory_space<hbm>>
          %dma_start3A_293 = tpu.memref_slice %run_scoped3A_18[%rem3A_284] : memref<2x!tpu.dma_semaphore, #tpu.memory_space<semaphore_mem>> -> memref<1x!tpu.dma_semaphore, #tpu.memory_space<semaphore_mem>>
          %dma_start3A_294 = tpu.memref_squeeze %dma_start3A_293 : memref<1x!tpu.dma_semaphore, #tpu.memory_space<semaphore_mem>> -> memref<!tpu.dma_semaphore, #tpu.memory_space<semaphore_mem>>
          %dma_start3A_295 = arith.constant 0 : i32
          %dma_start3A_296 = tpu.memref_slice %arg6[%mul3A_286, %dma_start3A_295] : memref<409600x64xf32, #tpu.memory_space<hbm>> -> memref<128x64xf32, #tpu.memory_space<hbm>>
          %dma_start3A_297 = arith.constant 0 : i32
          %dma_start3A_298 = arith.constant 0 : i32
          %dma_start3A_299 = tpu.memref_slice %run_scoped3A_17[%rem3A_284, %dma_start3A_297, %dma_start3A_298] : memref<2x128x64xf32, #tpu.memory_space<vmem>> -> memref<1x128x64xf32, #tpu.memory_space<vmem>>
          %dma_start3A_300 = tpu.memref_squeeze %dma_start3A_299 : memref<1x128x64xf32, #tpu.memory_space<vmem>> -> memref<128x64xf32, #tpu.memory_space<vmem>>
          tpu.enqueue_dma source(%dma_start3A_300 : memref<128x64xf32, #tpu.memory_space<vmem>>) target(%dma_start3A_296 : memref<128x64xf32, #tpu.memory_space<hbm>>) target_semaphore(%dma_start3A_294 : memref<!tpu.dma_semaphore, #tpu.memory_space<semaphore_mem>>)
          "tpu.trace_stop"() : () -> ()
        } else {
        }
        %and3A_232 = arith.constant true
        %and3A_233 = arith.andi %or3A_228, %and3A_232 : i1
        %add3A_234 = arith.constant 1 : i32
        %add3A_235 = arith.addi %scan3A_133, %add3A_234 : i32
        %select_n3A_236 = arith.select %and3A_233, %add3A_235, %scan3A_133 : i32
        %ne3A_237 = arith.cmpi ne, %add3A_140, %add3A_149 : i32
        %or3A_238 = arith.constant false
        %or3A_239 = arith.ori %or3A_238, %ne3A_237 : i1
        %or3A_240 = arith.constant false
        %or3A_241 = arith.ori %or3A_239, %or3A_240 : i1
        %not3A_242 = arith.constant true
        %not3A_243 = arith.xori %eq3A_137, %not3A_242 : i1
        %and3A_244 = arith.andi %or3A_241, %not3A_243 : i1
        %convert_element_type3A_245 = arith.extui %and3A_244 : i1 to i32
        %cond3A_246 = arith.constant 0 : i32
        %cond3A_247 = arith.cmpi ne, %convert_element_type3A_245, %cond3A_246 : i32
        scf.if %cond3A_247 {
        } else {
        }
        %and3A_248 = arith.constant false
        %and3A_249 = arith.andi %and3A_244, %and3A_248 : i1
        %ne3A_250 = arith.cmpi ne, %add3A_140, %add3A_149 : i32
        %or3A_251 = arith.constant false
        %or3A_252 = arith.ori %or3A_251, %ne3A_250 : i1
        %or3A_253 = arith.constant false
        %or3A_254 = arith.ori %or3A_252, %or3A_253 : i1
        %not3A_255 = arith.constant true
        %not3A_256 = arith.xori %eq3A_137, %not3A_255 : i1
        %and3A_257 = arith.andi %or3A_254, %not3A_256 : i1
        %convert_element_type3A_258 = arith.extui %and3A_257 : i1 to i32
        %cond3A_259 = arith.constant 0 : i32
        %cond3A_260 = arith.cmpi ne, %convert_element_type3A_258, %cond3A_259 : i32
        scf.if %cond3A_260 {
          "tpu.trace_start"() <{level = 10 : i32, message = "ep_wait_out"}> : () -> ()
          %rem3A_283 = arith.constant 2 : i32
          %rem3A_284 = arith.remui %scan3A_134, %rem3A_283 : i32
          %mul3A_285 = arith.constant 128 : i32
          %mul3A_286 = arith.muli %mul3A_285, %add3A_149 : i32
          %dma_wait3A_287 = arith.constant 0 : i32
          %dma_wait3A_288 = arith.constant 0 : i32
          %dma_wait3A_289 = tpu.memref_slice %run_scoped3A_17[%rem3A_284, %dma_wait3A_287, %dma_wait3A_288] : memref<2x128x64xf32, #tpu.memory_space<vmem>> -> memref<1x128x64xf32, #tpu.memory_space<vmem>>
          %dma_wait3A_290 = tpu.memref_squeeze %dma_wait3A_289 : memref<1x128x64xf32, #tpu.memory_space<vmem>> -> memref<128x64xf32, #tpu.memory_space<vmem>>
          %dma_wait3A_291 = arith.constant 0 : i32
          %dma_wait3A_292 = tpu.memref_slice %arg6[%mul3A_286, %dma_wait3A_291] : memref<409600x64xf32, #tpu.memory_space<hbm>> -> memref<128x64xf32, #tpu.memory_space<hbm>>
          %dma_wait3A_293 = tpu.memref_slice %run_scoped3A_18[%rem3A_284] : memref<2x!tpu.dma_semaphore, #tpu.memory_space<semaphore_mem>> -> memref<1x!tpu.dma_semaphore, #tpu.memory_space<semaphore_mem>>
          %dma_wait3A_294 = tpu.memref_squeeze %dma_wait3A_293 : memref<1x!tpu.dma_semaphore, #tpu.memory_space<semaphore_mem>> -> memref<!tpu.dma_semaphore, #tpu.memory_space<semaphore_mem>>
          %dma_wait3A_295 = arith.constant 0 : i32
          %dma_wait3A_296 = tpu.memref_slice %arg6[%mul3A_286, %dma_wait3A_295] : memref<409600x64xf32, #tpu.memory_space<hbm>> -> memref<128x64xf32, #tpu.memory_space<hbm>>
          %dma_wait3A_297 = arith.constant 0 : i32
          %dma_wait3A_298 = arith.constant 0 : i32
          %dma_wait3A_299 = tpu.memref_slice %run_scoped3A_17[%rem3A_284, %dma_wait3A_297, %dma_wait3A_298] : memref<2x128x64xf32, #tpu.memory_space<vmem>> -> memref<1x128x64xf32, #tpu.memory_space<vmem>>
          %dma_wait3A_300 = tpu.memref_squeeze %dma_wait3A_299 : memref<1x128x64xf32, #tpu.memory_space<vmem>> -> memref<128x64xf32, #tpu.memory_space<vmem>>
          tpu.wait_dma2 semaphore(%dma_wait3A_294 : memref<!tpu.dma_semaphore, #tpu.memory_space<semaphore_mem>>) src(%dma_wait3A_300 : memref<128x64xf32, #tpu.memory_space<vmem>>) dst(%dma_wait3A_296 : memref<128x64xf32, #tpu.memory_space<hbm>>)
          "tpu.trace_stop"() : () -> ()
        } else {
        }
        %and3A_261 = arith.constant true
        %and3A_262 = arith.andi %and3A_257, %and3A_261 : i1
        %add3A_263 = arith.constant 1 : i32
        %add3A_264 = arith.addi %scan3A_134, %add3A_263 : i32
        %select_n3A_265 = arith.select %and3A_262, %add3A_264, %scan3A_134 : i32
        %ne3A_266 = arith.cmpi ne, %add3A_140, %add3A_158 : i32
        %or3A_267 = arith.constant false
        %or3A_268 = arith.ori %or3A_267, %ne3A_266 : i1
        %or3A_269 = arith.constant false
        %or3A_270 = arith.ori %or3A_268, %or3A_269 : i1
        %or3A_271 = arith.ori %or3A_270, %eq3A_139 : i1
        %add3A_272 = arith.constant 1 : i32
        %add3A_273 = arith.addi %scan3A_132, %add3A_272 : i32
        %select_n3A_274 = arith.select %or3A_271, %add3A_273, %scan3A_132 : i32
        %add3A_275 = arith.constant 1 : i32
        %add3A_276 = arith.addi %scan3A_135, %add3A_275 : i32
        %select_n3A_277 = arith.constant true
        %select_n3A_278 = arith.select %select_n3A_277, %add3A_276, %scan3A_135 : i32
        %eq3A_279 = arith.constant 100 : i32
        %eq3A_280 = arith.cmpi eq, %select_n3A_278, %eq3A_279 : i32
        %select_n3A_281 = arith.constant 0 : i32
        %select_n3A_282 = arith.select %eq3A_280, %select_n3A_281, %select_n3A_278 : i32
        scf.yield %select_n3A_178, %select_n3A_274, %select_n3A_236, %select_n3A_265, %select_n3A_282 : i32, i32, i32, i32, i32
      }
      %scan3A_77 = arith.constant 100 : i32
      %sub3A = arith.constant 1 : i32
      %sub3A_78 = arith.subi %scan3A_76#4, %sub3A : i32
      %select_n3A_79 = arith.constant true
      %select_n3A_80 = arith.select %select_n3A_79, %sub3A_78, %scan3A_76#4 : i32
      %eq3A_81 = arith.constant -1 : i32
      %eq3A_82 = arith.cmpi eq, %select_n3A_80, %eq3A_81 : i32
      %select_n3A_83 = arith.constant 99 : i32
      %select_n3A_84 = arith.select %eq3A_82, %select_n3A_83, %select_n3A_80 : i32
      %add3A_85 = arith.addi %select_n3A_84, %mul3A_15 : i32
      %sub3A_86 = arith.constant 1 : i32
      %sub3A_87 = arith.subi %select_n3A_84, %sub3A_86 : i32
      %select_n3A_88 = arith.constant true
      %select_n3A_89 = arith.select %select_n3A_88, %sub3A_87, %select_n3A_84 : i32
      %eq3A_90 = arith.constant -1 : i32
      %eq3A_91 = arith.cmpi eq, %select_n3A_89, %eq3A_90 : i32
      %select_n3A_92 = arith.constant 99 : i32
      %select_n3A_93 = arith.select %eq3A_91, %select_n3A_92, %select_n3A_89 : i32
      %add3A_94 = arith.addi %select_n3A_93, %mul3A_15 : i32
      %add3A_95 = arith.constant 1 : i32
      %add3A_96 = arith.addi %select_n3A_84, %add3A_95 : i32
      %select_n3A_97 = arith.constant true
      %select_n3A_98 = arith.select %select_n3A_97, %add3A_96, %select_n3A_84 : i32
      %eq3A_99 = arith.constant 100 : i32
      %eq3A_100 = arith.cmpi eq, %select_n3A_98, %eq3A_99 : i32
      %select_n3A_101 = arith.constant 0 : i32
      %select_n3A_102 = arith.select %eq3A_100, %select_n3A_101, %select_n3A_98 : i32
      %add3A_103 = arith.addi %select_n3A_102, %mul3A_15 : i32
      %add3A_104 = arith.constant 1 : i32
      %add3A_105 = arith.addi %select_n3A_102, %add3A_104 : i32
      %select_n3A_106 = arith.constant true
      %select_n3A_107 = arith.select %select_n3A_106, %add3A_105, %select_n3A_102 : i32
      %eq3A_108 = arith.constant 100 : i32
      %eq3A_109 = arith.cmpi eq, %select_n3A_107, %eq3A_108 : i32
      %select_n3A_110 = arith.constant 0 : i32
      %select_n3A_111 = arith.select %eq3A_109, %select_n3A_110, %select_n3A_107 : i32
      %add3A_112 = arith.addi %select_n3A_111, %mul3A_15 : i32
      "tpu.trace_start"() <{level = 10 : i32, message = "ep_finalize"}> : () -> ()
      %rem3A_113 = arith.constant 2 : i32
      %rem3A_114 = arith.remui %scan3A_76#3, %rem3A_113 : i32
      %mul3A_115 = arith.constant 128 : i32
      %mul3A_116 = arith.muli %mul3A_115, %add3A_85 : i32
      %dma_wait3A = arith.constant 0 : i32
      %dma_wait3A_117 = arith.constant 0 : i32
      %dma_wait3A_118 = tpu.memref_slice %run_scoped3A_17[%rem3A_114, %dma_wait3A, %dma_wait3A_117] : memref<2x128x64xf32, #tpu.memory_space<vmem>> -> memref<1x128x64xf32, #tpu.memory_space<vmem>>
      %dma_wait3A_119 = tpu.memref_squeeze %dma_wait3A_118 : memref<1x128x64xf32, #tpu.memory_space<vmem>> -> memref<128x64xf32, #tpu.memory_space<vmem>>
      %dma_wait3A_120 = arith.constant 0 : i32
      %dma_wait3A_121 = tpu.memref_slice %arg6[%mul3A_116, %dma_wait3A_120] : memref<409600x64xf32, #tpu.memory_space<hbm>> -> memref<128x64xf32, #tpu.memory_space<hbm>>
      %dma_wait3A_122 = tpu.memref_slice %run_scoped3A_18[%rem3A_114] : memref<2x!tpu.dma_semaphore, #tpu.memory_space<semaphore_mem>> -> memref<1x!tpu.dma_semaphore, #tpu.memory_space<semaphore_mem>>
      %dma_wait3A_123 = tpu.memref_squeeze %dma_wait3A_122 : memref<1x!tpu.dma_semaphore, #tpu.memory_space<semaphore_mem>> -> memref<!tpu.dma_semaphore, #tpu.memory_space<semaphore_mem>>
      %dma_wait3A_124 = arith.constant 0 : i32
      %dma_wait3A_125 = tpu.memref_slice %arg6[%mul3A_116, %dma_wait3A_124] : memref<409600x64xf32, #tpu.memory_space<hbm>> -> memref<128x64xf32, #tpu.memory_space<hbm>>
      %dma_wait3A_126 = arith.constant 0 : i32
      %dma_wait3A_127 = arith.constant 0 : i32
      %dma_wait3A_128 = tpu.memref_slice %run_scoped3A_17[%rem3A_114, %dma_wait3A_126, %dma_wait3A_127] : memref<2x128x64xf32, #tpu.memory_space<vmem>> -> memref<1x128x64xf32, #tpu.memory_space<vmem>>
      %dma_wait3A_129 = tpu.memref_squeeze %dma_wait3A_128 : memref<1x128x64xf32, #tpu.memory_space<vmem>> -> memref<128x64xf32, #tpu.memory_space<vmem>>
      tpu.wait_dma2 semaphore(%dma_wait3A_123 : memref<!tpu.dma_semaphore, #tpu.memory_space<semaphore_mem>>) src(%dma_wait3A_129 : memref<128x64xf32, #tpu.memory_space<vmem>>) dst(%dma_wait3A_125 : memref<128x64xf32, #tpu.memory_space<hbm>>)
      "tpu.trace_stop"() : () -> ()
      tpu.yield
    }) : () -> ()
    return
  }
}

module attributes {stable_mosaic.version = 14 : i64} {
  func.func @body(%arg0: i32, %arg1: memref<32x20xi32, #tpu.memory_space<vmem>>, %arg2: memref<32x20xf32, #tpu.memory_space<vmem>>, %arg3: memref<640x64xf32, #tpu.memory_space<vmem>>, %arg4: memref<6400x64xf32, #tpu.memory_space<vmem>>, %arg5: memref<1x20xf32, #tpu.memory_space<smem>>, %arg6: memref<1xf32, #tpu.memory_space<smem>>, %arg7: memref<1x1xf32, #tpu.memory_space<smem>>, %arg8: memref<1x1xf32, #tpu.memory_space<smem>>, %arg9: memref<1xf32, #tpu.memory_space<smem>>, %arg10: memref<32x1xf32, #tpu.memory_space<vmem>>) attributes {dimension_semantics = [#tpu.dimension_semantics<arbitrary>], iteration_bounds = array<i64: 64>, scalar_prefetch = 0 : i64, scratch_operands = 0 : i64, tpu.core_type = #tpu.core_type<tc>, window_params = [{transform_indices = @transform_0, window_bounds = array<i64: 32, 20>}, {transform_indices = @transform_1, window_bounds = array<i64: 32, 20>}, {transform_indices = @transform_2, window_bounds = array<i64: 640, 64>}, {transform_indices = @transform_3, window_bounds = array<i64: 6400, 64>}, {transform_indices = @transform_4, window_bounds = array<i64: 1, 20>}, {transform_indices = @transform_5, window_bounds = array<i64: 1>}, {transform_indices = @transform_6, window_bounds = array<i64: 1, 1>}, {transform_indices = @transform_7, window_bounds = array<i64: 1, 1>}, {transform_indices = @transform_8, window_bounds = array<i64: 1>}, {transform_indices = @transform_9, window_bounds = array<i64: 32, 1>}]} {
    %get3A = arith.constant 0 : index
    %get3A_0 = arith.constant 0 : index
    %get3A_1 = vector.load %arg3[%get3A, %get3A_0] : memref<640x64xf32, #tpu.memory_space<vmem>>, vector<640x64xf32>
    %get3A_2 = arith.constant 0 : index
    %get3A_3 = arith.constant 0 : index
    %get3A_4 = vector.load %arg4[%get3A_2, %get3A_3] : memref<6400x64xf32, #tpu.memory_space<vmem>>, vector<6400x64xf32>
    %mul3A = arith.mulf %get3A_1, %get3A_1 : vector<640x64xf32>
    %reduce_sum3A = arith.constant dense<0.000000e+00> : vector<640xf32>
    %reduce_sum3A_5 = vector.multi_reduction <add>, %mul3A, %reduce_sum3A [1] : vector<640x64xf32> to vector<640xf32>
    %broadcast_in_dim3A = vector.shape_cast %reduce_sum3A_5 : vector<640xf32> to vector<640x1xf32>
    %sqrt3A = math.sqrt %broadcast_in_dim3A : vector<640x1xf32>
    %add3A = arith.constant 9.99999993E-9 : f32
    %add3A_6 = vector.broadcast %add3A : f32 to vector<640x1xf32>
    %add3A_7 = arith.addf %sqrt3A, %add3A_6 : vector<640x1xf32>
    %div3A = arith.constant 1.000000e+00 : f32
    %div3A_8 = vector.broadcast %div3A : f32 to vector<640x1xf32>
    %div3A_9 = arith.divf %div3A_8, %add3A_7 : vector<640x1xf32>
    %mul3A_10 = vector.broadcast %div3A_9 : vector<640x1xf32> to vector<640x64xf32>
    %mul3A_11 = arith.mulf %get3A_1, %mul3A_10 : vector<640x64xf32>
    %mul3A_12 = arith.mulf %get3A_4, %get3A_4 : vector<6400x64xf32>
    %reduce_sum3A_13 = arith.constant dense<0.000000e+00> : vector<6400xf32>
    %reduce_sum3A_14 = vector.multi_reduction <add>, %mul3A_12, %reduce_sum3A_13 [1] : vector<6400x64xf32> to vector<6400xf32>
    %broadcast_in_dim3A_15 = vector.shape_cast %reduce_sum3A_14 : vector<6400xf32> to vector<6400x1xf32>
    %sqrt3A_16 = math.sqrt %broadcast_in_dim3A_15 : vector<6400x1xf32>
    %add3A_17 = arith.constant 9.99999993E-9 : f32
    %add3A_18 = vector.broadcast %add3A_17 : f32 to vector<6400x1xf32>
    %add3A_19 = arith.addf %sqrt3A_16, %add3A_18 : vector<6400x1xf32>
    %div3A_20 = arith.constant 1.000000e+00 : f32
    %div3A_21 = vector.broadcast %div3A_20 : f32 to vector<6400x1xf32>
    %div3A_22 = arith.divf %div3A_21, %add3A_19 : vector<6400x1xf32>
    %mul3A_23 = vector.broadcast %div3A_22 : vector<6400x1xf32> to vector<6400x64xf32>
    %mul3A_24 = arith.mulf %get3A_4, %mul3A_23 : vector<6400x64xf32>
    %slice3A = vector.extract_strided_slice %mul3A_11 {offsets = [0, 0], sizes = [20, 64], strides = [1, 1]} : vector<640x64xf32> to vector<20x64xf32>
    %slice3A_25 = vector.extract_strided_slice %mul3A_24 {offsets = [0, 0], sizes = [200, 64], strides = [1, 1]} : vector<6400x64xf32> to vector<200x64xf32>
    %dot_general3A = arith.constant dense<0.000000e+00> : vector<20x200xf32>
    %dot_general3A_26 = tpu.matmul %slice3A, %slice3A_25, %dot_general3A {dimension_numbers = #tpu.dot_dimension_numbers<[1], [1], [0], [0], [0, 0, 1, 0], [], []>, transpose_lhs_hint = false} : vector<20x64xf32>, vector<200x64xf32>, vector<20x200xf32> -> vector<20x200xf32>
    %slice3A_27 = vector.extract_strided_slice %mul3A_11 {offsets = [20, 0], sizes = [20, 64], strides = [1, 1]} : vector<640x64xf32> to vector<20x64xf32>
    %slice3A_28 = vector.extract_strided_slice %mul3A_24 {offsets = [200, 0], sizes = [200, 64], strides = [1, 1]} : vector<6400x64xf32> to vector<200x64xf32>
    %dot_general3A_29 = arith.constant dense<0.000000e+00> : vector<20x200xf32>
    %dot_general3A_30 = tpu.matmul %slice3A_27, %slice3A_28, %dot_general3A_29 {dimension_numbers = #tpu.dot_dimension_numbers<[1], [1], [0], [0], [0, 0, 1, 0], [], []>, transpose_lhs_hint = false} : vector<20x64xf32>, vector<200x64xf32>, vector<20x200xf32> -> vector<20x200xf32>
    %slice3A_31 = vector.extract_strided_slice %mul3A_11 {offsets = [40, 0], sizes = [20, 64], strides = [1, 1]} : vector<640x64xf32> to vector<20x64xf32>
    %slice3A_32 = vector.extract_strided_slice %mul3A_24 {offsets = [400, 0], sizes = [200, 64], strides = [1, 1]} : vector<6400x64xf32> to vector<200x64xf32>
    %dot_general3A_33 = arith.constant dense<0.000000e+00> : vector<20x200xf32>
    %dot_general3A_34 = tpu.matmul %slice3A_31, %slice3A_32, %dot_general3A_33 {dimension_numbers = #tpu.dot_dimension_numbers<[1], [1], [0], [0], [0, 0, 1, 0], [], []>, transpose_lhs_hint = false} : vector<20x64xf32>, vector<200x64xf32>, vector<20x200xf32> -> vector<20x200xf32>
    %slice3A_35 = vector.extract_strided_slice %mul3A_11 {offsets = [60, 0], sizes = [20, 64], strides = [1, 1]} : vector<640x64xf32> to vector<20x64xf32>
    %slice3A_36 = vector.extract_strided_slice %mul3A_24 {offsets = [600, 0], sizes = [200, 64], strides = [1, 1]} : vector<6400x64xf32> to vector<200x64xf32>
    %dot_general3A_37 = arith.constant dense<0.000000e+00> : vector<20x200xf32>
    %dot_general3A_38 = tpu.matmul %slice3A_35, %slice3A_36, %dot_general3A_37 {dimension_numbers = #tpu.dot_dimension_numbers<[1], [1], [0], [0], [0, 0, 1, 0], [], []>, transpose_lhs_hint = false} : vector<20x64xf32>, vector<200x64xf32>, vector<20x200xf32> -> vector<20x200xf32>
    %slice3A_39 = vector.extract_strided_slice %mul3A_11 {offsets = [80, 0], sizes = [20, 64], strides = [1, 1]} : vector<640x64xf32> to vector<20x64xf32>
    %slice3A_40 = vector.extract_strided_slice %mul3A_24 {offsets = [800, 0], sizes = [200, 64], strides = [1, 1]} : vector<6400x64xf32> to vector<200x64xf32>
    %dot_general3A_41 = arith.constant dense<0.000000e+00> : vector<20x200xf32>
    %dot_general3A_42 = tpu.matmul %slice3A_39, %slice3A_40, %dot_general3A_41 {dimension_numbers = #tpu.dot_dimension_numbers<[1], [1], [0], [0], [0, 0, 1, 0], [], []>, transpose_lhs_hint = false} : vector<20x64xf32>, vector<200x64xf32>, vector<20x200xf32> -> vector<20x200xf32>
    %slice3A_43 = vector.extract_strided_slice %mul3A_11 {offsets = [100, 0], sizes = [20, 64], strides = [1, 1]} : vector<640x64xf32> to vector<20x64xf32>
    %slice3A_44 = vector.extract_strided_slice %mul3A_24 {offsets = [1000, 0], sizes = [200, 64], strides = [1, 1]} : vector<6400x64xf32> to vector<200x64xf32>
    %dot_general3A_45 = arith.constant dense<0.000000e+00> : vector<20x200xf32>
    %dot_general3A_46 = tpu.matmul %slice3A_43, %slice3A_44, %dot_general3A_45 {dimension_numbers = #tpu.dot_dimension_numbers<[1], [1], [0], [0], [0, 0, 1, 0], [], []>, transpose_lhs_hint = false} : vector<20x64xf32>, vector<200x64xf32>, vector<20x200xf32> -> vector<20x200xf32>
    %slice3A_47 = vector.extract_strided_slice %mul3A_11 {offsets = [120, 0], sizes = [20, 64], strides = [1, 1]} : vector<640x64xf32> to vector<20x64xf32>
    %slice3A_48 = vector.extract_strided_slice %mul3A_24 {offsets = [1200, 0], sizes = [200, 64], strides = [1, 1]} : vector<6400x64xf32> to vector<200x64xf32>
    %dot_general3A_49 = arith.constant dense<0.000000e+00> : vector<20x200xf32>
    %dot_general3A_50 = tpu.matmul %slice3A_47, %slice3A_48, %dot_general3A_49 {dimension_numbers = #tpu.dot_dimension_numbers<[1], [1], [0], [0], [0, 0, 1, 0], [], []>, transpose_lhs_hint = false} : vector<20x64xf32>, vector<200x64xf32>, vector<20x200xf32> -> vector<20x200xf32>
    %slice3A_51 = vector.extract_strided_slice %mul3A_11 {offsets = [140, 0], sizes = [20, 64], strides = [1, 1]} : vector<640x64xf32> to vector<20x64xf32>
    %slice3A_52 = vector.extract_strided_slice %mul3A_24 {offsets = [1400, 0], sizes = [200, 64], strides = [1, 1]} : vector<6400x64xf32> to vector<200x64xf32>
    %dot_general3A_53 = arith.constant dense<0.000000e+00> : vector<20x200xf32>
    %dot_general3A_54 = tpu.matmul %slice3A_51, %slice3A_52, %dot_general3A_53 {dimension_numbers = #tpu.dot_dimension_numbers<[1], [1], [0], [0], [0, 0, 1, 0], [], []>, transpose_lhs_hint = false} : vector<20x64xf32>, vector<200x64xf32>, vector<20x200xf32> -> vector<20x200xf32>
    %slice3A_55 = vector.extract_strided_slice %mul3A_11 {offsets = [160, 0], sizes = [20, 64], strides = [1, 1]} : vector<640x64xf32> to vector<20x64xf32>
    %slice3A_56 = vector.extract_strided_slice %mul3A_24 {offsets = [1600, 0], sizes = [200, 64], strides = [1, 1]} : vector<6400x64xf32> to vector<200x64xf32>
    %dot_general3A_57 = arith.constant dense<0.000000e+00> : vector<20x200xf32>
    %dot_general3A_58 = tpu.matmul %slice3A_55, %slice3A_56, %dot_general3A_57 {dimension_numbers = #tpu.dot_dimension_numbers<[1], [1], [0], [0], [0, 0, 1, 0], [], []>, transpose_lhs_hint = false} : vector<20x64xf32>, vector<200x64xf32>, vector<20x200xf32> -> vector<20x200xf32>
    %slice3A_59 = vector.extract_strided_slice %mul3A_11 {offsets = [180, 0], sizes = [20, 64], strides = [1, 1]} : vector<640x64xf32> to vector<20x64xf32>
    %slice3A_60 = vector.extract_strided_slice %mul3A_24 {offsets = [1800, 0], sizes = [200, 64], strides = [1, 1]} : vector<6400x64xf32> to vector<200x64xf32>
    %dot_general3A_61 = arith.constant dense<0.000000e+00> : vector<20x200xf32>
    %dot_general3A_62 = tpu.matmul %slice3A_59, %slice3A_60, %dot_general3A_61 {dimension_numbers = #tpu.dot_dimension_numbers<[1], [1], [0], [0], [0, 0, 1, 0], [], []>, transpose_lhs_hint = false} : vector<20x64xf32>, vector<200x64xf32>, vector<20x200xf32> -> vector<20x200xf32>
    %slice3A_63 = vector.extract_strided_slice %mul3A_11 {offsets = [200, 0], sizes = [20, 64], strides = [1, 1]} : vector<640x64xf32> to vector<20x64xf32>
    %slice3A_64 = vector.extract_strided_slice %mul3A_24 {offsets = [2000, 0], sizes = [200, 64], strides = [1, 1]} : vector<6400x64xf32> to vector<200x64xf32>
    %dot_general3A_65 = arith.constant dense<0.000000e+00> : vector<20x200xf32>
    %dot_general3A_66 = tpu.matmul %slice3A_63, %slice3A_64, %dot_general3A_65 {dimension_numbers = #tpu.dot_dimension_numbers<[1], [1], [0], [0], [0, 0, 1, 0], [], []>, transpose_lhs_hint = false} : vector<20x64xf32>, vector<200x64xf32>, vector<20x200xf32> -> vector<20x200xf32>
    %slice3A_67 = vector.extract_strided_slice %mul3A_11 {offsets = [220, 0], sizes = [20, 64], strides = [1, 1]} : vector<640x64xf32> to vector<20x64xf32>
    %slice3A_68 = vector.extract_strided_slice %mul3A_24 {offsets = [2200, 0], sizes = [200, 64], strides = [1, 1]} : vector<6400x64xf32> to vector<200x64xf32>
    %dot_general3A_69 = arith.constant dense<0.000000e+00> : vector<20x200xf32>
    %dot_general3A_70 = tpu.matmul %slice3A_67, %slice3A_68, %dot_general3A_69 {dimension_numbers = #tpu.dot_dimension_numbers<[1], [1], [0], [0], [0, 0, 1, 0], [], []>, transpose_lhs_hint = false} : vector<20x64xf32>, vector<200x64xf32>, vector<20x200xf32> -> vector<20x200xf32>
    %slice3A_71 = vector.extract_strided_slice %mul3A_11 {offsets = [240, 0], sizes = [20, 64], strides = [1, 1]} : vector<640x64xf32> to vector<20x64xf32>
    %slice3A_72 = vector.extract_strided_slice %mul3A_24 {offsets = [2400, 0], sizes = [200, 64], strides = [1, 1]} : vector<6400x64xf32> to vector<200x64xf32>
    %dot_general3A_73 = arith.constant dense<0.000000e+00> : vector<20x200xf32>
    %dot_general3A_74 = tpu.matmul %slice3A_71, %slice3A_72, %dot_general3A_73 {dimension_numbers = #tpu.dot_dimension_numbers<[1], [1], [0], [0], [0, 0, 1, 0], [], []>, transpose_lhs_hint = false} : vector<20x64xf32>, vector<200x64xf32>, vector<20x200xf32> -> vector<20x200xf32>
    %slice3A_75 = vector.extract_strided_slice %mul3A_11 {offsets = [260, 0], sizes = [20, 64], strides = [1, 1]} : vector<640x64xf32> to vector<20x64xf32>
    %slice3A_76 = vector.extract_strided_slice %mul3A_24 {offsets = [2600, 0], sizes = [200, 64], strides = [1, 1]} : vector<6400x64xf32> to vector<200x64xf32>
    %dot_general3A_77 = arith.constant dense<0.000000e+00> : vector<20x200xf32>
    %dot_general3A_78 = tpu.matmul %slice3A_75, %slice3A_76, %dot_general3A_77 {dimension_numbers = #tpu.dot_dimension_numbers<[1], [1], [0], [0], [0, 0, 1, 0], [], []>, transpose_lhs_hint = false} : vector<20x64xf32>, vector<200x64xf32>, vector<20x200xf32> -> vector<20x200xf32>
    %slice3A_79 = vector.extract_strided_slice %mul3A_11 {offsets = [280, 0], sizes = [20, 64], strides = [1, 1]} : vector<640x64xf32> to vector<20x64xf32>
    %slice3A_80 = vector.extract_strided_slice %mul3A_24 {offsets = [2800, 0], sizes = [200, 64], strides = [1, 1]} : vector<6400x64xf32> to vector<200x64xf32>
    %dot_general3A_81 = arith.constant dense<0.000000e+00> : vector<20x200xf32>
    %dot_general3A_82 = tpu.matmul %slice3A_79, %slice3A_80, %dot_general3A_81 {dimension_numbers = #tpu.dot_dimension_numbers<[1], [1], [0], [0], [0, 0, 1, 0], [], []>, transpose_lhs_hint = false} : vector<20x64xf32>, vector<200x64xf32>, vector<20x200xf32> -> vector<20x200xf32>
    %slice3A_83 = vector.extract_strided_slice %mul3A_11 {offsets = [300, 0], sizes = [20, 64], strides = [1, 1]} : vector<640x64xf32> to vector<20x64xf32>
    %slice3A_84 = vector.extract_strided_slice %mul3A_24 {offsets = [3000, 0], sizes = [200, 64], strides = [1, 1]} : vector<6400x64xf32> to vector<200x64xf32>
    %dot_general3A_85 = arith.constant dense<0.000000e+00> : vector<20x200xf32>
    %dot_general3A_86 = tpu.matmul %slice3A_83, %slice3A_84, %dot_general3A_85 {dimension_numbers = #tpu.dot_dimension_numbers<[1], [1], [0], [0], [0, 0, 1, 0], [], []>, transpose_lhs_hint = false} : vector<20x64xf32>, vector<200x64xf32>, vector<20x200xf32> -> vector<20x200xf32>
    %slice3A_87 = vector.extract_strided_slice %mul3A_11 {offsets = [320, 0], sizes = [20, 64], strides = [1, 1]} : vector<640x64xf32> to vector<20x64xf32>
    %slice3A_88 = vector.extract_strided_slice %mul3A_24 {offsets = [3200, 0], sizes = [200, 64], strides = [1, 1]} : vector<6400x64xf32> to vector<200x64xf32>
    %dot_general3A_89 = arith.constant dense<0.000000e+00> : vector<20x200xf32>
    %dot_general3A_90 = tpu.matmul %slice3A_87, %slice3A_88, %dot_general3A_89 {dimension_numbers = #tpu.dot_dimension_numbers<[1], [1], [0], [0], [0, 0, 1, 0], [], []>, transpose_lhs_hint = false} : vector<20x64xf32>, vector<200x64xf32>, vector<20x200xf32> -> vector<20x200xf32>
    %slice3A_91 = vector.extract_strided_slice %mul3A_11 {offsets = [340, 0], sizes = [20, 64], strides = [1, 1]} : vector<640x64xf32> to vector<20x64xf32>
    %slice3A_92 = vector.extract_strided_slice %mul3A_24 {offsets = [3400, 0], sizes = [200, 64], strides = [1, 1]} : vector<6400x64xf32> to vector<200x64xf32>
    %dot_general3A_93 = arith.constant dense<0.000000e+00> : vector<20x200xf32>
    %dot_general3A_94 = tpu.matmul %slice3A_91, %slice3A_92, %dot_general3A_93 {dimension_numbers = #tpu.dot_dimension_numbers<[1], [1], [0], [0], [0, 0, 1, 0], [], []>, transpose_lhs_hint = false} : vector<20x64xf32>, vector<200x64xf32>, vector<20x200xf32> -> vector<20x200xf32>
    %slice3A_95 = vector.extract_strided_slice %mul3A_11 {offsets = [360, 0], sizes = [20, 64], strides = [1, 1]} : vector<640x64xf32> to vector<20x64xf32>
    %slice3A_96 = vector.extract_strided_slice %mul3A_24 {offsets = [3600, 0], sizes = [200, 64], strides = [1, 1]} : vector<6400x64xf32> to vector<200x64xf32>
    %dot_general3A_97 = arith.constant dense<0.000000e+00> : vector<20x200xf32>
    %dot_general3A_98 = tpu.matmul %slice3A_95, %slice3A_96, %dot_general3A_97 {dimension_numbers = #tpu.dot_dimension_numbers<[1], [1], [0], [0], [0, 0, 1, 0], [], []>, transpose_lhs_hint = false} : vector<20x64xf32>, vector<200x64xf32>, vector<20x200xf32> -> vector<20x200xf32>
    %slice3A_99 = vector.extract_strided_slice %mul3A_11 {offsets = [380, 0], sizes = [20, 64], strides = [1, 1]} : vector<640x64xf32> to vector<20x64xf32>
    %slice3A_100 = vector.extract_strided_slice %mul3A_24 {offsets = [3800, 0], sizes = [200, 64], strides = [1, 1]} : vector<6400x64xf32> to vector<200x64xf32>
    %dot_general3A_101 = arith.constant dense<0.000000e+00> : vector<20x200xf32>
    %dot_general3A_102 = tpu.matmul %slice3A_99, %slice3A_100, %dot_general3A_101 {dimension_numbers = #tpu.dot_dimension_numbers<[1], [1], [0], [0], [0, 0, 1, 0], [], []>, transpose_lhs_hint = false} : vector<20x64xf32>, vector<200x64xf32>, vector<20x200xf32> -> vector<20x200xf32>
    %slice3A_103 = vector.extract_strided_slice %mul3A_11 {offsets = [400, 0], sizes = [20, 64], strides = [1, 1]} : vector<640x64xf32> to vector<20x64xf32>
    %slice3A_104 = vector.extract_strided_slice %mul3A_24 {offsets = [4000, 0], sizes = [200, 64], strides = [1, 1]} : vector<6400x64xf32> to vector<200x64xf32>
    %dot_general3A_105 = arith.constant dense<0.000000e+00> : vector<20x200xf32>
    %dot_general3A_106 = tpu.matmul %slice3A_103, %slice3A_104, %dot_general3A_105 {dimension_numbers = #tpu.dot_dimension_numbers<[1], [1], [0], [0], [0, 0, 1, 0], [], []>, transpose_lhs_hint = false} : vector<20x64xf32>, vector<200x64xf32>, vector<20x200xf32> -> vector<20x200xf32>
    %slice3A_107 = vector.extract_strided_slice %mul3A_11 {offsets = [420, 0], sizes = [20, 64], strides = [1, 1]} : vector<640x64xf32> to vector<20x64xf32>
    %slice3A_108 = vector.extract_strided_slice %mul3A_24 {offsets = [4200, 0], sizes = [200, 64], strides = [1, 1]} : vector<6400x64xf32> to vector<200x64xf32>
    %dot_general3A_109 = arith.constant dense<0.000000e+00> : vector<20x200xf32>
    %dot_general3A_110 = tpu.matmul %slice3A_107, %slice3A_108, %dot_general3A_109 {dimension_numbers = #tpu.dot_dimension_numbers<[1], [1], [0], [0], [0, 0, 1, 0], [], []>, transpose_lhs_hint = false} : vector<20x64xf32>, vector<200x64xf32>, vector<20x200xf32> -> vector<20x200xf32>
    %slice3A_111 = vector.extract_strided_slice %mul3A_11 {offsets = [440, 0], sizes = [20, 64], strides = [1, 1]} : vector<640x64xf32> to vector<20x64xf32>
    %slice3A_112 = vector.extract_strided_slice %mul3A_24 {offsets = [4400, 0], sizes = [200, 64], strides = [1, 1]} : vector<6400x64xf32> to vector<200x64xf32>
    %dot_general3A_113 = arith.constant dense<0.000000e+00> : vector<20x200xf32>
    %dot_general3A_114 = tpu.matmul %slice3A_111, %slice3A_112, %dot_general3A_113 {dimension_numbers = #tpu.dot_dimension_numbers<[1], [1], [0], [0], [0, 0, 1, 0], [], []>, transpose_lhs_hint = false} : vector<20x64xf32>, vector<200x64xf32>, vector<20x200xf32> -> vector<20x200xf32>
    %slice3A_115 = vector.extract_strided_slice %mul3A_11 {offsets = [460, 0], sizes = [20, 64], strides = [1, 1]} : vector<640x64xf32> to vector<20x64xf32>
    %slice3A_116 = vector.extract_strided_slice %mul3A_24 {offsets = [4600, 0], sizes = [200, 64], strides = [1, 1]} : vector<6400x64xf32> to vector<200x64xf32>
    %dot_general3A_117 = arith.constant dense<0.000000e+00> : vector<20x200xf32>
    %dot_general3A_118 = tpu.matmul %slice3A_115, %slice3A_116, %dot_general3A_117 {dimension_numbers = #tpu.dot_dimension_numbers<[1], [1], [0], [0], [0, 0, 1, 0], [], []>, transpose_lhs_hint = false} : vector<20x64xf32>, vector<200x64xf32>, vector<20x200xf32> -> vector<20x200xf32>
    %slice3A_119 = vector.extract_strided_slice %mul3A_11 {offsets = [480, 0], sizes = [20, 64], strides = [1, 1]} : vector<640x64xf32> to vector<20x64xf32>
    %slice3A_120 = vector.extract_strided_slice %mul3A_24 {offsets = [4800, 0], sizes = [200, 64], strides = [1, 1]} : vector<6400x64xf32> to vector<200x64xf32>
    %dot_general3A_121 = arith.constant dense<0.000000e+00> : vector<20x200xf32>
    %dot_general3A_122 = tpu.matmul %slice3A_119, %slice3A_120, %dot_general3A_121 {dimension_numbers = #tpu.dot_dimension_numbers<[1], [1], [0], [0], [0, 0, 1, 0], [], []>, transpose_lhs_hint = false} : vector<20x64xf32>, vector<200x64xf32>, vector<20x200xf32> -> vector<20x200xf32>
    %slice3A_123 = vector.extract_strided_slice %mul3A_11 {offsets = [500, 0], sizes = [20, 64], strides = [1, 1]} : vector<640x64xf32> to vector<20x64xf32>
    %slice3A_124 = vector.extract_strided_slice %mul3A_24 {offsets = [5000, 0], sizes = [200, 64], strides = [1, 1]} : vector<6400x64xf32> to vector<200x64xf32>
    %dot_general3A_125 = arith.constant dense<0.000000e+00> : vector<20x200xf32>
    %dot_general3A_126 = tpu.matmul %slice3A_123, %slice3A_124, %dot_general3A_125 {dimension_numbers = #tpu.dot_dimension_numbers<[1], [1], [0], [0], [0, 0, 1, 0], [], []>, transpose_lhs_hint = false} : vector<20x64xf32>, vector<200x64xf32>, vector<20x200xf32> -> vector<20x200xf32>
    %slice3A_127 = vector.extract_strided_slice %mul3A_11 {offsets = [520, 0], sizes = [20, 64], strides = [1, 1]} : vector<640x64xf32> to vector<20x64xf32>
    %slice3A_128 = vector.extract_strided_slice %mul3A_24 {offsets = [5200, 0], sizes = [200, 64], strides = [1, 1]} : vector<6400x64xf32> to vector<200x64xf32>
    %dot_general3A_129 = arith.constant dense<0.000000e+00> : vector<20x200xf32>
    %dot_general3A_130 = tpu.matmul %slice3A_127, %slice3A_128, %dot_general3A_129 {dimension_numbers = #tpu.dot_dimension_numbers<[1], [1], [0], [0], [0, 0, 1, 0], [], []>, transpose_lhs_hint = false} : vector<20x64xf32>, vector<200x64xf32>, vector<20x200xf32> -> vector<20x200xf32>
    %slice3A_131 = vector.extract_strided_slice %mul3A_11 {offsets = [540, 0], sizes = [20, 64], strides = [1, 1]} : vector<640x64xf32> to vector<20x64xf32>
    %slice3A_132 = vector.extract_strided_slice %mul3A_24 {offsets = [5400, 0], sizes = [200, 64], strides = [1, 1]} : vector<6400x64xf32> to vector<200x64xf32>
    %dot_general3A_133 = arith.constant dense<0.000000e+00> : vector<20x200xf32>
    %dot_general3A_134 = tpu.matmul %slice3A_131, %slice3A_132, %dot_general3A_133 {dimension_numbers = #tpu.dot_dimension_numbers<[1], [1], [0], [0], [0, 0, 1, 0], [], []>, transpose_lhs_hint = false} : vector<20x64xf32>, vector<200x64xf32>, vector<20x200xf32> -> vector<20x200xf32>
    %slice3A_135 = vector.extract_strided_slice %mul3A_11 {offsets = [560, 0], sizes = [20, 64], strides = [1, 1]} : vector<640x64xf32> to vector<20x64xf32>
    %slice3A_136 = vector.extract_strided_slice %mul3A_24 {offsets = [5600, 0], sizes = [200, 64], strides = [1, 1]} : vector<6400x64xf32> to vector<200x64xf32>
    %dot_general3A_137 = arith.constant dense<0.000000e+00> : vector<20x200xf32>
    %dot_general3A_138 = tpu.matmul %slice3A_135, %slice3A_136, %dot_general3A_137 {dimension_numbers = #tpu.dot_dimension_numbers<[1], [1], [0], [0], [0, 0, 1, 0], [], []>, transpose_lhs_hint = false} : vector<20x64xf32>, vector<200x64xf32>, vector<20x200xf32> -> vector<20x200xf32>
    %slice3A_139 = vector.extract_strided_slice %mul3A_11 {offsets = [580, 0], sizes = [20, 64], strides = [1, 1]} : vector<640x64xf32> to vector<20x64xf32>
    %slice3A_140 = vector.extract_strided_slice %mul3A_24 {offsets = [5800, 0], sizes = [200, 64], strides = [1, 1]} : vector<6400x64xf32> to vector<200x64xf32>
    %dot_general3A_141 = arith.constant dense<0.000000e+00> : vector<20x200xf32>
    %dot_general3A_142 = tpu.matmul %slice3A_139, %slice3A_140, %dot_general3A_141 {dimension_numbers = #tpu.dot_dimension_numbers<[1], [1], [0], [0], [0, 0, 1, 0], [], []>, transpose_lhs_hint = false} : vector<20x64xf32>, vector<200x64xf32>, vector<20x200xf32> -> vector<20x200xf32>
    %slice3A_143 = vector.extract_strided_slice %mul3A_11 {offsets = [600, 0], sizes = [20, 64], strides = [1, 1]} : vector<640x64xf32> to vector<20x64xf32>
    %slice3A_144 = vector.extract_strided_slice %mul3A_24 {offsets = [6000, 0], sizes = [200, 64], strides = [1, 1]} : vector<6400x64xf32> to vector<200x64xf32>
    %dot_general3A_145 = arith.constant dense<0.000000e+00> : vector<20x200xf32>
    %dot_general3A_146 = tpu.matmul %slice3A_143, %slice3A_144, %dot_general3A_145 {dimension_numbers = #tpu.dot_dimension_numbers<[1], [1], [0], [0], [0, 0, 1, 0], [], []>, transpose_lhs_hint = false} : vector<20x64xf32>, vector<200x64xf32>, vector<20x200xf32> -> vector<20x200xf32>
    %slice3A_147 = vector.extract_strided_slice %mul3A_11 {offsets = [620, 0], sizes = [20, 64], strides = [1, 1]} : vector<640x64xf32> to vector<20x64xf32>
    %slice3A_148 = vector.extract_strided_slice %mul3A_24 {offsets = [6200, 0], sizes = [200, 64], strides = [1, 1]} : vector<6400x64xf32> to vector<200x64xf32>
    %dot_general3A_149 = arith.constant dense<0.000000e+00> : vector<20x200xf32>
    %dot_general3A_150 = tpu.matmul %slice3A_147, %slice3A_148, %dot_general3A_149 {dimension_numbers = #tpu.dot_dimension_numbers<[1], [1], [0], [0], [0, 0, 1, 0], [], []>, transpose_lhs_hint = false} : vector<20x64xf32>, vector<200x64xf32>, vector<20x200xf32> -> vector<20x200xf32>
    %concatenate3A = tpu.concatenate %dot_general3A_26, %dot_general3A_30, %dot_general3A_34, %dot_general3A_38, %dot_general3A_42, %dot_general3A_46, %dot_general3A_50, %dot_general3A_54, %dot_general3A_58, %dot_general3A_62, %dot_general3A_66, %dot_general3A_70, %dot_general3A_74, %dot_general3A_78, %dot_general3A_82, %dot_general3A_86, %dot_general3A_90, %dot_general3A_94, %dot_general3A_98, %dot_general3A_102, %dot_general3A_106, %dot_general3A_110, %dot_general3A_114, %dot_general3A_118, %dot_general3A_122, %dot_general3A_126, %dot_general3A_130, %dot_general3A_134, %dot_general3A_138, %dot_general3A_142, %dot_general3A_146, %dot_general3A_150 in 0 : vector<20x200xf32>, vector<20x200xf32>, vector<20x200xf32>, vector<20x200xf32>, vector<20x200xf32>, vector<20x200xf32>, vector<20x200xf32>, vector<20x200xf32>, vector<20x200xf32>, vector<20x200xf32>, vector<20x200xf32>, vector<20x200xf32>, vector<20x200xf32>, vector<20x200xf32>, vector<20x200xf32>, vector<20x200xf32>, vector<20x200xf32>, vector<20x200xf32>, vector<20x200xf32>, vector<20x200xf32>, vector<20x200xf32>, vector<20x200xf32>, vector<20x200xf32>, vector<20x200xf32>, vector<20x200xf32>, vector<20x200xf32>, vector<20x200xf32>, vector<20x200xf32>, vector<20x200xf32>, vector<20x200xf32>, vector<20x200xf32>, vector<20x200xf32> -> vector<640x200xf32>
    %bitcast_convert_type3A = tpu.bitcast %concatenate3A : vector<640x200xf32> -> vector<640x200xi32>
    %ge3A = arith.constant 0 : i32
    %ge3A_151 = vector.broadcast %ge3A : i32 to vector<640x200xi32>
    %ge3A_152 = arith.cmpi sge, %bitcast_convert_type3A, %ge3A_151 : vector<640x200xi32>
    %xor3A = arith.constant 2147483647 : i32
    %xor3A_153 = vector.broadcast %xor3A : i32 to vector<640x200xi32>
    %xor3A_154 = arith.xori %bitcast_convert_type3A, %xor3A_153 : vector<640x200xi32>
    %select_n3A = arith.select %ge3A_152, %bitcast_convert_type3A, %xor3A_154 : vector<640x200xi1>, vector<640x200xi32>
    %iota3A = tpu.iota {dimensions = array<i32: 1>} : vector<640x200xi32>
    %and3A = arith.constant -256 : i32
    %and3A_155 = vector.broadcast %and3A : i32 to vector<640x200xi32>
    %and3A_156 = arith.andi %select_n3A, %and3A_155 : vector<640x200xi32>
    %or3A = arith.ori %and3A_156, %iota3A : vector<640x200xi32>
    %ge3A_157 = arith.constant 0 : i32
    %ge3A_158 = vector.broadcast %ge3A_157 : i32 to vector<640x200xi32>
    %ge3A_159 = arith.cmpi sge, %or3A, %ge3A_158 : vector<640x200xi32>
    %xor3A_160 = arith.constant 2147483647 : i32
    %xor3A_161 = vector.broadcast %xor3A_160 : i32 to vector<640x200xi32>
    %xor3A_162 = arith.xori %or3A, %xor3A_161 : vector<640x200xi32>
    %select_n3A_163 = arith.select %ge3A_159, %or3A, %xor3A_162 : vector<640x200xi1>, vector<640x200xi32>
    %bitcast_convert_type3A_164 = tpu.bitcast %select_n3A_163 : vector<640x200xi32> -> vector<640x200xf32>
    %slice3A_165 = vector.extract_strided_slice %bitcast_convert_type3A_164 {offsets = [0, 0], sizes = [640, 128], strides = [1, 1]} : vector<640x200xf32> to vector<640x128xf32>
    %slice3A_166 = vector.extract_strided_slice %bitcast_convert_type3A_164 {offsets = [0, 128], sizes = [640, 72], strides = [1, 1]} : vector<640x200xf32> to vector<640x72xf32>
    %broadcast_in_dim3A_167 = arith.constant 0xFF800000 : f32
    %broadcast_in_dim3A_168 = vector.broadcast %broadcast_in_dim3A_167 : f32 to vector<640x56xf32>
    %concatenate3A_169 = tpu.concatenate %slice3A_166, %broadcast_in_dim3A_168 in 1 : vector<640x72xf32>, vector<640x56xf32> -> vector<640x128xf32>
    %max3A = arith.maximumf %slice3A_165, %concatenate3A_169 : vector<640x128xf32>
    %min3A = arith.minimumf %slice3A_165, %concatenate3A_169 : vector<640x128xf32>
    %reduce_max3A = arith.constant dense<0xFF800000> : vector<640xf32>
    %reduce_max3A_170 = vector.multi_reduction <maximumf>, %max3A, %reduce_max3A [1] : vector<640x128xf32> to vector<640xf32>
    %broadcast_in_dim3A_171 = vector.shape_cast %reduce_max3A_170 : vector<640xf32> to vector<640x1xf32>
    %eq3A = vector.broadcast %broadcast_in_dim3A_171 : vector<640x1xf32> to vector<640x128xf32>
    %eq3A_172 = arith.cmpf oeq, %max3A, %eq3A : vector<640x128xf32>
    %select_n3A_173 = arith.select %eq3A_172, %min3A, %max3A : vector<640x128xi1>, vector<640x128xf32>
    %jit3A = arith.constant 0xFF800000 : f32
    %broadcast_in_dim3A_174 = vector.broadcast %jit3A : f32 to vector<640x128xf32>
    %select_n3A_175 = arith.select %eq3A_172, %broadcast_in_dim3A_174, %min3A : vector<640x128xi1>, vector<640x128xf32>
    %reduce_max3A_176 = arith.constant dense<0xFF800000> : vector<640xf32>
    %reduce_max3A_177 = vector.multi_reduction <maximumf>, %select_n3A_173, %reduce_max3A_176 [1] : vector<640x128xf32> to vector<640xf32>
    %broadcast_in_dim3A_178 = vector.shape_cast %reduce_max3A_177 : vector<640xf32> to vector<640x1xf32>
    %eq3A_179 = vector.broadcast %broadcast_in_dim3A_178 : vector<640x1xf32> to vector<640x128xf32>
    %eq3A_180 = arith.cmpf oeq, %select_n3A_173, %eq3A_179 : vector<640x128xf32>
    %select_n3A_181 = arith.select %eq3A_180, %select_n3A_175, %select_n3A_173 : vector<640x128xi1>, vector<640x128xf32>
    %jit3A_182 = arith.constant 0xFF800000 : f32
    %broadcast_in_dim3A_183 = vector.broadcast %jit3A_182 : f32 to vector<640x128xf32>
    %select_n3A_184 = arith.select %eq3A_180, %broadcast_in_dim3A_183, %select_n3A_175 : vector<640x128xi1>, vector<640x128xf32>
    %reduce_max3A_185 = arith.constant dense<0xFF800000> : vector<640xf32>
    %reduce_max3A_186 = vector.multi_reduction <maximumf>, %select_n3A_181, %reduce_max3A_185 [1] : vector<640x128xf32> to vector<640xf32>
    %broadcast_in_dim3A_187 = vector.shape_cast %reduce_max3A_186 : vector<640xf32> to vector<640x1xf32>
    %eq3A_188 = vector.broadcast %broadcast_in_dim3A_187 : vector<640x1xf32> to vector<640x128xf32>
    %eq3A_189 = arith.cmpf oeq, %select_n3A_181, %eq3A_188 : vector<640x128xf32>
    %select_n3A_190 = arith.select %eq3A_189, %select_n3A_184, %select_n3A_181 : vector<640x128xi1>, vector<640x128xf32>
    %jit3A_191 = arith.constant 0xFF800000 : f32
    %broadcast_in_dim3A_192 = vector.broadcast %jit3A_191 : f32 to vector<640x128xf32>
    %select_n3A_193 = arith.select %eq3A_189, %broadcast_in_dim3A_192, %select_n3A_184 : vector<640x128xi1>, vector<640x128xf32>
    %reduce_max3A_194 = arith.constant dense<0xFF800000> : vector<640xf32>
    %reduce_max3A_195 = vector.multi_reduction <maximumf>, %select_n3A_190, %reduce_max3A_194 [1] : vector<640x128xf32> to vector<640xf32>
    %broadcast_in_dim3A_196 = vector.shape_cast %reduce_max3A_195 : vector<640xf32> to vector<640x1xf32>
    %eq3A_197 = vector.broadcast %broadcast_in_dim3A_196 : vector<640x1xf32> to vector<640x128xf32>
    %eq3A_198 = arith.cmpf oeq, %select_n3A_190, %eq3A_197 : vector<640x128xf32>
    %select_n3A_199 = arith.select %eq3A_198, %select_n3A_193, %select_n3A_190 : vector<640x128xi1>, vector<640x128xf32>
    %jit3A_200 = arith.constant 0xFF800000 : f32
    %broadcast_in_dim3A_201 = vector.broadcast %jit3A_200 : f32 to vector<640x128xf32>
    %select_n3A_202 = arith.select %eq3A_198, %broadcast_in_dim3A_201, %select_n3A_193 : vector<640x128xi1>, vector<640x128xf32>
    %reduce_max3A_203 = arith.constant dense<0xFF800000> : vector<640xf32>
    %reduce_max3A_204 = vector.multi_reduction <maximumf>, %select_n3A_199, %reduce_max3A_203 [1] : vector<640x128xf32> to vector<640xf32>
    %broadcast_in_dim3A_205 = vector.shape_cast %reduce_max3A_204 : vector<640xf32> to vector<640x1xf32>
    %eq3A_206 = vector.broadcast %broadcast_in_dim3A_205 : vector<640x1xf32> to vector<640x128xf32>
    %eq3A_207 = arith.cmpf oeq, %select_n3A_199, %eq3A_206 : vector<640x128xf32>
    %select_n3A_208 = arith.select %eq3A_207, %select_n3A_202, %select_n3A_199 : vector<640x128xi1>, vector<640x128xf32>
    %jit3A_209 = arith.constant 0xFF800000 : f32
    %broadcast_in_dim3A_210 = vector.broadcast %jit3A_209 : f32 to vector<640x128xf32>
    %select_n3A_211 = arith.select %eq3A_207, %broadcast_in_dim3A_210, %select_n3A_202 : vector<640x128xi1>, vector<640x128xf32>
    %reduce_max3A_212 = arith.constant dense<0xFF800000> : vector<640xf32>
    %reduce_max3A_213 = vector.multi_reduction <maximumf>, %select_n3A_208, %reduce_max3A_212 [1] : vector<640x128xf32> to vector<640xf32>
    %broadcast_in_dim3A_214 = vector.shape_cast %reduce_max3A_213 : vector<640xf32> to vector<640x1xf32>
    %eq3A_215 = vector.broadcast %broadcast_in_dim3A_214 : vector<640x1xf32> to vector<640x128xf32>
    %eq3A_216 = arith.cmpf oeq, %select_n3A_208, %eq3A_215 : vector<640x128xf32>
    %select_n3A_217 = arith.select %eq3A_216, %select_n3A_211, %select_n3A_208 : vector<640x128xi1>, vector<640x128xf32>
    %jit3A_218 = arith.constant 0xFF800000 : f32
    %broadcast_in_dim3A_219 = vector.broadcast %jit3A_218 : f32 to vector<640x128xf32>
    %select_n3A_220 = arith.select %eq3A_216, %broadcast_in_dim3A_219, %select_n3A_211 : vector<640x128xi1>, vector<640x128xf32>
    %reduce_max3A_221 = arith.constant dense<0xFF800000> : vector<640xf32>
    %reduce_max3A_222 = vector.multi_reduction <maximumf>, %select_n3A_217, %reduce_max3A_221 [1] : vector<640x128xf32> to vector<640xf32>
    %broadcast_in_dim3A_223 = vector.shape_cast %reduce_max3A_222 : vector<640xf32> to vector<640x1xf32>
    %eq3A_224 = vector.broadcast %broadcast_in_dim3A_223 : vector<640x1xf32> to vector<640x128xf32>
    %eq3A_225 = arith.cmpf oeq, %select_n3A_217, %eq3A_224 : vector<640x128xf32>
    %select_n3A_226 = arith.select %eq3A_225, %select_n3A_220, %select_n3A_217 : vector<640x128xi1>, vector<640x128xf32>
    %jit3A_227 = arith.constant 0xFF800000 : f32
    %broadcast_in_dim3A_228 = vector.broadcast %jit3A_227 : f32 to vector<640x128xf32>
    %select_n3A_229 = arith.select %eq3A_225, %broadcast_in_dim3A_228, %select_n3A_220 : vector<640x128xi1>, vector<640x128xf32>
    %reduce_max3A_230 = arith.constant dense<0xFF800000> : vector<640xf32>
    %reduce_max3A_231 = vector.multi_reduction <maximumf>, %select_n3A_226, %reduce_max3A_230 [1] : vector<640x128xf32> to vector<640xf32>
    %broadcast_in_dim3A_232 = vector.shape_cast %reduce_max3A_231 : vector<640xf32> to vector<640x1xf32>
    %eq3A_233 = vector.broadcast %broadcast_in_dim3A_232 : vector<640x1xf32> to vector<640x128xf32>
    %eq3A_234 = arith.cmpf oeq, %select_n3A_226, %eq3A_233 : vector<640x128xf32>
    %select_n3A_235 = arith.select %eq3A_234, %select_n3A_229, %select_n3A_226 : vector<640x128xi1>, vector<640x128xf32>
    %jit3A_236 = arith.constant 0xFF800000 : f32
    %broadcast_in_dim3A_237 = vector.broadcast %jit3A_236 : f32 to vector<640x128xf32>
    %select_n3A_238 = arith.select %eq3A_234, %broadcast_in_dim3A_237, %select_n3A_229 : vector<640x128xi1>, vector<640x128xf32>
    %reduce_max3A_239 = arith.constant dense<0xFF800000> : vector<640xf32>
    %reduce_max3A_240 = vector.multi_reduction <maximumf>, %select_n3A_235, %reduce_max3A_239 [1] : vector<640x128xf32> to vector<640xf32>
    %broadcast_in_dim3A_241 = vector.shape_cast %reduce_max3A_240 : vector<640xf32> to vector<640x1xf32>
    %eq3A_242 = vector.broadcast %broadcast_in_dim3A_241 : vector<640x1xf32> to vector<640x128xf32>
    %eq3A_243 = arith.cmpf oeq, %select_n3A_235, %eq3A_242 : vector<640x128xf32>
    %select_n3A_244 = arith.select %eq3A_243, %select_n3A_238, %select_n3A_235 : vector<640x128xi1>, vector<640x128xf32>
    %jit3A_245 = arith.constant 0xFF800000 : f32
    %broadcast_in_dim3A_246 = vector.broadcast %jit3A_245 : f32 to vector<640x128xf32>
    %select_n3A_247 = arith.select %eq3A_243, %broadcast_in_dim3A_246, %select_n3A_238 : vector<640x128xi1>, vector<640x128xf32>
    %reduce_max3A_248 = arith.constant dense<0xFF800000> : vector<640xf32>
    %reduce_max3A_249 = vector.multi_reduction <maximumf>, %select_n3A_244, %reduce_max3A_248 [1] : vector<640x128xf32> to vector<640xf32>
    %broadcast_in_dim3A_250 = vector.shape_cast %reduce_max3A_249 : vector<640xf32> to vector<640x1xf32>
    %eq3A_251 = vector.broadcast %broadcast_in_dim3A_250 : vector<640x1xf32> to vector<640x128xf32>
    %eq3A_252 = arith.cmpf oeq, %select_n3A_244, %eq3A_251 : vector<640x128xf32>
    %select_n3A_253 = arith.select %eq3A_252, %select_n3A_247, %select_n3A_244 : vector<640x128xi1>, vector<640x128xf32>
    %jit3A_254 = arith.constant 0xFF800000 : f32
    %broadcast_in_dim3A_255 = vector.broadcast %jit3A_254 : f32 to vector<640x128xf32>
    %select_n3A_256 = arith.select %eq3A_252, %broadcast_in_dim3A_255, %select_n3A_247 : vector<640x128xi1>, vector<640x128xf32>
    %reduce_max3A_257 = arith.constant dense<0xFF800000> : vector<640xf32>
    %reduce_max3A_258 = vector.multi_reduction <maximumf>, %select_n3A_253, %reduce_max3A_257 [1] : vector<640x128xf32> to vector<640xf32>
    %broadcast_in_dim3A_259 = vector.shape_cast %reduce_max3A_258 : vector<640xf32> to vector<640x1xf32>
    %eq3A_260 = vector.broadcast %broadcast_in_dim3A_259 : vector<640x1xf32> to vector<640x128xf32>
    %eq3A_261 = arith.cmpf oeq, %select_n3A_253, %eq3A_260 : vector<640x128xf32>
    %select_n3A_262 = arith.select %eq3A_261, %select_n3A_256, %select_n3A_253 : vector<640x128xi1>, vector<640x128xf32>
    %jit3A_263 = arith.constant 0xFF800000 : f32
    %broadcast_in_dim3A_264 = vector.broadcast %jit3A_263 : f32 to vector<640x128xf32>
    %select_n3A_265 = arith.select %eq3A_261, %broadcast_in_dim3A_264, %select_n3A_256 : vector<640x128xi1>, vector<640x128xf32>
    %reduce_max3A_266 = arith.constant dense<0xFF800000> : vector<640xf32>
    %reduce_max3A_267 = vector.multi_reduction <maximumf>, %select_n3A_262, %reduce_max3A_266 [1] : vector<640x128xf32> to vector<640xf32>
    %broadcast_in_dim3A_268 = vector.shape_cast %reduce_max3A_267 : vector<640xf32> to vector<640x1xf32>
    %eq3A_269 = vector.broadcast %broadcast_in_dim3A_268 : vector<640x1xf32> to vector<640x128xf32>
    %eq3A_270 = arith.cmpf oeq, %select_n3A_262, %eq3A_269 : vector<640x128xf32>
    %select_n3A_271 = arith.select %eq3A_270, %select_n3A_265, %select_n3A_262 : vector<640x128xi1>, vector<640x128xf32>
    %jit3A_272 = arith.constant 0xFF800000 : f32
    %broadcast_in_dim3A_273 = vector.broadcast %jit3A_272 : f32 to vector<640x128xf32>
    %select_n3A_274 = arith.select %eq3A_270, %broadcast_in_dim3A_273, %select_n3A_265 : vector<640x128xi1>, vector<640x128xf32>
    %reduce_max3A_275 = arith.constant dense<0xFF800000> : vector<640xf32>
    %reduce_max3A_276 = vector.multi_reduction <maximumf>, %select_n3A_271, %reduce_max3A_275 [1] : vector<640x128xf32> to vector<640xf32>
    %broadcast_in_dim3A_277 = vector.shape_cast %reduce_max3A_276 : vector<640xf32> to vector<640x1xf32>
    %eq3A_278 = vector.broadcast %broadcast_in_dim3A_277 : vector<640x1xf32> to vector<640x128xf32>
    %eq3A_279 = arith.cmpf oeq, %select_n3A_271, %eq3A_278 : vector<640x128xf32>
    %select_n3A_280 = arith.select %eq3A_279, %select_n3A_274, %select_n3A_271 : vector<640x128xi1>, vector<640x128xf32>
    %jit3A_281 = arith.constant 0xFF800000 : f32
    %broadcast_in_dim3A_282 = vector.broadcast %jit3A_281 : f32 to vector<640x128xf32>
    %select_n3A_283 = arith.select %eq3A_279, %broadcast_in_dim3A_282, %select_n3A_274 : vector<640x128xi1>, vector<640x128xf32>
    %reduce_max3A_284 = arith.constant dense<0xFF800000> : vector<640xf32>
    %reduce_max3A_285 = vector.multi_reduction <maximumf>, %select_n3A_280, %reduce_max3A_284 [1] : vector<640x128xf32> to vector<640xf32>
    %broadcast_in_dim3A_286 = vector.shape_cast %reduce_max3A_285 : vector<640xf32> to vector<640x1xf32>
    %eq3A_287 = vector.broadcast %broadcast_in_dim3A_286 : vector<640x1xf32> to vector<640x128xf32>
    %eq3A_288 = arith.cmpf oeq, %select_n3A_280, %eq3A_287 : vector<640x128xf32>
    %select_n3A_289 = arith.select %eq3A_288, %select_n3A_283, %select_n3A_280 : vector<640x128xi1>, vector<640x128xf32>
    %jit3A_290 = arith.constant 0xFF800000 : f32
    %broadcast_in_dim3A_291 = vector.broadcast %jit3A_290 : f32 to vector<640x128xf32>
    %select_n3A_292 = arith.select %eq3A_288, %broadcast_in_dim3A_291, %select_n3A_283 : vector<640x128xi1>, vector<640x128xf32>
    %reduce_max3A_293 = arith.constant dense<0xFF800000> : vector<640xf32>
    %reduce_max3A_294 = vector.multi_reduction <maximumf>, %select_n3A_289, %reduce_max3A_293 [1] : vector<640x128xf32> to vector<640xf32>
    %broadcast_in_dim3A_295 = vector.shape_cast %reduce_max3A_294 : vector<640xf32> to vector<640x1xf32>
    %eq3A_296 = vector.broadcast %broadcast_in_dim3A_295 : vector<640x1xf32> to vector<640x128xf32>
    %eq3A_297 = arith.cmpf oeq, %select_n3A_289, %eq3A_296 : vector<640x128xf32>
    %select_n3A_298 = arith.select %eq3A_297, %select_n3A_292, %select_n3A_289 : vector<640x128xi1>, vector<640x128xf32>
    %jit3A_299 = arith.constant 0xFF800000 : f32
    %broadcast_in_dim3A_300 = vector.broadcast %jit3A_299 : f32 to vector<640x128xf32>
    %select_n3A_301 = arith.select %eq3A_297, %broadcast_in_dim3A_300, %select_n3A_292 : vector<640x128xi1>, vector<640x128xf32>
    %reduce_max3A_302 = arith.constant dense<0xFF800000> : vector<640xf32>
    %reduce_max3A_303 = vector.multi_reduction <maximumf>, %select_n3A_298, %reduce_max3A_302 [1] : vector<640x128xf32> to vector<640xf32>
    %broadcast_in_dim3A_304 = vector.shape_cast %reduce_max3A_303 : vector<640xf32> to vector<640x1xf32>
    %eq3A_305 = vector.broadcast %broadcast_in_dim3A_304 : vector<640x1xf32> to vector<640x128xf32>
    %eq3A_306 = arith.cmpf oeq, %select_n3A_298, %eq3A_305 : vector<640x128xf32>
    %select_n3A_307 = arith.select %eq3A_306, %select_n3A_301, %select_n3A_298 : vector<640x128xi1>, vector<640x128xf32>
    %jit3A_308 = arith.constant 0xFF800000 : f32
    %broadcast_in_dim3A_309 = vector.broadcast %jit3A_308 : f32 to vector<640x128xf32>
    %select_n3A_310 = arith.select %eq3A_306, %broadcast_in_dim3A_309, %select_n3A_301 : vector<640x128xi1>, vector<640x128xf32>
    %reduce_max3A_311 = arith.constant dense<0xFF800000> : vector<640xf32>
    %reduce_max3A_312 = vector.multi_reduction <maximumf>, %select_n3A_307, %reduce_max3A_311 [1] : vector<640x128xf32> to vector<640xf32>
    %broadcast_in_dim3A_313 = vector.shape_cast %reduce_max3A_312 : vector<640xf32> to vector<640x1xf32>
    %eq3A_314 = vector.broadcast %broadcast_in_dim3A_313 : vector<640x1xf32> to vector<640x128xf32>
    %eq3A_315 = arith.cmpf oeq, %select_n3A_307, %eq3A_314 : vector<640x128xf32>
    %select_n3A_316 = arith.select %eq3A_315, %select_n3A_310, %select_n3A_307 : vector<640x128xi1>, vector<640x128xf32>
    %jit3A_317 = arith.constant 0xFF800000 : f32
    %broadcast_in_dim3A_318 = vector.broadcast %jit3A_317 : f32 to vector<640x128xf32>
    %select_n3A_319 = arith.select %eq3A_315, %broadcast_in_dim3A_318, %select_n3A_310 : vector<640x128xi1>, vector<640x128xf32>
    %reduce_max3A_320 = arith.constant dense<0xFF800000> : vector<640xf32>
    %reduce_max3A_321 = vector.multi_reduction <maximumf>, %select_n3A_316, %reduce_max3A_320 [1] : vector<640x128xf32> to vector<640xf32>
    %broadcast_in_dim3A_322 = vector.shape_cast %reduce_max3A_321 : vector<640xf32> to vector<640x1xf32>
    %eq3A_323 = vector.broadcast %broadcast_in_dim3A_322 : vector<640x1xf32> to vector<640x128xf32>
    %eq3A_324 = arith.cmpf oeq, %select_n3A_316, %eq3A_323 : vector<640x128xf32>
    %select_n3A_325 = arith.select %eq3A_324, %select_n3A_319, %select_n3A_316 : vector<640x128xi1>, vector<640x128xf32>
    %jit3A_326 = arith.constant 0xFF800000 : f32
    %broadcast_in_dim3A_327 = vector.broadcast %jit3A_326 : f32 to vector<640x128xf32>
    %select_n3A_328 = arith.select %eq3A_324, %broadcast_in_dim3A_327, %select_n3A_319 : vector<640x128xi1>, vector<640x128xf32>
    %reduce_max3A_329 = arith.constant dense<0xFF800000> : vector<640xf32>
    %reduce_max3A_330 = vector.multi_reduction <maximumf>, %select_n3A_325, %reduce_max3A_329 [1] : vector<640x128xf32> to vector<640xf32>
    %broadcast_in_dim3A_331 = vector.shape_cast %reduce_max3A_330 : vector<640xf32> to vector<640x1xf32>
    %eq3A_332 = vector.broadcast %broadcast_in_dim3A_331 : vector<640x1xf32> to vector<640x128xf32>
    %eq3A_333 = arith.cmpf oeq, %select_n3A_325, %eq3A_332 : vector<640x128xf32>
    %select_n3A_334 = arith.select %eq3A_333, %select_n3A_328, %select_n3A_325 : vector<640x128xi1>, vector<640x128xf32>
    %reduce_max3A_335 = arith.constant dense<0xFF800000> : vector<640xf32>
    %reduce_max3A_336 = vector.multi_reduction <maximumf>, %select_n3A_334, %reduce_max3A_335 [1] : vector<640x128xf32> to vector<640xf32>
    %broadcast_in_dim3A_337 = vector.shape_cast %reduce_max3A_336 : vector<640xf32> to vector<640x1xf32>
    %broadcast_in_dim3A_338 = arith.constant 0.000000e+00 : f32
    %broadcast_in_dim3A_339 = vector.broadcast %broadcast_in_dim3A_338 : f32 to vector<640x200xf32>
    %eq3A_340 = vector.broadcast %broadcast_in_dim3A_171 : vector<640x1xf32> to vector<640x200xf32>
    %eq3A_341 = arith.cmpf oeq, %bitcast_convert_type3A_164, %eq3A_340 : vector<640x200xf32>
    %get3A_342 = arith.constant 0 : index
    %get3A_343 = arith.constant 0 : index
    %get3A_344 = memref.load %arg5[%get3A_342, %get3A_343] : memref<1x20xf32, #tpu.memory_space<smem>>
    %broadcast_in_dim3A_345 = vector.broadcast %get3A_344 : f32 to vector<640x200xf32>
    %select_n3A_346 = arith.select %eq3A_341, %broadcast_in_dim3A_345, %broadcast_in_dim3A_339 : vector<640x200xi1>, vector<640x200xf32>
    %eq3A_347 = vector.broadcast %broadcast_in_dim3A_178 : vector<640x1xf32> to vector<640x200xf32>
    %eq3A_348 = arith.cmpf oeq, %bitcast_convert_type3A_164, %eq3A_347 : vector<640x200xf32>
    %get3A_349 = arith.constant 0 : index
    %get3A_350 = arith.constant 1 : index
    %get3A_351 = memref.load %arg5[%get3A_349, %get3A_350] : memref<1x20xf32, #tpu.memory_space<smem>>
    %broadcast_in_dim3A_352 = vector.broadcast %get3A_351 : f32 to vector<640x200xf32>
    %select_n3A_353 = arith.select %eq3A_348, %broadcast_in_dim3A_352, %select_n3A_346 : vector<640x200xi1>, vector<640x200xf32>
    %eq3A_354 = vector.broadcast %broadcast_in_dim3A_187 : vector<640x1xf32> to vector<640x200xf32>
    %eq3A_355 = arith.cmpf oeq, %bitcast_convert_type3A_164, %eq3A_354 : vector<640x200xf32>
    %get3A_356 = arith.constant 0 : index
    %get3A_357 = arith.constant 2 : index
    %get3A_358 = memref.load %arg5[%get3A_356, %get3A_357] : memref<1x20xf32, #tpu.memory_space<smem>>
    %broadcast_in_dim3A_359 = vector.broadcast %get3A_358 : f32 to vector<640x200xf32>
    %select_n3A_360 = arith.select %eq3A_355, %broadcast_in_dim3A_359, %select_n3A_353 : vector<640x200xi1>, vector<640x200xf32>
    %eq3A_361 = vector.broadcast %broadcast_in_dim3A_196 : vector<640x1xf32> to vector<640x200xf32>
    %eq3A_362 = arith.cmpf oeq, %bitcast_convert_type3A_164, %eq3A_361 : vector<640x200xf32>
    %get3A_363 = arith.constant 0 : index
    %get3A_364 = arith.constant 3 : index
    %get3A_365 = memref.load %arg5[%get3A_363, %get3A_364] : memref<1x20xf32, #tpu.memory_space<smem>>
    %broadcast_in_dim3A_366 = vector.broadcast %get3A_365 : f32 to vector<640x200xf32>
    %select_n3A_367 = arith.select %eq3A_362, %broadcast_in_dim3A_366, %select_n3A_360 : vector<640x200xi1>, vector<640x200xf32>
    %eq3A_368 = vector.broadcast %broadcast_in_dim3A_205 : vector<640x1xf32> to vector<640x200xf32>
    %eq3A_369 = arith.cmpf oeq, %bitcast_convert_type3A_164, %eq3A_368 : vector<640x200xf32>
    %get3A_370 = arith.constant 0 : index
    %get3A_371 = arith.constant 4 : index
    %get3A_372 = memref.load %arg5[%get3A_370, %get3A_371] : memref<1x20xf32, #tpu.memory_space<smem>>
    %broadcast_in_dim3A_373 = vector.broadcast %get3A_372 : f32 to vector<640x200xf32>
    %select_n3A_374 = arith.select %eq3A_369, %broadcast_in_dim3A_373, %select_n3A_367 : vector<640x200xi1>, vector<640x200xf32>
    %eq3A_375 = vector.broadcast %broadcast_in_dim3A_214 : vector<640x1xf32> to vector<640x200xf32>
    %eq3A_376 = arith.cmpf oeq, %bitcast_convert_type3A_164, %eq3A_375 : vector<640x200xf32>
    %get3A_377 = arith.constant 0 : index
    %get3A_378 = arith.constant 5 : index
    %get3A_379 = memref.load %arg5[%get3A_377, %get3A_378] : memref<1x20xf32, #tpu.memory_space<smem>>
    %broadcast_in_dim3A_380 = vector.broadcast %get3A_379 : f32 to vector<640x200xf32>
    %select_n3A_381 = arith.select %eq3A_376, %broadcast_in_dim3A_380, %select_n3A_374 : vector<640x200xi1>, vector<640x200xf32>
    %eq3A_382 = vector.broadcast %broadcast_in_dim3A_223 : vector<640x1xf32> to vector<640x200xf32>
    %eq3A_383 = arith.cmpf oeq, %bitcast_convert_type3A_164, %eq3A_382 : vector<640x200xf32>
    %get3A_384 = arith.constant 0 : index
    %get3A_385 = arith.constant 6 : index
    %get3A_386 = memref.load %arg5[%get3A_384, %get3A_385] : memref<1x20xf32, #tpu.memory_space<smem>>
    %broadcast_in_dim3A_387 = vector.broadcast %get3A_386 : f32 to vector<640x200xf32>
    %select_n3A_388 = arith.select %eq3A_383, %broadcast_in_dim3A_387, %select_n3A_381 : vector<640x200xi1>, vector<640x200xf32>
    %eq3A_389 = vector.broadcast %broadcast_in_dim3A_232 : vector<640x1xf32> to vector<640x200xf32>
    %eq3A_390 = arith.cmpf oeq, %bitcast_convert_type3A_164, %eq3A_389 : vector<640x200xf32>
    %get3A_391 = arith.constant 0 : index
    %get3A_392 = arith.constant 7 : index
    %get3A_393 = memref.load %arg5[%get3A_391, %get3A_392] : memref<1x20xf32, #tpu.memory_space<smem>>
    %broadcast_in_dim3A_394 = vector.broadcast %get3A_393 : f32 to vector<640x200xf32>
    %select_n3A_395 = arith.select %eq3A_390, %broadcast_in_dim3A_394, %select_n3A_388 : vector<640x200xi1>, vector<640x200xf32>
    %eq3A_396 = vector.broadcast %broadcast_in_dim3A_241 : vector<640x1xf32> to vector<640x200xf32>
    %eq3A_397 = arith.cmpf oeq, %bitcast_convert_type3A_164, %eq3A_396 : vector<640x200xf32>
    %get3A_398 = arith.constant 0 : index
    %get3A_399 = arith.constant 8 : index
    %get3A_400 = memref.load %arg5[%get3A_398, %get3A_399] : memref<1x20xf32, #tpu.memory_space<smem>>
    %broadcast_in_dim3A_401 = vector.broadcast %get3A_400 : f32 to vector<640x200xf32>
    %select_n3A_402 = arith.select %eq3A_397, %broadcast_in_dim3A_401, %select_n3A_395 : vector<640x200xi1>, vector<640x200xf32>
    %eq3A_403 = vector.broadcast %broadcast_in_dim3A_250 : vector<640x1xf32> to vector<640x200xf32>
    %eq3A_404 = arith.cmpf oeq, %bitcast_convert_type3A_164, %eq3A_403 : vector<640x200xf32>
    %get3A_405 = arith.constant 0 : index
    %get3A_406 = arith.constant 9 : index
    %get3A_407 = memref.load %arg5[%get3A_405, %get3A_406] : memref<1x20xf32, #tpu.memory_space<smem>>
    %broadcast_in_dim3A_408 = vector.broadcast %get3A_407 : f32 to vector<640x200xf32>
    %select_n3A_409 = arith.select %eq3A_404, %broadcast_in_dim3A_408, %select_n3A_402 : vector<640x200xi1>, vector<640x200xf32>
    %eq3A_410 = vector.broadcast %broadcast_in_dim3A_259 : vector<640x1xf32> to vector<640x200xf32>
    %eq3A_411 = arith.cmpf oeq, %bitcast_convert_type3A_164, %eq3A_410 : vector<640x200xf32>
    %get3A_412 = arith.constant 0 : index
    %get3A_413 = arith.constant 10 : index
    %get3A_414 = memref.load %arg5[%get3A_412, %get3A_413] : memref<1x20xf32, #tpu.memory_space<smem>>
    %broadcast_in_dim3A_415 = vector.broadcast %get3A_414 : f32 to vector<640x200xf32>
    %select_n3A_416 = arith.select %eq3A_411, %broadcast_in_dim3A_415, %select_n3A_409 : vector<640x200xi1>, vector<640x200xf32>
    %eq3A_417 = vector.broadcast %broadcast_in_dim3A_268 : vector<640x1xf32> to vector<640x200xf32>
    %eq3A_418 = arith.cmpf oeq, %bitcast_convert_type3A_164, %eq3A_417 : vector<640x200xf32>
    %get3A_419 = arith.constant 0 : index
    %get3A_420 = arith.constant 11 : index
    %get3A_421 = memref.load %arg5[%get3A_419, %get3A_420] : memref<1x20xf32, #tpu.memory_space<smem>>
    %broadcast_in_dim3A_422 = vector.broadcast %get3A_421 : f32 to vector<640x200xf32>
    %select_n3A_423 = arith.select %eq3A_418, %broadcast_in_dim3A_422, %select_n3A_416 : vector<640x200xi1>, vector<640x200xf32>
    %eq3A_424 = vector.broadcast %broadcast_in_dim3A_277 : vector<640x1xf32> to vector<640x200xf32>
    %eq3A_425 = arith.cmpf oeq, %bitcast_convert_type3A_164, %eq3A_424 : vector<640x200xf32>
    %get3A_426 = arith.constant 0 : index
    %get3A_427 = arith.constant 12 : index
    %get3A_428 = memref.load %arg5[%get3A_426, %get3A_427] : memref<1x20xf32, #tpu.memory_space<smem>>
    %broadcast_in_dim3A_429 = vector.broadcast %get3A_428 : f32 to vector<640x200xf32>
    %select_n3A_430 = arith.select %eq3A_425, %broadcast_in_dim3A_429, %select_n3A_423 : vector<640x200xi1>, vector<640x200xf32>
    %eq3A_431 = vector.broadcast %broadcast_in_dim3A_286 : vector<640x1xf32> to vector<640x200xf32>
    %eq3A_432 = arith.cmpf oeq, %bitcast_convert_type3A_164, %eq3A_431 : vector<640x200xf32>
    %get3A_433 = arith.constant 0 : index
    %get3A_434 = arith.constant 13 : index
    %get3A_435 = memref.load %arg5[%get3A_433, %get3A_434] : memref<1x20xf32, #tpu.memory_space<smem>>
    %broadcast_in_dim3A_436 = vector.broadcast %get3A_435 : f32 to vector<640x200xf32>
    %select_n3A_437 = arith.select %eq3A_432, %broadcast_in_dim3A_436, %select_n3A_430 : vector<640x200xi1>, vector<640x200xf32>
    %eq3A_438 = vector.broadcast %broadcast_in_dim3A_295 : vector<640x1xf32> to vector<640x200xf32>
    %eq3A_439 = arith.cmpf oeq, %bitcast_convert_type3A_164, %eq3A_438 : vector<640x200xf32>
    %get3A_440 = arith.constant 0 : index
    %get3A_441 = arith.constant 14 : index
    %get3A_442 = memref.load %arg5[%get3A_440, %get3A_441] : memref<1x20xf32, #tpu.memory_space<smem>>
    %broadcast_in_dim3A_443 = vector.broadcast %get3A_442 : f32 to vector<640x200xf32>
    %select_n3A_444 = arith.select %eq3A_439, %broadcast_in_dim3A_443, %select_n3A_437 : vector<640x200xi1>, vector<640x200xf32>
    %eq3A_445 = vector.broadcast %broadcast_in_dim3A_304 : vector<640x1xf32> to vector<640x200xf32>
    %eq3A_446 = arith.cmpf oeq, %bitcast_convert_type3A_164, %eq3A_445 : vector<640x200xf32>
    %get3A_447 = arith.constant 0 : index
    %get3A_448 = arith.constant 15 : index
    %get3A_449 = memref.load %arg5[%get3A_447, %get3A_448] : memref<1x20xf32, #tpu.memory_space<smem>>
    %broadcast_in_dim3A_450 = vector.broadcast %get3A_449 : f32 to vector<640x200xf32>
    %select_n3A_451 = arith.select %eq3A_446, %broadcast_in_dim3A_450, %select_n3A_444 : vector<640x200xi1>, vector<640x200xf32>
    %eq3A_452 = vector.broadcast %broadcast_in_dim3A_313 : vector<640x1xf32> to vector<640x200xf32>
    %eq3A_453 = arith.cmpf oeq, %bitcast_convert_type3A_164, %eq3A_452 : vector<640x200xf32>
    %get3A_454 = arith.constant 0 : index
    %get3A_455 = arith.constant 16 : index
    %get3A_456 = memref.load %arg5[%get3A_454, %get3A_455] : memref<1x20xf32, #tpu.memory_space<smem>>
    %broadcast_in_dim3A_457 = vector.broadcast %get3A_456 : f32 to vector<640x200xf32>
    %select_n3A_458 = arith.select %eq3A_453, %broadcast_in_dim3A_457, %select_n3A_451 : vector<640x200xi1>, vector<640x200xf32>
    %eq3A_459 = vector.broadcast %broadcast_in_dim3A_322 : vector<640x1xf32> to vector<640x200xf32>
    %eq3A_460 = arith.cmpf oeq, %bitcast_convert_type3A_164, %eq3A_459 : vector<640x200xf32>
    %get3A_461 = arith.constant 0 : index
    %get3A_462 = arith.constant 17 : index
    %get3A_463 = memref.load %arg5[%get3A_461, %get3A_462] : memref<1x20xf32, #tpu.memory_space<smem>>
    %broadcast_in_dim3A_464 = vector.broadcast %get3A_463 : f32 to vector<640x200xf32>
    %select_n3A_465 = arith.select %eq3A_460, %broadcast_in_dim3A_464, %select_n3A_458 : vector<640x200xi1>, vector<640x200xf32>
    %eq3A_466 = vector.broadcast %broadcast_in_dim3A_331 : vector<640x1xf32> to vector<640x200xf32>
    %eq3A_467 = arith.cmpf oeq, %bitcast_convert_type3A_164, %eq3A_466 : vector<640x200xf32>
    %get3A_468 = arith.constant 0 : index
    %get3A_469 = arith.constant 18 : index
    %get3A_470 = memref.load %arg5[%get3A_468, %get3A_469] : memref<1x20xf32, #tpu.memory_space<smem>>
    %broadcast_in_dim3A_471 = vector.broadcast %get3A_470 : f32 to vector<640x200xf32>
    %select_n3A_472 = arith.select %eq3A_467, %broadcast_in_dim3A_471, %select_n3A_465 : vector<640x200xi1>, vector<640x200xf32>
    %eq3A_473 = vector.broadcast %broadcast_in_dim3A_337 : vector<640x1xf32> to vector<640x200xf32>
    %eq3A_474 = arith.cmpf oeq, %bitcast_convert_type3A_164, %eq3A_473 : vector<640x200xf32>
    %get3A_475 = arith.constant 0 : index
    %get3A_476 = arith.constant 19 : index
    %get3A_477 = memref.load %arg5[%get3A_475, %get3A_476] : memref<1x20xf32, #tpu.memory_space<smem>>
    %broadcast_in_dim3A_478 = vector.broadcast %get3A_477 : f32 to vector<640x200xf32>
    %select_n3A_479 = arith.select %eq3A_474, %broadcast_in_dim3A_478, %select_n3A_472 : vector<640x200xi1>, vector<640x200xf32>
    %mul3A_480 = arith.mulf %concatenate3A, %select_n3A_479 : vector<640x200xf32>
    %reduce_sum3A_481 = arith.constant dense<0.000000e+00> : vector<640xf32>
    %reduce_sum3A_482 = vector.multi_reduction <add>, %mul3A_480, %reduce_sum3A_481 [1] : vector<640x200xf32> to vector<640xf32>
    %broadcast_in_dim3A_483 = vector.shape_cast %reduce_sum3A_482 : vector<640xf32> to vector<640x1xf32>
    %get3A_484 = arith.constant 0 : index
    %get3A_485 = memref.load %arg6[%get3A_484] : memref<1xf32, #tpu.memory_space<smem>>
    %add3A_486 = vector.broadcast %get3A_485 : f32 to vector<640x1xf32>
    %add3A_487 = arith.addf %broadcast_in_dim3A_483, %add3A_486 : vector<640x1xf32>
    %tanh3A = math.tanh %add3A_487 : vector<640x1xf32>
    %get3A_488 = arith.constant 0 : index
    %get3A_489 = arith.constant 0 : index
    %get3A_490 = vector.load %arg1[%get3A_488, %get3A_489] : memref<32x20xi32, #tpu.memory_space<vmem>>, vector<32x20xi32>
    %get3A_491 = arith.constant 0 : index
    %get3A_492 = arith.constant 0 : index
    %get3A_493 = vector.load %arg2[%get3A_491, %get3A_492] : memref<32x20xf32, #tpu.memory_space<vmem>>, vector<32x20xf32>
    %get3A_494 = arith.constant 0 : index
    %get3A_495 = arith.constant 0 : index
    %get3A_496 = memref.load %arg7[%get3A_494, %get3A_495] : memref<1x1xf32, #tpu.memory_space<smem>>
    %mul3A_497 = vector.broadcast %get3A_496 : f32 to vector<32x20xf32>
    %mul3A_498 = arith.mulf %get3A_493, %mul3A_497 : vector<32x20xf32>
    %eq3A_499 = arith.constant 0 : i32
    %eq3A_500 = vector.broadcast %eq3A_499 : i32 to vector<32x20xi32>
    %eq3A_501 = arith.cmpi eq, %get3A_490, %eq3A_500 : vector<32x20xi32>
    %jit3A_502 = arith.constant -1.000000e+07 : f32
    %jit3A_503 = arith.constant 0.000000e+00 : f32
    %broadcast_in_dim3A_504 = vector.broadcast %jit3A_502 : f32 to vector<32x20xf32>
    %broadcast_in_dim3A_505 = vector.broadcast %jit3A_503 : f32 to vector<32x20xf32>
    %select_n3A_506 = arith.select %eq3A_501, %broadcast_in_dim3A_504, %broadcast_in_dim3A_505 : vector<32x20xi1>, vector<32x20xf32>
    %add3A_507 = arith.addf %mul3A_498, %select_n3A_506 : vector<32x20xf32>
    %reduce_max3A_508 = arith.constant dense<0xFF800000> : vector<32xf32>
    %reduce_max3A_509 = vector.multi_reduction <maximumf>, %add3A_507, %reduce_max3A_508 [1] : vector<32x20xf32> to vector<32xf32>
    %broadcast_in_dim3A_510 = vector.shape_cast %reduce_max3A_509 : vector<32xf32> to vector<32x1xf32>
    %sub3A = vector.broadcast %broadcast_in_dim3A_510 : vector<32x1xf32> to vector<32x20xf32>
    %sub3A_511 = arith.subf %add3A_507, %sub3A : vector<32x20xf32>
    %exp3A = math.exp %sub3A_511 : vector<32x20xf32>
    %reduce_sum3A_512 = arith.constant dense<0.000000e+00> : vector<32xf32>
    %reduce_sum3A_513 = vector.multi_reduction <add>, %exp3A, %reduce_sum3A_512 [1] : vector<32x20xf32> to vector<32xf32>
    %broadcast_in_dim3A_514 = vector.shape_cast %reduce_sum3A_513 : vector<32xf32> to vector<32x1xf32>
    %div3A_515 = vector.broadcast %broadcast_in_dim3A_514 : vector<32x1xf32> to vector<32x20xf32>
    %div3A_516 = arith.divf %exp3A, %div3A_515 : vector<32x20xf32>
    %slice3A_517 = vector.extract_strided_slice %div3A_516 {offsets = [0, 0], sizes = [1, 20], strides = [1, 1]} : vector<32x20xf32> to vector<1x20xf32>
    %slice3A_518 = vector.extract_strided_slice %tanh3A {offsets = [0, 0], sizes = [20, 1], strides = [1, 1]} : vector<640x1xf32> to vector<20x1xf32>
    %dot_general3A_519 = arith.constant dense<0.000000e+00> : vector<1x1xf32>
    %dot_general3A_520 = tpu.matmul %slice3A_517, %slice3A_518, %dot_general3A_519 {dimension_numbers = #tpu.dot_dimension_numbers<[1], [0], [0], [1], [0, 0, 1, 1], [], []>, transpose_lhs_hint = false} : vector<1x20xf32>, vector<20x1xf32>, vector<1x1xf32> -> vector<1x1xf32>
    %slice3A_521 = vector.extract_strided_slice %div3A_516 {offsets = [1, 0], sizes = [1, 20], strides = [1, 1]} : vector<32x20xf32> to vector<1x20xf32>
    %slice3A_522 = vector.extract_strided_slice %tanh3A {offsets = [20, 0], sizes = [20, 1], strides = [1, 1]} : vector<640x1xf32> to vector<20x1xf32>
    %dot_general3A_523 = arith.constant dense<0.000000e+00> : vector<1x1xf32>
    %dot_general3A_524 = tpu.matmul %slice3A_521, %slice3A_522, %dot_general3A_523 {dimension_numbers = #tpu.dot_dimension_numbers<[1], [0], [0], [1], [0, 0, 1, 1], [], []>, transpose_lhs_hint = false} : vector<1x20xf32>, vector<20x1xf32>, vector<1x1xf32> -> vector<1x1xf32>
    %slice3A_525 = vector.extract_strided_slice %div3A_516 {offsets = [2, 0], sizes = [1, 20], strides = [1, 1]} : vector<32x20xf32> to vector<1x20xf32>
    %slice3A_526 = vector.extract_strided_slice %tanh3A {offsets = [40, 0], sizes = [20, 1], strides = [1, 1]} : vector<640x1xf32> to vector<20x1xf32>
    %dot_general3A_527 = arith.constant dense<0.000000e+00> : vector<1x1xf32>
    %dot_general3A_528 = tpu.matmul %slice3A_525, %slice3A_526, %dot_general3A_527 {dimension_numbers = #tpu.dot_dimension_numbers<[1], [0], [0], [1], [0, 0, 1, 1], [], []>, transpose_lhs_hint = false} : vector<1x20xf32>, vector<20x1xf32>, vector<1x1xf32> -> vector<1x1xf32>
    %slice3A_529 = vector.extract_strided_slice %div3A_516 {offsets = [3, 0], sizes = [1, 20], strides = [1, 1]} : vector<32x20xf32> to vector<1x20xf32>
    %slice3A_530 = vector.extract_strided_slice %tanh3A {offsets = [60, 0], sizes = [20, 1], strides = [1, 1]} : vector<640x1xf32> to vector<20x1xf32>
    %dot_general3A_531 = arith.constant dense<0.000000e+00> : vector<1x1xf32>
    %dot_general3A_532 = tpu.matmul %slice3A_529, %slice3A_530, %dot_general3A_531 {dimension_numbers = #tpu.dot_dimension_numbers<[1], [0], [0], [1], [0, 0, 1, 1], [], []>, transpose_lhs_hint = false} : vector<1x20xf32>, vector<20x1xf32>, vector<1x1xf32> -> vector<1x1xf32>
    %slice3A_533 = vector.extract_strided_slice %div3A_516 {offsets = [4, 0], sizes = [1, 20], strides = [1, 1]} : vector<32x20xf32> to vector<1x20xf32>
    %slice3A_534 = vector.extract_strided_slice %tanh3A {offsets = [80, 0], sizes = [20, 1], strides = [1, 1]} : vector<640x1xf32> to vector<20x1xf32>
    %dot_general3A_535 = arith.constant dense<0.000000e+00> : vector<1x1xf32>
    %dot_general3A_536 = tpu.matmul %slice3A_533, %slice3A_534, %dot_general3A_535 {dimension_numbers = #tpu.dot_dimension_numbers<[1], [0], [0], [1], [0, 0, 1, 1], [], []>, transpose_lhs_hint = false} : vector<1x20xf32>, vector<20x1xf32>, vector<1x1xf32> -> vector<1x1xf32>
    %slice3A_537 = vector.extract_strided_slice %div3A_516 {offsets = [5, 0], sizes = [1, 20], strides = [1, 1]} : vector<32x20xf32> to vector<1x20xf32>
    %slice3A_538 = vector.extract_strided_slice %tanh3A {offsets = [100, 0], sizes = [20, 1], strides = [1, 1]} : vector<640x1xf32> to vector<20x1xf32>
    %dot_general3A_539 = arith.constant dense<0.000000e+00> : vector<1x1xf32>
    %dot_general3A_540 = tpu.matmul %slice3A_537, %slice3A_538, %dot_general3A_539 {dimension_numbers = #tpu.dot_dimension_numbers<[1], [0], [0], [1], [0, 0, 1, 1], [], []>, transpose_lhs_hint = false} : vector<1x20xf32>, vector<20x1xf32>, vector<1x1xf32> -> vector<1x1xf32>
    %slice3A_541 = vector.extract_strided_slice %div3A_516 {offsets = [6, 0], sizes = [1, 20], strides = [1, 1]} : vector<32x20xf32> to vector<1x20xf32>
    %slice3A_542 = vector.extract_strided_slice %tanh3A {offsets = [120, 0], sizes = [20, 1], strides = [1, 1]} : vector<640x1xf32> to vector<20x1xf32>
    %dot_general3A_543 = arith.constant dense<0.000000e+00> : vector<1x1xf32>
    %dot_general3A_544 = tpu.matmul %slice3A_541, %slice3A_542, %dot_general3A_543 {dimension_numbers = #tpu.dot_dimension_numbers<[1], [0], [0], [1], [0, 0, 1, 1], [], []>, transpose_lhs_hint = false} : vector<1x20xf32>, vector<20x1xf32>, vector<1x1xf32> -> vector<1x1xf32>
    %slice3A_545 = vector.extract_strided_slice %div3A_516 {offsets = [7, 0], sizes = [1, 20], strides = [1, 1]} : vector<32x20xf32> to vector<1x20xf32>
    %slice3A_546 = vector.extract_strided_slice %tanh3A {offsets = [140, 0], sizes = [20, 1], strides = [1, 1]} : vector<640x1xf32> to vector<20x1xf32>
    %dot_general3A_547 = arith.constant dense<0.000000e+00> : vector<1x1xf32>
    %dot_general3A_548 = tpu.matmul %slice3A_545, %slice3A_546, %dot_general3A_547 {dimension_numbers = #tpu.dot_dimension_numbers<[1], [0], [0], [1], [0, 0, 1, 1], [], []>, transpose_lhs_hint = false} : vector<1x20xf32>, vector<20x1xf32>, vector<1x1xf32> -> vector<1x1xf32>
    %slice3A_549 = vector.extract_strided_slice %div3A_516 {offsets = [8, 0], sizes = [1, 20], strides = [1, 1]} : vector<32x20xf32> to vector<1x20xf32>
    %slice3A_550 = vector.extract_strided_slice %tanh3A {offsets = [160, 0], sizes = [20, 1], strides = [1, 1]} : vector<640x1xf32> to vector<20x1xf32>
    %dot_general3A_551 = arith.constant dense<0.000000e+00> : vector<1x1xf32>
    %dot_general3A_552 = tpu.matmul %slice3A_549, %slice3A_550, %dot_general3A_551 {dimension_numbers = #tpu.dot_dimension_numbers<[1], [0], [0], [1], [0, 0, 1, 1], [], []>, transpose_lhs_hint = false} : vector<1x20xf32>, vector<20x1xf32>, vector<1x1xf32> -> vector<1x1xf32>
    %slice3A_553 = vector.extract_strided_slice %div3A_516 {offsets = [9, 0], sizes = [1, 20], strides = [1, 1]} : vector<32x20xf32> to vector<1x20xf32>
    %slice3A_554 = vector.extract_strided_slice %tanh3A {offsets = [180, 0], sizes = [20, 1], strides = [1, 1]} : vector<640x1xf32> to vector<20x1xf32>
    %dot_general3A_555 = arith.constant dense<0.000000e+00> : vector<1x1xf32>
    %dot_general3A_556 = tpu.matmul %slice3A_553, %slice3A_554, %dot_general3A_555 {dimension_numbers = #tpu.dot_dimension_numbers<[1], [0], [0], [1], [0, 0, 1, 1], [], []>, transpose_lhs_hint = false} : vector<1x20xf32>, vector<20x1xf32>, vector<1x1xf32> -> vector<1x1xf32>
    %slice3A_557 = vector.extract_strided_slice %div3A_516 {offsets = [10, 0], sizes = [1, 20], strides = [1, 1]} : vector<32x20xf32> to vector<1x20xf32>
    %slice3A_558 = vector.extract_strided_slice %tanh3A {offsets = [200, 0], sizes = [20, 1], strides = [1, 1]} : vector<640x1xf32> to vector<20x1xf32>
    %dot_general3A_559 = arith.constant dense<0.000000e+00> : vector<1x1xf32>
    %dot_general3A_560 = tpu.matmul %slice3A_557, %slice3A_558, %dot_general3A_559 {dimension_numbers = #tpu.dot_dimension_numbers<[1], [0], [0], [1], [0, 0, 1, 1], [], []>, transpose_lhs_hint = false} : vector<1x20xf32>, vector<20x1xf32>, vector<1x1xf32> -> vector<1x1xf32>
    %slice3A_561 = vector.extract_strided_slice %div3A_516 {offsets = [11, 0], sizes = [1, 20], strides = [1, 1]} : vector<32x20xf32> to vector<1x20xf32>
    %slice3A_562 = vector.extract_strided_slice %tanh3A {offsets = [220, 0], sizes = [20, 1], strides = [1, 1]} : vector<640x1xf32> to vector<20x1xf32>
    %dot_general3A_563 = arith.constant dense<0.000000e+00> : vector<1x1xf32>
    %dot_general3A_564 = tpu.matmul %slice3A_561, %slice3A_562, %dot_general3A_563 {dimension_numbers = #tpu.dot_dimension_numbers<[1], [0], [0], [1], [0, 0, 1, 1], [], []>, transpose_lhs_hint = false} : vector<1x20xf32>, vector<20x1xf32>, vector<1x1xf32> -> vector<1x1xf32>
    %slice3A_565 = vector.extract_strided_slice %div3A_516 {offsets = [12, 0], sizes = [1, 20], strides = [1, 1]} : vector<32x20xf32> to vector<1x20xf32>
    %slice3A_566 = vector.extract_strided_slice %tanh3A {offsets = [240, 0], sizes = [20, 1], strides = [1, 1]} : vector<640x1xf32> to vector<20x1xf32>
    %dot_general3A_567 = arith.constant dense<0.000000e+00> : vector<1x1xf32>
    %dot_general3A_568 = tpu.matmul %slice3A_565, %slice3A_566, %dot_general3A_567 {dimension_numbers = #tpu.dot_dimension_numbers<[1], [0], [0], [1], [0, 0, 1, 1], [], []>, transpose_lhs_hint = false} : vector<1x20xf32>, vector<20x1xf32>, vector<1x1xf32> -> vector<1x1xf32>
    %slice3A_569 = vector.extract_strided_slice %div3A_516 {offsets = [13, 0], sizes = [1, 20], strides = [1, 1]} : vector<32x20xf32> to vector<1x20xf32>
    %slice3A_570 = vector.extract_strided_slice %tanh3A {offsets = [260, 0], sizes = [20, 1], strides = [1, 1]} : vector<640x1xf32> to vector<20x1xf32>
    %dot_general3A_571 = arith.constant dense<0.000000e+00> : vector<1x1xf32>
    %dot_general3A_572 = tpu.matmul %slice3A_569, %slice3A_570, %dot_general3A_571 {dimension_numbers = #tpu.dot_dimension_numbers<[1], [0], [0], [1], [0, 0, 1, 1], [], []>, transpose_lhs_hint = false} : vector<1x20xf32>, vector<20x1xf32>, vector<1x1xf32> -> vector<1x1xf32>
    %slice3A_573 = vector.extract_strided_slice %div3A_516 {offsets = [14, 0], sizes = [1, 20], strides = [1, 1]} : vector<32x20xf32> to vector<1x20xf32>
    %slice3A_574 = vector.extract_strided_slice %tanh3A {offsets = [280, 0], sizes = [20, 1], strides = [1, 1]} : vector<640x1xf32> to vector<20x1xf32>
    %dot_general3A_575 = arith.constant dense<0.000000e+00> : vector<1x1xf32>
    %dot_general3A_576 = tpu.matmul %slice3A_573, %slice3A_574, %dot_general3A_575 {dimension_numbers = #tpu.dot_dimension_numbers<[1], [0], [0], [1], [0, 0, 1, 1], [], []>, transpose_lhs_hint = false} : vector<1x20xf32>, vector<20x1xf32>, vector<1x1xf32> -> vector<1x1xf32>
    %slice3A_577 = vector.extract_strided_slice %div3A_516 {offsets = [15, 0], sizes = [1, 20], strides = [1, 1]} : vector<32x20xf32> to vector<1x20xf32>
    %slice3A_578 = vector.extract_strided_slice %tanh3A {offsets = [300, 0], sizes = [20, 1], strides = [1, 1]} : vector<640x1xf32> to vector<20x1xf32>
    %dot_general3A_579 = arith.constant dense<0.000000e+00> : vector<1x1xf32>
    %dot_general3A_580 = tpu.matmul %slice3A_577, %slice3A_578, %dot_general3A_579 {dimension_numbers = #tpu.dot_dimension_numbers<[1], [0], [0], [1], [0, 0, 1, 1], [], []>, transpose_lhs_hint = false} : vector<1x20xf32>, vector<20x1xf32>, vector<1x1xf32> -> vector<1x1xf32>
    %slice3A_581 = vector.extract_strided_slice %div3A_516 {offsets = [16, 0], sizes = [1, 20], strides = [1, 1]} : vector<32x20xf32> to vector<1x20xf32>
    %slice3A_582 = vector.extract_strided_slice %tanh3A {offsets = [320, 0], sizes = [20, 1], strides = [1, 1]} : vector<640x1xf32> to vector<20x1xf32>
    %dot_general3A_583 = arith.constant dense<0.000000e+00> : vector<1x1xf32>
    %dot_general3A_584 = tpu.matmul %slice3A_581, %slice3A_582, %dot_general3A_583 {dimension_numbers = #tpu.dot_dimension_numbers<[1], [0], [0], [1], [0, 0, 1, 1], [], []>, transpose_lhs_hint = false} : vector<1x20xf32>, vector<20x1xf32>, vector<1x1xf32> -> vector<1x1xf32>
    %slice3A_585 = vector.extract_strided_slice %div3A_516 {offsets = [17, 0], sizes = [1, 20], strides = [1, 1]} : vector<32x20xf32> to vector<1x20xf32>
    %slice3A_586 = vector.extract_strided_slice %tanh3A {offsets = [340, 0], sizes = [20, 1], strides = [1, 1]} : vector<640x1xf32> to vector<20x1xf32>
    %dot_general3A_587 = arith.constant dense<0.000000e+00> : vector<1x1xf32>
    %dot_general3A_588 = tpu.matmul %slice3A_585, %slice3A_586, %dot_general3A_587 {dimension_numbers = #tpu.dot_dimension_numbers<[1], [0], [0], [1], [0, 0, 1, 1], [], []>, transpose_lhs_hint = false} : vector<1x20xf32>, vector<20x1xf32>, vector<1x1xf32> -> vector<1x1xf32>
    %slice3A_589 = vector.extract_strided_slice %div3A_516 {offsets = [18, 0], sizes = [1, 20], strides = [1, 1]} : vector<32x20xf32> to vector<1x20xf32>
    %slice3A_590 = vector.extract_strided_slice %tanh3A {offsets = [360, 0], sizes = [20, 1], strides = [1, 1]} : vector<640x1xf32> to vector<20x1xf32>
    %dot_general3A_591 = arith.constant dense<0.000000e+00> : vector<1x1xf32>
    %dot_general3A_592 = tpu.matmul %slice3A_589, %slice3A_590, %dot_general3A_591 {dimension_numbers = #tpu.dot_dimension_numbers<[1], [0], [0], [1], [0, 0, 1, 1], [], []>, transpose_lhs_hint = false} : vector<1x20xf32>, vector<20x1xf32>, vector<1x1xf32> -> vector<1x1xf32>
    %slice3A_593 = vector.extract_strided_slice %div3A_516 {offsets = [19, 0], sizes = [1, 20], strides = [1, 1]} : vector<32x20xf32> to vector<1x20xf32>
    %slice3A_594 = vector.extract_strided_slice %tanh3A {offsets = [380, 0], sizes = [20, 1], strides = [1, 1]} : vector<640x1xf32> to vector<20x1xf32>
    %dot_general3A_595 = arith.constant dense<0.000000e+00> : vector<1x1xf32>
    %dot_general3A_596 = tpu.matmul %slice3A_593, %slice3A_594, %dot_general3A_595 {dimension_numbers = #tpu.dot_dimension_numbers<[1], [0], [0], [1], [0, 0, 1, 1], [], []>, transpose_lhs_hint = false} : vector<1x20xf32>, vector<20x1xf32>, vector<1x1xf32> -> vector<1x1xf32>
    %slice3A_597 = vector.extract_strided_slice %div3A_516 {offsets = [20, 0], sizes = [1, 20], strides = [1, 1]} : vector<32x20xf32> to vector<1x20xf32>
    %slice3A_598 = vector.extract_strided_slice %tanh3A {offsets = [400, 0], sizes = [20, 1], strides = [1, 1]} : vector<640x1xf32> to vector<20x1xf32>
    %dot_general3A_599 = arith.constant dense<0.000000e+00> : vector<1x1xf32>
    %dot_general3A_600 = tpu.matmul %slice3A_597, %slice3A_598, %dot_general3A_599 {dimension_numbers = #tpu.dot_dimension_numbers<[1], [0], [0], [1], [0, 0, 1, 1], [], []>, transpose_lhs_hint = false} : vector<1x20xf32>, vector<20x1xf32>, vector<1x1xf32> -> vector<1x1xf32>
    %slice3A_601 = vector.extract_strided_slice %div3A_516 {offsets = [21, 0], sizes = [1, 20], strides = [1, 1]} : vector<32x20xf32> to vector<1x20xf32>
    %slice3A_602 = vector.extract_strided_slice %tanh3A {offsets = [420, 0], sizes = [20, 1], strides = [1, 1]} : vector<640x1xf32> to vector<20x1xf32>
    %dot_general3A_603 = arith.constant dense<0.000000e+00> : vector<1x1xf32>
    %dot_general3A_604 = tpu.matmul %slice3A_601, %slice3A_602, %dot_general3A_603 {dimension_numbers = #tpu.dot_dimension_numbers<[1], [0], [0], [1], [0, 0, 1, 1], [], []>, transpose_lhs_hint = false} : vector<1x20xf32>, vector<20x1xf32>, vector<1x1xf32> -> vector<1x1xf32>
    %slice3A_605 = vector.extract_strided_slice %div3A_516 {offsets = [22, 0], sizes = [1, 20], strides = [1, 1]} : vector<32x20xf32> to vector<1x20xf32>
    %slice3A_606 = vector.extract_strided_slice %tanh3A {offsets = [440, 0], sizes = [20, 1], strides = [1, 1]} : vector<640x1xf32> to vector<20x1xf32>
    %dot_general3A_607 = arith.constant dense<0.000000e+00> : vector<1x1xf32>
    %dot_general3A_608 = tpu.matmul %slice3A_605, %slice3A_606, %dot_general3A_607 {dimension_numbers = #tpu.dot_dimension_numbers<[1], [0], [0], [1], [0, 0, 1, 1], [], []>, transpose_lhs_hint = false} : vector<1x20xf32>, vector<20x1xf32>, vector<1x1xf32> -> vector<1x1xf32>
    %slice3A_609 = vector.extract_strided_slice %div3A_516 {offsets = [23, 0], sizes = [1, 20], strides = [1, 1]} : vector<32x20xf32> to vector<1x20xf32>
    %slice3A_610 = vector.extract_strided_slice %tanh3A {offsets = [460, 0], sizes = [20, 1], strides = [1, 1]} : vector<640x1xf32> to vector<20x1xf32>
    %dot_general3A_611 = arith.constant dense<0.000000e+00> : vector<1x1xf32>
    %dot_general3A_612 = tpu.matmul %slice3A_609, %slice3A_610, %dot_general3A_611 {dimension_numbers = #tpu.dot_dimension_numbers<[1], [0], [0], [1], [0, 0, 1, 1], [], []>, transpose_lhs_hint = false} : vector<1x20xf32>, vector<20x1xf32>, vector<1x1xf32> -> vector<1x1xf32>
    %slice3A_613 = vector.extract_strided_slice %div3A_516 {offsets = [24, 0], sizes = [1, 20], strides = [1, 1]} : vector<32x20xf32> to vector<1x20xf32>
    %slice3A_614 = vector.extract_strided_slice %tanh3A {offsets = [480, 0], sizes = [20, 1], strides = [1, 1]} : vector<640x1xf32> to vector<20x1xf32>
    %dot_general3A_615 = arith.constant dense<0.000000e+00> : vector<1x1xf32>
    %dot_general3A_616 = tpu.matmul %slice3A_613, %slice3A_614, %dot_general3A_615 {dimension_numbers = #tpu.dot_dimension_numbers<[1], [0], [0], [1], [0, 0, 1, 1], [], []>, transpose_lhs_hint = false} : vector<1x20xf32>, vector<20x1xf32>, vector<1x1xf32> -> vector<1x1xf32>
    %slice3A_617 = vector.extract_strided_slice %div3A_516 {offsets = [25, 0], sizes = [1, 20], strides = [1, 1]} : vector<32x20xf32> to vector<1x20xf32>
    %slice3A_618 = vector.extract_strided_slice %tanh3A {offsets = [500, 0], sizes = [20, 1], strides = [1, 1]} : vector<640x1xf32> to vector<20x1xf32>
    %dot_general3A_619 = arith.constant dense<0.000000e+00> : vector<1x1xf32>
    %dot_general3A_620 = tpu.matmul %slice3A_617, %slice3A_618, %dot_general3A_619 {dimension_numbers = #tpu.dot_dimension_numbers<[1], [0], [0], [1], [0, 0, 1, 1], [], []>, transpose_lhs_hint = false} : vector<1x20xf32>, vector<20x1xf32>, vector<1x1xf32> -> vector<1x1xf32>
    %slice3A_621 = vector.extract_strided_slice %div3A_516 {offsets = [26, 0], sizes = [1, 20], strides = [1, 1]} : vector<32x20xf32> to vector<1x20xf32>
    %slice3A_622 = vector.extract_strided_slice %tanh3A {offsets = [520, 0], sizes = [20, 1], strides = [1, 1]} : vector<640x1xf32> to vector<20x1xf32>
    %dot_general3A_623 = arith.constant dense<0.000000e+00> : vector<1x1xf32>
    %dot_general3A_624 = tpu.matmul %slice3A_621, %slice3A_622, %dot_general3A_623 {dimension_numbers = #tpu.dot_dimension_numbers<[1], [0], [0], [1], [0, 0, 1, 1], [], []>, transpose_lhs_hint = false} : vector<1x20xf32>, vector<20x1xf32>, vector<1x1xf32> -> vector<1x1xf32>
    %slice3A_625 = vector.extract_strided_slice %div3A_516 {offsets = [27, 0], sizes = [1, 20], strides = [1, 1]} : vector<32x20xf32> to vector<1x20xf32>
    %slice3A_626 = vector.extract_strided_slice %tanh3A {offsets = [540, 0], sizes = [20, 1], strides = [1, 1]} : vector<640x1xf32> to vector<20x1xf32>
    %dot_general3A_627 = arith.constant dense<0.000000e+00> : vector<1x1xf32>
    %dot_general3A_628 = tpu.matmul %slice3A_625, %slice3A_626, %dot_general3A_627 {dimension_numbers = #tpu.dot_dimension_numbers<[1], [0], [0], [1], [0, 0, 1, 1], [], []>, transpose_lhs_hint = false} : vector<1x20xf32>, vector<20x1xf32>, vector<1x1xf32> -> vector<1x1xf32>
    %slice3A_629 = vector.extract_strided_slice %div3A_516 {offsets = [28, 0], sizes = [1, 20], strides = [1, 1]} : vector<32x20xf32> to vector<1x20xf32>
    %slice3A_630 = vector.extract_strided_slice %tanh3A {offsets = [560, 0], sizes = [20, 1], strides = [1, 1]} : vector<640x1xf32> to vector<20x1xf32>
    %dot_general3A_631 = arith.constant dense<0.000000e+00> : vector<1x1xf32>
    %dot_general3A_632 = tpu.matmul %slice3A_629, %slice3A_630, %dot_general3A_631 {dimension_numbers = #tpu.dot_dimension_numbers<[1], [0], [0], [1], [0, 0, 1, 1], [], []>, transpose_lhs_hint = false} : vector<1x20xf32>, vector<20x1xf32>, vector<1x1xf32> -> vector<1x1xf32>
    %slice3A_633 = vector.extract_strided_slice %div3A_516 {offsets = [29, 0], sizes = [1, 20], strides = [1, 1]} : vector<32x20xf32> to vector<1x20xf32>
    %slice3A_634 = vector.extract_strided_slice %tanh3A {offsets = [580, 0], sizes = [20, 1], strides = [1, 1]} : vector<640x1xf32> to vector<20x1xf32>
    %dot_general3A_635 = arith.constant dense<0.000000e+00> : vector<1x1xf32>
    %dot_general3A_636 = tpu.matmul %slice3A_633, %slice3A_634, %dot_general3A_635 {dimension_numbers = #tpu.dot_dimension_numbers<[1], [0], [0], [1], [0, 0, 1, 1], [], []>, transpose_lhs_hint = false} : vector<1x20xf32>, vector<20x1xf32>, vector<1x1xf32> -> vector<1x1xf32>
    %slice3A_637 = vector.extract_strided_slice %div3A_516 {offsets = [30, 0], sizes = [1, 20], strides = [1, 1]} : vector<32x20xf32> to vector<1x20xf32>
    %slice3A_638 = vector.extract_strided_slice %tanh3A {offsets = [600, 0], sizes = [20, 1], strides = [1, 1]} : vector<640x1xf32> to vector<20x1xf32>
    %dot_general3A_639 = arith.constant dense<0.000000e+00> : vector<1x1xf32>
    %dot_general3A_640 = tpu.matmul %slice3A_637, %slice3A_638, %dot_general3A_639 {dimension_numbers = #tpu.dot_dimension_numbers<[1], [0], [0], [1], [0, 0, 1, 1], [], []>, transpose_lhs_hint = false} : vector<1x20xf32>, vector<20x1xf32>, vector<1x1xf32> -> vector<1x1xf32>
    %slice3A_641 = vector.extract_strided_slice %div3A_516 {offsets = [31, 0], sizes = [1, 20], strides = [1, 1]} : vector<32x20xf32> to vector<1x20xf32>
    %slice3A_642 = vector.extract_strided_slice %tanh3A {offsets = [620, 0], sizes = [20, 1], strides = [1, 1]} : vector<640x1xf32> to vector<20x1xf32>
    %dot_general3A_643 = arith.constant dense<0.000000e+00> : vector<1x1xf32>
    %dot_general3A_644 = tpu.matmul %slice3A_641, %slice3A_642, %dot_general3A_643 {dimension_numbers = #tpu.dot_dimension_numbers<[1], [0], [0], [1], [0, 0, 1, 1], [], []>, transpose_lhs_hint = false} : vector<1x20xf32>, vector<20x1xf32>, vector<1x1xf32> -> vector<1x1xf32>
    %concatenate3A_645 = tpu.concatenate %dot_general3A_520, %dot_general3A_524, %dot_general3A_528, %dot_general3A_532, %dot_general3A_536, %dot_general3A_540, %dot_general3A_544, %dot_general3A_548, %dot_general3A_552, %dot_general3A_556, %dot_general3A_560, %dot_general3A_564, %dot_general3A_568, %dot_general3A_572, %dot_general3A_576, %dot_general3A_580, %dot_general3A_584, %dot_general3A_588, %dot_general3A_592, %dot_general3A_596, %dot_general3A_600, %dot_general3A_604, %dot_general3A_608, %dot_general3A_612, %dot_general3A_616, %dot_general3A_620, %dot_general3A_624, %dot_general3A_628, %dot_general3A_632, %dot_general3A_636, %dot_general3A_640, %dot_general3A_644 in 0 : vector<1x1xf32>, vector<1x1xf32>, vector<1x1xf32>, vector<1x1xf32>, vector<1x1xf32>, vector<1x1xf32>, vector<1x1xf32>, vector<1x1xf32>, vector<1x1xf32>, vector<1x1xf32>, vector<1x1xf32>, vector<1x1xf32>, vector<1x1xf32>, vector<1x1xf32>, vector<1x1xf32>, vector<1x1xf32>, vector<1x1xf32>, vector<1x1xf32>, vector<1x1xf32>, vector<1x1xf32>, vector<1x1xf32>, vector<1x1xf32>, vector<1x1xf32>, vector<1x1xf32>, vector<1x1xf32>, vector<1x1xf32>, vector<1x1xf32>, vector<1x1xf32>, vector<1x1xf32>, vector<1x1xf32>, vector<1x1xf32>, vector<1x1xf32> -> vector<32x1xf32>
    %get3A_646 = arith.constant 0 : index
    %get3A_647 = arith.constant 0 : index
    %get3A_648 = memref.load %arg8[%get3A_646, %get3A_647] : memref<1x1xf32, #tpu.memory_space<smem>>
    %mul3A_649 = vector.broadcast %get3A_648 : f32 to vector<32x1xf32>
    %mul3A_650 = arith.mulf %concatenate3A_645, %mul3A_649 : vector<32x1xf32>
    %get3A_651 = arith.constant 0 : index
    %get3A_652 = memref.load %arg9[%get3A_651] : memref<1xf32, #tpu.memory_space<smem>>
    %add3A_653 = vector.broadcast %get3A_652 : f32 to vector<32x1xf32>
    %add3A_654 = arith.addf %mul3A_650, %add3A_653 : vector<32x1xf32>
    %swap3A = arith.constant 0 : index
    %swap3A_655 = arith.constant 0 : index
    %swap3A_656 = vector.load %arg10[%swap3A, %swap3A_655] : memref<32x1xf32, #tpu.memory_space<vmem>>, vector<32x1xf32>
    tpu.vector_store %arg10[%swap3A, %swap3A_655], %add3A_654 {strides = array<i32>} : memref<32x1xf32, #tpu.memory_space<vmem>>, vector<32x1xf32>,
    return
  }
  func.func @transform_0(%arg0: i32) -> (i32, i32) {
    %c0_i32 = arith.constant 0 : i32
    %c0_i32_0 = arith.constant 0 : i32
    return %arg0, %c0_i32 : i32, i32
  }
  func.func @transform_1(%arg0: i32) -> (i32, i32) {
    %c0_i32 = arith.constant 0 : i32
    %c0_i32_0 = arith.constant 0 : i32
    return %arg0, %c0_i32 : i32, i32
  }
  func.func @transform_2(%arg0: i32) -> (i32, i32) {
    %c0_i32 = arith.constant 0 : i32
    %c0_i32_0 = arith.constant 0 : i32
    return %arg0, %c0_i32 : i32, i32
  }
  func.func @transform_3(%arg0: i32) -> (i32, i32) {
    %c0_i32 = arith.constant 0 : i32
    %c0_i32_0 = arith.constant 0 : i32
    return %arg0, %c0_i32 : i32, i32
  }
  func.func @transform_4(%arg0: i32) -> (i32, i32) {
    %c0_i32 = arith.constant 0 : i32
    %c0_i32_0 = arith.constant 0 : i32
    %c0_i32_1 = arith.constant 0 : i32
    return %c0_i32, %c0_i32_0 : i32, i32
  }
  func.func @transform_5(%arg0: i32) -> i32 {
    %c0_i32 = arith.constant 0 : i32
    %c0_i32_0 = arith.constant 0 : i32
    return %c0_i32 : i32
  }
  func.func @transform_6(%arg0: i32) -> (i32, i32) {
    %c0_i32 = arith.constant 0 : i32
    %c0_i32_0 = arith.constant 0 : i32
    %c0_i32_1 = arith.constant 0 : i32
    return %c0_i32, %c0_i32_0 : i32, i32
  }
  func.func @transform_7(%arg0: i32) -> (i32, i32) {
    %c0_i32 = arith.constant 0 : i32
    %c0_i32_0 = arith.constant 0 : i32
    %c0_i32_1 = arith.constant 0 : i32
    return %c0_i32, %c0_i32_0 : i32, i32
  }
  func.func @transform_8(%arg0: i32) -> i32 {
    %c0_i32 = arith.constant 0 : i32
    %c0_i32_0 = arith.constant 0 : i32
    return %c0_i32 : i32
  }
  func.func @transform_9(%arg0: i32) -> (i32, i32) {
    %c0_i32 = arith.constant 0 : i32
    %c0_i32_0 = arith.constant 0 : i32
    return %arg0, %c0_i32 : i32, i32
  }
}

</mosaic_0001>

<sc_bundles>
// kernel: kernel.6.cloned.1.call-start
scs
__scs_entry_jumppad:
0x0: {  	(pc) =	sbr.rel $0x88, $3  }
0x1: {  	(tag) =	ssettag $0x0;
	lr =	simm.s32 $0x1  }
0x2: {  	[smem:$0x3F98] =	sst lr;
	_ =	strace $0xD0000000  }
0x3: {  	_ = 	snop  }
0x4: {  	_ = 	snop  }
0x5: {  	_ = 	snop  }
0x6: {  	_ = 	snop  }
0x7: {  	_ = 	snop  }
__scs_overlays_trampoline_lowered:
0x8: {  	[smem:$0x3FA7] =	sst s0  }
0x9: {  	[smem:$0x3FA8] =	sst s1  }
0xa: {  	[smem:$0x3FA9] =	sst s2  }
0xb: {  	[smem:$0x3FAA] =	sst s3  }
0xc: {  	[smem:$0x3FAB] =	sst s4  }
0xd: {  	[smem:$0x3FAC] =	sst s5  }
0xe: {  	[smem:$0x3FAD] =	sst s6  }
0xf: {  	[smem:$0x3FAE] =	sst s7  }
0x10: {  	[smem:$0x3FAF] =	sst s8  }
0x11: {  	[smem:$0x3FB0] =	sst s9;
	s0 =	simm.s32 @!p0 $0x0  }
0x12: {  	s1 =	sld [smem:$0x3F96];
	s0 =	simm.s32 @p0 $0x1  }
0x13: {  	[smem:$0x3FB1] =	sst s0;
	s0 =	simm.s32 @!p1 $0x0  }
0x14: {  	s2 =	sld [smem:$0x3F95];
	s0 =	simm.s32 @p1 $0x1  }
0x15: {  	[smem:$0x3FB2] =	sst s0;
	s0 =	simm.s32 @!p2 $0x0  }
0x16: {  	s3 =	sld [smem:$0x3FDB];
	s0 =	simm.s32 @p2 $0x1  }
0x17: {  	s4 =	simm.s32 $0x1BF5;
	[smem:$0x3FB4] =	sst s0  }
0x18: {  	s0 =	sld [smem:$0x3F97];
	_ =	swait.ge [sflag:s4], $0x0  }
0x19: {  	s7 =	sld [smem:$0x3F98]  }
0x1a: {  	s8 =	sadd.s32 $0xFFFFE003, lr  }
0x1b: {  	s9 =	sadd.s32 $0xFFFFFEF7, lr;
	s5 =	simm.s32 $0xFFFFFFFF;
	p2 =	slt.u32 s8, $0xFFFFF086  }
0x1c: {  	p1 =	slt.u32 s9, $0xF7A;
	s5 =	simm.s32 @!p2 $0x0  }
0x1d: {  	s5 =	simm.s32 @p1 $0x1;
	p0 =	seq.s32 s7, s2  }
0x1e: {  	s7 =	smul.u32 @!p0 $0xF7A, s2;
	p2 =	seq.s32 @!p0 s5, $0x0  }
0x1f: {  	s9 =	smul.u32 $0xF7A, s1;
	s8 =	simm.s32 @!p0 $0x1BF5;
	p2 =	por !p2, p0  }
0x20: {  	[sflag:s8] =	ssyncset.s32 @!p0 $0xFFFFF086;
	s6 =	sadd.s32 @!p0 s3, s7;
	s7 =	simm.s32 @!p0 $0x108  }
0x21: {  	s3 =	sadd.s32 s3, s9;
	s6 =	sadd.s32 @!p0 $0x88, s6;
	s7 =	simm.s32 @p2 $0x1082  }
0x22: {  	[simem:s7], [sflag:s8] =	dma.local @!p0 [hbm:s6], $0xF7A  }
0x23: {  	s9 =	sor.u32 $0xD0000000, s2;
	s6 =	simm.s32 $0x108;
	_ =	swait.ge @!p0 [sflag:s8], $0x0  }
0x24: {  	s3 =	sadd.s32 $0x88, s3;
	s6 =	simm.s32 @!p1 $0x1082;
	[sflag:s4] =	ssyncset.s32 $0xFFFFF086  }
0x25: {  	[simem:s6], [sflag:s4] =	dma.local [hbm:s3], $0xF7A  }
0x26: {  	[smem:$0x3F98] =	sst s1;
	(tag) =	ssettag s2;
	_ =	strace s9  }
0x27: {  	s1 =	sld [smem:$0x3FA8]  }
0x28: {  	s2 =	sld [smem:$0x3FA9]  }
0x29: {  	s4 =	sld [smem:$0x3FAB]  }
0x2a: {  	p0 =	seq.s32 s5, $0x0;
	s5 =	sld [smem:$0x3FAC]  }
0x2b: {  	s6 =	sld [smem:$0x3FAD]  }
0x2c: {  	s7 =	sld [smem:$0x3FAE]  }
0x2d: {  	s3 =	simm.s32 $0x108;
	s8 =	sld [smem:$0x3FAF]  }
0x2e: {  	s3 =	simm.s32 @!p0 $0x1082;
	s9 =	sld [smem:$0x3FB0]  }
0x2f: {  	lr =	sadd.s32 s0, s3;
	s0 =	sld [smem:$0x3FA7]  }
0x30: {  	s3 =	sld [smem:$0x3FAA]  }
0x31: {  	[smem:$0x3FB3] =	sst s10  }
0x32: {  	s10 =	sld [smem:$0x3FB1];
	_ =	sdelay $0x3  }
0x33: {  	p0 =	seq.s32 s10, $0x1;
	s10 =	sld [smem:$0x3FB3];
	_ =	sdelay $0x3  }
0x34: {  	[smem:$0x3FB3] =	sst s10  }
0x35: {  	s10 =	sld [smem:$0x3FB2];
	_ =	sdelay $0x3  }
0x36: {  	p1 =	seq.s32 s10, $0x1;
	s10 =	sld [smem:$0x3FB3];
	_ =	sdelay $0x3  }
0x37: {  	[smem:$0x3FB3] =	sst s10  }
0x38: {  	s10 =	sld [smem:$0x3FB4]  }
0x39: {  	_ = 	snop;
	(pc) =	sbr.ind lr, $3  }
0x3a: {  	_ = 	snop  }
0x3b: {  	_ = 	snop  }
0x3c: {  	p2 =	seq.s32 s10, $0x1;
	s10 =	sld [smem:$0x3FB3]  }
0x3d: {  	_ =	shalt  }
0x3e: {  	_ =	shalt  }
0x3f: {  	_ =	shalt  }
0x40: {  	_ =	shalt  }
0x41: {  	_ =	shalt  }
0x42: {  	_ =	shalt  }
0x43: {  	_ =	shalt  }
0x44: {  	_ =	shalt  }
0x45: {  	_ =	shalt  }
0x46: {  	_ =	shalt  }
0x47: {  	_ =	shalt  }
0x48: {  	_ =	shalt  }
0x49: {  	_ =	shalt  }
0x4a: {  	_ =	shalt  }
0x4b: {  	_ =	shalt  }
0x4c: {  	_ =	shalt  }
0x4d: {  	_ =	shalt  }
0x4e: {  	_ =	shalt  }
0x4f: {  	_ =	shalt  }
0x50: {  	_ =	shalt  }
0x51: {  	_ =	shalt  }
0x52: {  	_ =	shalt  }
0x53: {  	_ =	shalt  }
0x54: {  	_ =	shalt  }
0x55: {  	_ =	shalt  }
0x56: {  	_ =	shalt  }
0x57: {  	_ =	shalt  }
0x58: {  	_ =	shalt  }
0x59: {  	_ =	shalt  }
0x5a: {  	_ =	shalt  }
0x5b: {  	_ =	shalt  }
0x5c: {  	_ =	shalt  }
0x5d: {  	_ =	shalt  }
0x5e: {  	_ =	shalt  }
0x5f: {  	_ =	shalt  }
0x60: {  	_ =	shalt  }
0x61: {  	_ =	shalt  }
0x62: {  	_ =	shalt  }
0x63: {  	_ =	shalt  }
0x64: {  	_ =	shalt  }
0x65: {  	_ =	shalt  }
0x66: {  	_ =	shalt  }
0x67: {  	_ =	shalt  }
0x68: {  	_ =	shalt  }
0x69: {  	_ =	shalt  }
0x6a: {  	_ =	shalt  }
0x6b: {  	_ =	shalt  }
0x6c: {  	_ =	shalt  }
0x6d: {  	_ =	shalt  }
0x6e: {  	_ =	shalt  }
0x6f: {  	_ =	shalt  }
0x70: {  	_ =	shalt  }
0x71: {  	_ =	shalt  }
0x72: {  	_ =	shalt  }
0x73: {  	_ =	shalt  }
0x74: {  	_ =	shalt  }
0x75: {  	_ =	shalt  }
0x76: {  	_ =	shalt  }
0x77: {  	_ =	shalt  }
0x78: {  	_ =	shalt  }
0x79: {  	_ =	shalt  }
0x7a: {  	_ =	shalt  }
0x7b: {  	_ =	shalt  }
0x7c: {  	_ =	shalt  }
0x7d: {  	_ =	shalt  }
0x7e: {  	_ =	shalt  }
0x7f: {  	_ =	shalt  }
0x80: {  	_ =	shalt  }
0x81: {  	_ =	shalt  }
0x82: {  	_ =	shalt  }
0x83: {  	_ =	shalt  }
0x84: {  	_ =	shalt  }
0x85: {  	_ =	shalt  }
0x86: {  	_ =	shalt  }
0x87: {  	_ =	shalt  }
.Lfunc_end0:
.L_simem_size_0:
called_computation_lowered:
.L_overlay_start_0:
0x88: {  	s2 =	sld [smem:$0x3FD9]  }
0x89: {  	s3 =	sld [smem:$0x3FFE];
	_ =	sdelay $0x1  }
0x8a: {  	s1 =	srdreg.scid  }
0x8b: {  	s0 =	sand.u32 $0x1, s1  }
0x8c: {  	s16 =	sshll.u32 s0, $0xA;
	s2 =	sadd.s32 s3, s2  }
0x8d: {  	s2 =	sadd.s32 s2, s16  }
0x8e: {  	[smem:$0x3FBF] =	sst s2  }
0x8f: {  	_ = 	snop  }
0x90: {  	(tm) =	ssettm $0x1  }
0x91: {  	s17 =	sld [smem:$0x3FFB];
	_ =	sdelay $0x3  }
0x92: {  	_ =	strace s17  }
0x93: {  	s2 =	sld [smem:$0x3FFC];
	_ =	sdelay $0x3  }
0x94: {  	_ =	strace s2  }
0x95: {  	s2 =	sld [smem:$0x3FFD];
	_ =	sdelay $0x3  }
0x96: {  	_ =	strace s2  }
0x97: {  	_ =	strace $0x8FFFFFFF  }
0x98: {  	s18 =	sld [smem:$0x3FDB];
	_ =	sdelay $0x1  }
0x99: {  	s19 =	simm.s32 $_scs_section_size  }
0x9a: {  	s4 =	simm.s32 $_size__tile_overlayer_lowered;
	s5 =	simm.s32 $_tile_overlayer_lowered  }
0x9b: {  	s22 =	simm.s32 $0x1BFF;
	s21 =	sshll.u32 s5, $0x1;
	s2 =	sadd.s32 s19, s18  }
0x9c: {  	s6 =	simm.s32 $0x0;
	s20 =	sshll.u32 s4, $0x1;
	s4 =	sadd.s32 s21, s2  }
0x9d: {  	[timem:s6], [sflag:s22] =	dma.local [hbm:s4], s20  }
0x9e: {  	_ =	swait.ge [sflag:s22], s20  }
0x9f: {  	s3 =	ssub.s32 $0x0, s20;
	[sflag:s22] =	ssyncset.done $0x0  }
0xa0: {  	[sflag:s22] =	ssyncadd.s32 s3;
	_ =	sdelay $0x1  }
0xa1: {  	s23 =	simm.s32 $0x1B8B  }
0xa2: {  	_ =	swait.ge [sflag:s23], $0x1  }
0xa3: {  	[sflag:s23] =	ssyncset.done $0x0  }
0xa4: {  	s25 =	simm.s32 $0x1B8E;
	s24 =	sld [smem:$0x3FFE];
	[sflag:s23] =	ssyncadd.s32 $0xFFFFFFFF  }
0xa5: {  	s26 =	simm.s32 $execute0_lowered;
	[smem:$0x3FD2] =	sst s25  }
0xa6: {  	s4 =	sshll.u32 s26, $0x1;
	_ =	strace $0x80000046;
	[dreg:$0x1] =	wrdreg $0xFFFFFFFF  }
0xa7: {  	s28 =	simm.s32 $_size_execute0_lowered;
	s2 =	sadd.s32 s2, s4;
	[dreg:$0x0] =	wrdreg $0x0  }
0xa8: {  	s4 =	sshll.u32 s28, $0x1;
	[dreg:$0x2] =	wrdreg s2  }
0xa9: {  	[dreg:$0x3] =	wrdreg s4  }
0xaa: {  	[dreg:$0x4] =	wrdreg $0xC0  }
0xab: {  	_ =	task [dreg:s6], $0x5FFFF  }
0xac: {  	[dreg:$0x1] =	wrdreg $0xFFFFFFFF  }
0xad: {  	[dreg:$0x0] =	wrdreg $0x60  }
0xae: {  	[dreg:$0x2] =	wrdreg s24  }
0xaf: {  	[dreg:$0x3] =	wrdreg $0x9  }
0xb0: {  	_ =	task.clear_ibuf [dreg:s6], $0x4FFFF;
	_ =	strace $0x90000046  }
0xb1: {  	s29 =	simm.s32 $0x9;
	_ =	strace $0x80000056  }
0xb2: {  	_ =	swait.ge [sflag:s29], $0x1  }
0xb3: {  	[sflag:s29] =	ssyncadd.s32 $0xFFFFFFFF  }
0xb4: {  	_ =	strace $0x90000056  }
0xb5: {  	_ =	sfence  }
0xb6: {  	s30 =	sld [smem:$0x0];
	_ =	sdelay $0x2  }
0xb7: {  	s31 =	sshll.u32 s1, $0xD;
	s1 =	sshrl.u32 s1, $0x2  }
0xb8: {  	s3 =	sand.u32 $0x4000, s31;
	s1 =	sadd.s32 s1, s30  }
0xb9: {  	s0 =	sor.u32 s3, s0;
	s1 =	sshll.u32 s1, $0x11  }
0xba: {  	s0 =	sor.u32 s1, s0  }
0xbb: {  	s0 =	sadd.s32 $0x8F2B, s0  }
0xbc: {  	[sflag:s0] =	ssyncadd.remote.s32 $0x1  }
0xbd: {  	_ =	sfence.sel $0xFFFF  }
0xbe: {  	[dreg:$0x0] =	wrdreg $0xFFFFFFFF;
	(pc) =	sbr.abs _section_cstart, $3  }
0xbf: {  	[dreg:$0x1] =	wrdreg $0xFFFFFFFF  }
0xc0: {  	_ =	task.clear_ibuf [dreg:s6], $0x2FFFF;
	_ =	strace $0x9FFFFFFF  }
0xc1: {  	(tm) =	ssettm $0x7FFFFFFF  }
tec
execute0_lowered:
.L_overlay_start_1:
0x0: {  	(tag) =	ssettag $0x1  }
0x1: {  	s0 =	rddreg [dreg:$0x0];
	s1 =	srdreg.scid  }
0x2: {  	s2 =	simm.s32 $0x0;
	s5 =	stileid.u32;
	s15 =	simm.s32 $0x80  }
0x3: {  	s16 =	simm.s32 $0x5;
	s17 =	simm.s32 $0x4;
	s19 =	simm.s32 $0x0  }
0x4: {  	s1 =	sand.u32 $0x1, s1;
	[smem:$0x7FF] =	sst s2;
	s3 =	sadd.s32 $0xF50000, s0  }
0x5: {  	s7 =	sadd.s32 $0x346C00, s0;
	s4 =	sshll.u32 s1, $0x4;
	_ =	strace $0x80000047  }
0x6: {  	s1 =	ssub.s32 $0x2, s1;
	[dreg:$0x2] =	wrdreg s7;
	s8 =	sor.u32 s5, s4  }
0x7: {  	s7 =	sadd.s32 $0x26C00, s0;
	s10 =	sshrl.u32 s1, $0x1;
	s9 =	smul.u32 $0xA0, s8  }
0x8: {  	s4 =	sadd.s32 $0xC800, s0;
	s11 =	smul.u32 $0x640, s8;
	s29 =	ssub.s32 s1, s10  }
0x9: {  	s5 =	sadd.s32 $0x1A400, s0;
	s30 =	smul.u32 $0x19000, s8;
	s0 =	smax.u32 s29, $0x1  }
0xa: {  	s9 =	sadd.s32 s4, s9;
	s10 =	sadd.s32 s5, s11;
	[dreg:$0x4] =	wrdreg s0  }
0xb: {  	[dreg:$0x3] =	wrdreg s9;
	s9 =	smul.u32 $0x64, s8;
	s31 =	sadd.s32 $0x10, s10  }
0xc: {  	s6 =	smul.u32 $0xA, s8;
	s13 =	sadd.s32 s7, s30;
	[dreg:$0x5] =	wrdreg s31  }
.LBB2_1:
0xd: {  	_ =	strace $0x80000048  }
0xe: {  	s21 =	simm.s32 $0x1;
	p0 =	por $0x0, $0x0;
	p5 =	por $0x1, $0x1  }
0xf: {  	s20 =	simm.s32 $0x9;
	s1 =	simm.s32 $0x1;
	s30 =	sand.u32 $0x1, s2  }
0x10: {  	s24 =	simm.s32 $0x0;
	s0 =	rddreg [dreg:$0x3];
	s21 =	simm.s32 @p0 $0x0  }
0x11: {  	[tilespmem:s2], [sflag:$0x1] =	stream.linear.gather [hbm4b:s0+s2], $0x80, $0x200038;
	[tilespmem:$0x4100] =	vst v63  }
0x12: {  	s23 =	simm.s32 $0x8;
	p4 =	por $0x0, $0x0;
	p2 =	sne.s32 s21, $0x0  }
0x13: {  	s18 =	simm.s32 $0x1;
	p6 =	por $0x0, $0x0;
	p0 =	por !p5, !p2  }
0x14: {  	s28 =	simm.s32 $0x0;
	s25 =	sadd.s32 $0x1, s30;
	p3 =	por !p0, !p0  }
0x15: {  	s26 =	sshll.u32 s30, $0xD;
	s18 =	simm.s32 @!p4 $0x0;
	s0 =	sadd.s32 @p3 s6, s21  }
0x16: {  	_ =	strace $0x90000048;
	s1 =	sand.u32 @p3 $0x1, s1;
	s0 =	sshll.u32 @p3 s0, $0x4  }
0x17: {  	s8 =	simm.s32 @p3 $0x0;
	_ =	strace @p3 $0x80000049;
	s0 =	sand.u32 @p3 $0x1FFFFFF0, s0  }
0x18: {  	s14 =	sshll.u32 @p3 s1, $0x7;
	s1 =	sadd.s32 @p3 $0x1, s1;
	s0 =	sadd.s32 @p3 s4, s0  }
0x19: {  	[tilespmem:s14], [sflag:s1] =	stream.linear.gather @p3 [hbm4b:s0+s8], $0x80, $0x200038;
	[tilespmem:$0x4100] =	vst v63  }
0x1a: {  	s31 =	sor.u32 $0x100, s26;
	p0 =	por $0x1, $0x1;
	_ =	strace @p3 $0x90000049  }
0x1b: {  	s22 =	sadd.s32 $0x0, s18;
	p1 =	por p0, p0;
	_ =	strace $0x8000004A  }
0x1c: {  	s8 =	sand.u32 @!p0 $0x1, s2;
	p0 =	por $0x0, $0x0;
	_ =	swait.ge [sflag:s25], $0x80  }
0x1d: {  	s14 =	sadd.s32 $0x0, s6;
	s0 =	sand.u32 $0x80, s24;
	[sflag:s25] =	ssyncset.done $0x0  }
0x1e: {  	s1 =	simm.s32 $0x1;
	s24 =	simm.s32 $0x0;
	[sflag:s25] =	ssyncadd.s32 $0xFFFFFF80  }
0x1f: {  	s26 =	sadd.s32 @!p1 $0x3, s8;
	s25 =	sadd.s32 $0x1, s21;
	_ =	strace $0x9000004A  }
0x20: {  	s1 =	simm.s32 @!p3 $0x0;
	p5 =	seq.s32 s25, $0xA;
	_ =	strace $0x8000004B  }
0x21: {  	[tilespmem:s31], [sflag:$0x5] =	stream.indirect.gather [hbm4b:s3+s15], $0x40, s0, s15, $0x2000b8;
	[tilespmem:$0x4100] =	vst v63  }
0x22: {  	s29 =	sadd.s32 $0x1, s1;
	s25 =	simm.s32 @p5 $0x0;
	_ =	swait.ge [sflag:s16], $0x2000  }
0x23: {  	p5 =	por p6, p2;
	p6 =	por $0x1, $0x1;
	[sflag:s16] =	ssyncset.done $0x0  }
0x24: {  	p2 =	sne.s32 s21, s25;
	s0 =	sshll.u32 @p5 s14, $0xA;
	[sflag:s16] =	ssyncadd.s32 $0xFFFFE000  }
0x25: {  	s14 =	simm.s32 $0x1;
	p3 =	por !p6, !p2;
	_ =	strace $0x9000004B  }
0x26: {  	s14 =	simm.s32 @!p5 $0x0;
	p3 =	por !p3, !p3;
	_ =	strace @p5 $0x8000004C  }
0x27: {  	s1 =	sand.u32 @p3 $0x1, s29;
	s18 =	sadd.s32 @p3 s6, s25;
	s8 =	rddreg [dreg:$0x2]  }
.LBB2_2:
0x28: {  	s18 =	sshll.u32 @p3 s18, $0x4;
	s11 =	sand.u32 @p5 $0x1FFFFC00, s0;
	s24 =	sadd.s32 s14, s24  }
0x29: {  	s0 =	smov.u32 s20;
	s20 =	smov.u32 s23;
	s12 =	smov.u32 s21  }
0x2a: {  	s21 =	sadd.s32 @p5 $0x3, s30;
	s30 =	simm.s32 @p5 $0x0;
	s28 =	sadd.s32 s14, s28  }
0x2b: {  	s23 =	sadd.s32 $0xFFFFFFFF, s23;
	s14 =	sand.u32 @!p0 $0x1, s22;
	s8 =	sadd.s32 @p5 s8, s11  }
0x2c: {  	[hbm4b:s8+s30] =	stream.linear.scatter @p5 [tilespmem:s31], [sflag:s21], $0x2000, $0x200038;
	[tilespmem:$0x4100] =	vst v63  }
0x2d: {  	s18 =	sand.u32 @p3 $0x1FFFFFF0, s18;
	s11 =	sshll.u32 s28, $0x7;
	_ =	strace @p5 $0x9000004C  }
0x2e: {  	p4 =	sne.s32 s23, $0x0;
	s18 =	sadd.s32 @p3 s4, s18;
	_ =	strace @!p1 $0x8000004D  }
0x2f: {  	s8 =	sand.u32 $0x1, s28;
	s21 =	smov.u32 s25;
	_ =	swait.ge @!p1 [sflag:s26], $0x2000  }
0x30: {  	s30 =	simm.s32 @p3 $0x0;
	s25 =	sadd.s32 $0x1, s25;
	[sflag:s26] =	ssyncset.done @!p1 $0x0  }
0x31: {  	s11 =	sand.u32 $0x80, s11;
	p6 =	seq.s32 s25, $0xA;
	[sflag:s26] =	ssyncadd.s32 @!p1 $0xFFFFE000  }
0x32: {  	p5 =	sne.s32 s0, $0xA;
	s25 =	simm.s32 @p6 $0x0;
	_ =	strace @!p1 $0x9000004D  }
0x33: {  	s26 =	sshll.u32 @p3 s1, $0x7;
	s1 =	sadd.s32 @p3 $0x1, s1;
	_ =	strace @p3 $0x80000049  }
0x34: {  	[tilespmem:s26], [sflag:s1] =	stream.linear.gather @p3 [hbm4b:s18+s30], $0x80, $0x200038;
	[tilespmem:$0x4100] =	vst v63  }
0x35: {  	p6 =	sne.s32 s20, $0x1;
	p1 =	por p0, p0;
	_ =	strace @p3 $0x90000049  }
0x36: {  	p0 =	seq.s32 s20, $0xA;
	s18 =	sadd.s32 $0x1, s8;
	_ =	strace $0x8000004A  }
0x37: {  	s8 =	sadd.s32 s6, s12;
	s26 =	sadd.s32 @!p1 $0x3, s14;
	_ =	swait.ge [sflag:s18], $0x80  }
0x38: {  	s30 =	sand.u32 $0x1, s24;
	s12 =	simm.s32 $0x1;
	[sflag:s18] =	ssyncset.done $0x0  }
0x39: {  	s1 =	simm.s32 $0x1;
	s14 =	simm.s32 $0x1;
	[sflag:s18] =	ssyncadd.s32 $0xFFFFFF80  }
0x3a: {  	s12 =	simm.s32 @!p5 $0x0;
	s18 =	sshll.u32 s30, $0xD;
	_ =	strace $0x9000004A  }
0x3b: {  	p5 =	seq.s32 s0, $0x1;
	s31 =	sor.u32 $0x100, s18;
	_ =	strace $0x8000004B  }
0x3c: {  	[tilespmem:s31], [sflag:$0x5] =	stream.indirect.gather [hbm4b:s3+s15], $0x40, s11, s15, $0x2000b8;
	[tilespmem:$0x4100] =	vst v63  }
0x3d: {  	s1 =	simm.s32 @!p3 $0x0;
	s22 =	sadd.s32 s12, s22;
	_ =	swait.ge [sflag:s16], $0x2000  }
.Ltmp0:
0x3e: {  	p5 =	por p5, p2;
	[sflag:s16] =	ssyncset.done $0x0;
	(pc) =	sbr.rel @p4 .LBB2_2-.Ltmp0, $4  }
0x3f: {  	p2 =	sne.s32 s21, s25;
	s29 =	sadd.s32 s1, s29;
	[sflag:s16] =	ssyncadd.s32 $0xFFFFE000  }
0x40: {  	s0 =	sshll.u32 @p5 s8, $0xA;
	p3 =	por !p6, !p2;
	_ =	strace $0x9000004B  }
0x41: {  	s14 =	simm.s32 @!p5 $0x0;
	p3 =	por !p3, !p3;
	_ =	strace @p5 $0x8000004C  }
0x42: {  	s1 =	sand.u32 @p3 $0x1, s29;
	s18 =	sadd.s32 @p3 s6, s25;
	s8 =	rddreg [dreg:$0x2]  }
0x43: {  	s0 =	sand.u32 @p5 $0x1FFFFC00, s0  }
0x44: {  	s11 =	sadd.s32 @p5 $0x3, s30;
	s0 =	sadd.s32 @p5 s8, s0;
	s8 =	simm.s32 @p5 $0x0  }
0x45: {  	[hbm4b:s0+s8] =	stream.linear.scatter @p5 [tilespmem:s31], [sflag:s11], $0x2000, $0x200038;
	[tilespmem:$0x4100] =	vst v63  }
0x46: {  	_ =	strace @p5 $0x9000004C  }
0x47: {  	_ =	strace @!p1 $0x8000004D  }
0x48: {  	_ =	swait.ge @!p1 [sflag:s26], $0x2000  }
0x49: {  	s12 =	sshll.u32 @p3 s1, $0x7;
	[sflag:s26] =	ssyncset.done @!p1 $0x0  }
0x4a: {  	s1 =	sadd.s32 @p3 $0x1, s1;
	s0 =	sshll.u32 @p3 s18, $0x4;
	[sflag:s26] =	ssyncadd.s32 @!p1 $0xFFFFE000  }
0x4b: {  	s31 =	sadd.s32 s14, s28;
	s0 =	sand.u32 @p3 $0x1FFFFFF0, s0;
	_ =	strace @!p1 $0x9000004D  }
0x4c: {  	s11 =	simm.s32 @p3 $0x0;
	s0 =	sadd.s32 @p3 s4, s0;
	_ =	strace @p3 $0x80000049  }
0x4d: {  	[tilespmem:s12], [sflag:s1] =	stream.linear.gather @p3 [hbm4b:s0+s11], $0x80, $0x200038;
	[tilespmem:$0x4100] =	vst v63  }
0x4e: {  	s1 =	sand.u32 $0x1, s31;
	_ =	strace @p3 $0x90000049  }
0x4f: {  	s0 =	sadd.s32 $0x1, s1;
	_ =	strace $0x8000004A  }
0x50: {  	_ =	swait.ge [sflag:s0], $0x80  }
0x51: {  	s11 =	sadd.s32 s14, s24;
	[sflag:s0] =	ssyncset.done $0x0  }
0x52: {  	[sflag:s0] =	ssyncadd.s32 $0xFFFFFF80;
	s0 =	sand.u32 $0x1, s11  }
0x53: {  	s12 =	sshll.u32 s31, $0x7;
	_ =	strace $0x9000004A;
	s14 =	sshll.u32 s0, $0xD  }
0x54: {  	s1 =	sand.u32 $0x80, s12;
	_ =	strace $0x8000004B;
	s8 =	sor.u32 $0x100, s14  }
0x55: {  	[tilespmem:s8], [sflag:$0x5] =	stream.indirect.gather [hbm4b:s3+s15], $0x40, s1, s15, $0x2000b8;
	[tilespmem:$0x4100] =	vst v63  }
0x56: {  	_ =	swait.ge [sflag:s16], $0x2000  }
0x57: {  	[sflag:s16] =	ssyncset.done $0x0  }
0x58: {  	p6 =	seq.s32 s20, $0x1;
	[sflag:s16] =	ssyncadd.s32 $0xFFFFE000  }
0x59: {  	p1 =	por p6, p2;
	s1 =	sadd.s32 s6, s21;
	_ =	strace $0x9000004B  }
0x5a: {  	s1 =	sshll.u32 @p1 s1, $0xA;
	_ =	strace @p1 $0x8000004C  }
0x5b: {  	s1 =	sand.u32 @p1 $0x1FFFFC00, s1;
	s11 =	rddreg [dreg:$0x2]  }
0x5c: {  	s12 =	simm.s32 @p1 $0x0;
	s0 =	sadd.s32 @p1 $0x3, s0;
	s1 =	sadd.s32 @p1 s11, s1  }
0x5d: {  	[hbm4b:s1+s12] =	stream.linear.scatter @p1 [tilespmem:s8], [sflag:s0], $0x2000, $0x200038;
	[tilespmem:$0x4100] =	vst v63  }
0x5e: {  	s0 =	sand.u32 @!p0 $0x1, s22;
	p0 =	por p0, p0;
	_ =	strace @p1 $0x9000004C  }
0x5f: {  	s0 =	sadd.s32 @!p0 $0x3, s0;
	_ =	strace @!p0 $0x8000004D  }
0x60: {  	_ =	swait.ge @!p0 [sflag:s0], $0x2000  }
0x61: {  	[sflag:s0] =	ssyncset.done @!p0 $0x0  }
0x62: {  	[sflag:s0] =	ssyncadd.s32 @!p0 $0xFFFFE000  }
0x63: {  	_ =	strace @!p0 $0x9000004D  }
0x64: {  	_ =	strace $0x8000004E  }
0x65: {  	_ =	swait.ge [sflag:s17], $0x2000  }
0x66: {  	[sflag:s17] =	ssyncset.done $0x0  }
0x67: {  	[sflag:s17] =	ssyncadd.s32 $0xFFFFE000  }
0x68: {  	_ =	strace $0x9000004E  }
0x69: {  	s18 =	simm.s32 $0x0;
	_ =	strace $0x8000004F  }
0x6a: {  	[tilespmem:s18], [sflag:$0x1] =	stream.linear.gather [hbm4b:s10+s18], $0x80, $0x200038;
	[tilespmem:$0x4100] =	vst v63  }
0x6b: {  	_ =	strace $0x9000004F  }
0x6c: {  	_ =	strace $0x80000050  }
0x6d: {  	s22 =	rddreg [dreg:$0x5]  }
0x6e: {  	[tilespmem:s15], [sflag:$0x2] =	stream.linear.gather [hbm4b:s22+s18], $0x80, $0x200038;
	[tilespmem:$0x4100] =	vst v63  }
0x6f: {  	_ =	strace $0x90000050  }
0x70: {  	s23 =	simm.s32 $0x1;
	_ =	strace $0x80000051  }
0x71: {  	_ =	swait.ge [sflag:s23], $0x80  }
0x72: {  	[sflag:s23] =	ssyncset.done $0x0  }
0x73: {  	s20 =	simm.s32 $0x2;
	p0 =	por $0x0, $0x0;
	[sflag:s23] =	ssyncadd.s32 $0xFFFFFF80  }
0x74: {  	s24 =	simm.s32 $0x100;
	s20 =	simm.s32 @p0 $0x0;
	_ =	strace $0x90000051  }
0x75: {  	p3 =	por $0x1, $0x1;
	p0 =	sne.s32 s20, $0x1;
	_ =	strace $0x80000052  }
0x76: {  	[tilespmem:s24], [sflag:$0x5] =	stream.indirect.gather [hbm4b:s3+s15], $0x40, s18, s15, $0x2000b8;
	[tilespmem:$0x4100] =	vst v63  }
0x77: {  	p4 =	por $0x0, $0x0;
	p1 =	por !p3, !p0;
	_ =	swait.ge [sflag:s16], $0x2000  }
0x78: {  	p5 =	por $0x1, $0x1;
	p2 =	por !p1, !p1;
	[sflag:s16] =	ssyncset.done $0x0  }
0x79: {  	s31 =	simm.s32 $0x80;
	s8 =	sadd.s32 @p2 s9, s20;
	[sflag:s16] =	ssyncadd.s32 $0xFFFFE000  }
0x7a: {  	s12 =	simm.s32 @p2 $0x0;
	s8 =	sshll.u32 @p2 s8, $0x4;
	_ =	strace $0x90000052  }
0x7b: {  	s8 =	sand.u32 @p2 $0x1FFFFFF0, s8;
	s22 =	simm.s32 $0x2;
	_ =	strace $0x80000053  }
0x7c: {  	[hbm4b:s13+s18] =	stream.linear.scatter [tilespmem:s24], [sflag:$0x3], $0x2000, $0x200038;
	[tilespmem:$0x4100] =	vst v63  }
0x7d: {  	s8 =	sadd.s32 @p2 s5, s8;
	s11 =	sand.u32 @p2 $0x1, s22;
	_ =	strace $0x90000053  }
0x7e: {  	s14 =	sshll.u32 @p2 s11, $0x7;
	s11 =	sadd.s32 @p2 $0x1, s11;
	_ =	strace @p2 $0x80000050  }
0x7f: {  	[tilespmem:s14], [sflag:s11] =	stream.linear.gather @p2 [hbm4b:s8+s12], $0x80, $0x200038;
	[tilespmem:$0x4100] =	vst v63  }
0x80: {  	s21 =	simm.s32 $0x1;
	s1 =	sand.u32 $0x1, s23;
	_ =	strace @p2 $0x90000050  }
0x81: {  	s25 =	sadd.s32 $0x1, s1;
	s0 =	sand.u32 $0x1, s18;
	_ =	strace $0x80000051  }
0x82: {  	s26 =	sshll.u32 s1, $0xD;
	s29 =	sadd.s32 $0x3, s0;
	_ =	swait.ge [sflag:s25], $0x80  }
0x83: {  	s0 =	simm.s32 $0x1;
	p0 =	por p4, p0;
	[sflag:s25] =	ssyncset.done $0x0  }
0x84: {  	s0 =	simm.s32 @!p0 $0x0;
	s1 =	sadd.s32 @p0 $0x3, s1;
	[sflag:s25] =	ssyncadd.s32 $0xFFFFFF80  }
0x85: {  	s24 =	sadd.s32 $0x1, s0;
	s0 =	simm.s32 $0x1;
	_ =	strace $0x90000051  }
0x86: {  	s11 =	sor.u32 $0x100, s26;
	s8 =	sand.u32 $0x80, s31;
	_ =	strace $0x80000052  }
0x87: {  	[tilespmem:s11], [sflag:$0x5] =	stream.indirect.gather [hbm4b:s3+s15], $0x40, s8, s15, $0x2000b8;
	[tilespmem:$0x4100] =	vst v63  }
0x88: {  	s23 =	simm.s32 $0x2;
	s0 =	simm.s32 @!p2 $0x0;
	_ =	swait.ge [sflag:s16], $0x2000  }
0x89: {  	s12 =	sadd.s32 $0x1, s9;
	s25 =	sadd.s32 $0x1, s20;
	[sflag:s16] =	ssyncset.done $0x0  }
0x8a: {  	p1 =	seq.s32 s25, $0x64;
	s8 =	sshll.u32 @p0 s12, $0xA;
	[sflag:s16] =	ssyncadd.s32 $0xFFFFE000  }
0x8b: {  	s25 =	simm.s32 @p1 $0x0;
	s8 =	sand.u32 @p0 $0x1FFFFC00, s8;
	_ =	strace $0x90000052  }
0x8c: {  	s12 =	simm.s32 @p0 $0x0;
	s8 =	sadd.s32 @p0 s7, s8;
	_ =	strace @p0 $0x80000053  }
0x8d: {  	[hbm4b:s8+s12] =	stream.linear.scatter @p0 [tilespmem:s11], [sflag:s1], $0x2000, $0x200038;
	[tilespmem:$0x4100] =	vst v63  }
0x8e: {  	s28 =	smov.u32 s24;
	p1 =	sne.s32 s20, s25;
	_ =	strace @p0 $0x90000053  }
0x8f: {  	s26 =	sand.u32 $0x1, s24;
	p6 =	por !p5, !p1;
	_ =	strace $0x80000054  }
0x90: {  	s30 =	sshll.u32 s26, $0xD;
	p0 =	por !p6, !p6;
	_ =	swait.ge [sflag:s29], $0x2000  }
.LBB2_4:
0x91: {  	s1 =	sadd.s32 @p0 s9, s25;
	s22 =	sadd.s32 s0, s22  }
0x92: {  	[sflag:s29] =	ssyncset.done $0x0;
	s0 =	smov.u32 s21;
	s21 =	smov.u32 s23  }
0x93: {  	s8 =	simm.s32 @p0 $0x0;
	s1 =	sshll.u32 @p0 s1, $0x4;
	[sflag:s29] =	ssyncadd.s32 $0xFFFFE000  }
0x94: {  	s11 =	sand.u32 @p0 $0x1, s22;
	s1 =	sand.u32 @p0 $0x1FFFFFF0, s1;
	_ =	strace $0x90000054  }
0x95: {  	s12 =	sshll.u32 @p0 s11, $0x7;
	s11 =	sadd.s32 @p0 $0x1, s11;
	s1 =	sadd.s32 @p0 s5, s1  }
0x96: {  	s23 =	sadd.s32 $0x1, s23;
	s14 =	sand.u32 $0x1, s24;
	_ =	strace @p0 $0x80000050  }
0x97: {  	[tilespmem:s12], [sflag:s11] =	stream.linear.gather @p0 [hbm4b:s1+s8], $0x80, $0x200038;
	[tilespmem:$0x4100] =	vst v63  }
0x98: {  	p2 =	sne.s32 s23, $0x63;
	s1 =	sadd.s32 $0x1, s14;
	_ =	strace @p0 $0x90000050  }
0x99: {  	p4 =	seq.s32 s0, $0x62;
	_ =	strace $0x80000051  }
0x9a: {  	p3 =	sne.s32 s21, $0x62;
	p4 =	por p4, p1;
	_ =	swait.ge [sflag:s1], $0x80  }
0x9b: {  	s8 =	sadd.s32 s9, s20;
	s20 =	smov.u32 s25;
	[sflag:s1] =	ssyncset.done $0x0  }
0x9c: {  	s11 =	sand.u32 $0x1, s0;
	[sflag:s1] =	ssyncadd.s32 $0xFFFFFF80;
	s1 =	sshll.u32 s24, $0x7  }
0x9d: {  	s12 =	sor.u32 $0x100, s30;
	_ =	strace $0x90000051;
	s1 =	sand.u32 $0x80, s1  }
0x9e: {  	s0 =	simm.s32 $0x1;
	s29 =	sadd.s32 $0x3, s11;
	_ =	strace $0x80000052  }
0x9f: {  	[tilespmem:s12], [sflag:$0x5] =	stream.indirect.gather [hbm4b:s3+s15], $0x40, s1, s15, $0x2000b8;
	[tilespmem:$0x4100] =	vst v63  }
0xa0: {  	s25 =	sadd.s32 $0x1, s25;
	s0 =	simm.s32 @!p4 $0x0;
	_ =	swait.ge [sflag:s16], $0x2000  }
0xa1: {  	s8 =	sshll.u32 @p4 s8, $0xA;
	p1 =	seq.s32 s25, $0x64;
	[sflag:s16] =	ssyncset.done $0x0  }
0xa2: {  	s28 =	sadd.s32 s0, s28;
	s1 =	sadd.s32 @p4 $0x3, s26;
	[sflag:s16] =	ssyncadd.s32 $0xFFFFE000  }
0xa3: {  	s11 =	simm.s32 @p4 $0x0;
	s25 =	simm.s32 @p1 $0x0;
	_ =	strace $0x90000052  }
0xa4: {  	s8 =	sand.u32 @p4 $0x1FFFFC00, s8;
	p1 =	sne.s32 s20, s25;
	s24 =	sadd.s32 s0, s24  }
.Ltmp1:
0xa5: {  	s0 =	sadd.s32 @p4 s7, s8;
	_ =	strace @p4 $0x80000053;
	(pc) =	sbr.rel @p2 .LBB2_4-.Ltmp1, $4  }
0xa6: {  	[hbm4b:s0+s11] =	stream.linear.scatter @p4 [tilespmem:s12], [sflag:s1], $0x2000, $0x200038;
	[tilespmem:$0x4100] =	vst v63  }
0xa7: {  	p3 =	por !p3, !p1;
	s26 =	sand.u32 $0x1, s28;
	_ =	strace @p4 $0x90000053  }
0xa8: {  	s30 =	sshll.u32 s26, $0xD;
	s0 =	simm.s32 $0x1;
	_ =	strace $0x80000054  }
0xa9: {  	s0 =	simm.s32 @!p0 $0x0;
	p0 =	por !p3, !p3;
	_ =	swait.ge [sflag:s29], $0x2000  }
0xaa: {  	s1 =	sadd.s32 @p0 s9, s25  }
0xab: {  	s0 =	sadd.s32 s0, s22;
	[sflag:s29] =	ssyncset.done $0x0;
	s8 =	simm.s32 @p0 $0x0  }
0xac: {  	s1 =	sshll.u32 @p0 s1, $0x4;
	[sflag:s29] =	ssyncadd.s32 $0xFFFFE000;
	s0 =	sand.u32 @p0 $0x1, s0  }
0xad: {  	s1 =	sand.u32 @p0 $0x1FFFFFF0, s1;
	_ =	strace $0x90000054;
	s11 =	sshll.u32 @p0 s0, $0x7  }
0xae: {  	s0 =	sadd.s32 @p0 $0x1, s0;
	s1 =	sadd.s32 @p0 s5, s1;
	_ =	strace @p0 $0x80000050  }
0xaf: {  	[tilespmem:s11], [sflag:s0] =	stream.linear.gather @p0 [hbm4b:s1+s8], $0x80, $0x200038;
	[tilespmem:$0x4100] =	vst v63  }
0xb0: {  	s28 =	sand.u32 $0x1, s24;
	_ =	strace @p0 $0x90000050  }
0xb1: {  	s0 =	sadd.s32 $0x1, s28;
	_ =	strace $0x80000051  }
0xb2: {  	_ =	swait.ge [sflag:s0], $0x80  }
0xb3: {  	[sflag:s0] =	ssyncset.done $0x0  }
0xb4: {  	[sflag:s0] =	ssyncadd.s32 $0xFFFFFF80  }
0xb5: {  	s29 =	sshll.u32 s24, $0x7;
	_ =	strace $0x90000051  }
0xb6: {  	s1 =	sor.u32 $0x100, s30;
	s0 =	sand.u32 $0x80, s29;
	_ =	strace $0x80000052  }
0xb7: {  	[tilespmem:s1], [sflag:$0x5] =	stream.indirect.gather [hbm4b:s3+s15], $0x40, s0, s15, $0x2000b8;
	[tilespmem:$0x4100] =	vst v63  }
0xb8: {  	p6 =	seq.s32 s21, $0x62;
	_ =	swait.ge [sflag:s16], $0x2000  }
0xb9: {  	p0 =	por p6, p1;
	s0 =	sadd.s32 s9, s20;
	[sflag:s16] =	ssyncset.done $0x0  }
0xba: {  	s0 =	sshll.u32 @p0 s0, $0xA;
	[sflag:s16] =	ssyncadd.s32 $0xFFFFE000  }
0xbb: {  	s8 =	sadd.s32 @p0 $0x3, s26;
	s0 =	sand.u32 @p0 $0x1FFFFC00, s0;
	_ =	strace $0x90000052  }
0xbc: {  	s11 =	simm.s32 @p0 $0x0;
	s0 =	sadd.s32 @p0 s7, s0;
	_ =	strace @p0 $0x80000053  }
0xbd: {  	[hbm4b:s0+s11] =	stream.linear.scatter @p0 [tilespmem:s1], [sflag:s8], $0x2000, $0x200038;
	[tilespmem:$0x4100] =	vst v63  }
0xbe: {  	s30 =	sand.u32 $0x1, s21;
	_ =	strace @p0 $0x90000053  }
0xbf: {  	s0 =	sadd.s32 $0x3, s30;
	_ =	strace $0x80000054  }
0xc0: {  	_ =	swait.ge [sflag:s0], $0x2000  }
0xc1: {  	[sflag:s0] =	ssyncset.done $0x0  }
0xc2: {  	[sflag:s0] =	ssyncadd.s32 $0xFFFFE000  }
0xc3: {  	_ =	strace $0x90000054  }
0xc4: {  	_ =	strace $0x80000055  }
0xc5: {  	_ =	swait.ge [sflag:s17], $0x2000  }
0xc6: {  	s19 =	sadd.s32 $0x1, s19;
	s31 =	rddreg [dreg:$0x4]  }
0xc7: {  	p0 =	sne.s32 s19, s31  }
.Ltmp2:
0xc8: {  	_ = 	snop;
	(pc) =	sbr.rel @p0 .LBB2_1-.Ltmp2, $4  }
0xc9: {  	_ = 	snop  }
0xca: {  	[sflag:s17] =	ssyncset.done $0x0  }
0xcb: {  	[sflag:s17] =	ssyncadd.s32 $0xFFFFE000  }
0xcc: {  	_ =	strace $0x90000055  }
0xcd: {  	_ =	sfence.sel $0x180000  }
0xce: {  	[bflag:$0x0] =	sbarrier.arrive $0xFFFF  }
0xcf: {  	_ =	strace $0x90000047  }
0xd0: {  	s0 =	stileid.u32;
	[bflag:$0x2] =	sbarrier.arrive $0xFFFF  }
0xd1: {  	p0 =	sne.s32 s0, $0x0;
	s0 =	rddreg [dreg:$0x1]  }
0xd2: {  	s0 =	sadd.s32 @!p0 $0x100000, s0  }
0xd3: {  	[sflag:s0] =	ssyncadd.tile.s32 @!p0 $0x1;
	_ =	shalt  }
.Lfunc_end2:
_tile_overlayer_lowered:
.L_overlay_start_2:
0xd4: {  	(tag) =	ssettag $0x2  }
0xd5: {  	s0 =	rddreg [dreg:$0x0];
	s2 =	stileid.u32  }
0xd6: {  	s1 =	rddreg [dreg:$0x1];
	p0 =	sne.s32 s2, $0x0  }
0xd7: {  	s3 =	rddreg [dreg:$0x2];
	[bflag:$0x3] =	sbarrier.arrive $0xFFFF;
	s2 =	simm.s32 @!p0 $0x1C01  }
0xd8: {  	[timem:s3], [sflag:s2] =	dma.local @!p0 [hbm:s0], s1  }
0xd9: {  	s0 =	simm.s32 @!p0 $0x1  }
0xda: {  	_ =	swait.ge @!p0 [sflag:s0], s1  }
0xdb: {  	s1 =	ssub.s32 @!p0 $0x0, s1;
	[sflag:s0] =	ssyncset.done @!p0 $0x0  }
0xdc: {  	[sflag:s0] =	ssyncadd.s32 @!p0 s1  }
0xdd: {  	[bflag:$0x3] =	sbarrier.arrive $0xFFFF  }
0xde: {  	_ =	shalt  }

// kernel: kernel.9.cloned.1.call-start
scs
__scs_entry_jumppad:
0x0: {  	(pc) =	sbr.rel $0x88, $3  }
0x1: {  	(tag) =	ssettag $0x0;
	lr =	simm.s32 $0x1  }
0x2: {  	[smem:$0x3F98] =	sst lr;
	_ =	strace $0xD0000000  }
0x3: {  	_ = 	snop  }
0x4: {  	_ = 	snop  }
0x5: {  	_ = 	snop  }
0x6: {  	_ = 	snop  }
0x7: {  	_ = 	snop  }
__scs_overlays_trampoline_lowered:
0x8: {  	[smem:$0x3FA7] =	sst s0  }
0x9: {  	[smem:$0x3FA8] =	sst s1  }
0xa: {  	[smem:$0x3FA9] =	sst s2  }
0xb: {  	[smem:$0x3FAA] =	sst s3  }
0xc: {  	[smem:$0x3FAB] =	sst s4  }
0xd: {  	[smem:$0x3FAC] =	sst s5  }
0xe: {  	[smem:$0x3FAD] =	sst s6  }
0xf: {  	[smem:$0x3FAE] =	sst s7  }
0x10: {  	[smem:$0x3FAF] =	sst s8  }
0x11: {  	[smem:$0x3FB0] =	sst s9;
	s0 =	simm.s32 @!p0 $0x0  }
0x12: {  	s1 =	sld [smem:$0x3F96];
	s0 =	simm.s32 @p0 $0x1  }
0x13: {  	[smem:$0x3FB1] =	sst s0;
	s0 =	simm.s32 @!p1 $0x0  }
0x14: {  	s2 =	sld [smem:$0x3F95];
	s0 =	simm.s32 @p1 $0x1  }
0x15: {  	[smem:$0x3FB2] =	sst s0;
	s0 =	simm.s32 @!p2 $0x0  }
0x16: {  	s3 =	sld [smem:$0x3FDB];
	s0 =	simm.s32 @p2 $0x1  }
0x17: {  	s4 =	simm.s32 $0x1BF5;
	[smem:$0x3FB4] =	sst s0  }
0x18: {  	s0 =	sld [smem:$0x3F97];
	_ =	swait.ge [sflag:s4], $0x0  }
0x19: {  	s7 =	sld [smem:$0x3F98]  }
0x1a: {  	s8 =	sadd.s32 $0xFFFFE003, lr  }
0x1b: {  	s9 =	sadd.s32 $0xFFFFFEF7, lr;
	s5 =	simm.s32 $0xFFFFFFFF;
	p2 =	slt.u32 s8, $0xFFFFF086  }
0x1c: {  	p1 =	slt.u32 s9, $0xF7A;
	s5 =	simm.s32 @!p2 $0x0  }
0x1d: {  	s5 =	simm.s32 @p1 $0x1;
	p0 =	seq.s32 s7, s2  }
0x1e: {  	s7 =	smul.u32 @!p0 $0xF7A, s2;
	p2 =	seq.s32 @!p0 s5, $0x0  }
0x1f: {  	s9 =	smul.u32 $0xF7A, s1;
	s8 =	simm.s32 @!p0 $0x1BF5;
	p2 =	por !p2, p0  }
0x20: {  	[sflag:s8] =	ssyncset.s32 @!p0 $0xFFFFF086;
	s6 =	sadd.s32 @!p0 s3, s7;
	s7 =	simm.s32 @!p0 $0x108  }
0x21: {  	s3 =	sadd.s32 s3, s9;
	s6 =	sadd.s32 @!p0 $0x88, s6;
	s7 =	simm.s32 @p2 $0x1082  }
0x22: {  	[simem:s7], [sflag:s8] =	dma.local @!p0 [hbm:s6], $0xF7A  }
0x23: {  	s9 =	sor.u32 $0xD0000000, s2;
	s6 =	simm.s32 $0x108;
	_ =	swait.ge @!p0 [sflag:s8], $0x0  }
0x24: {  	s3 =	sadd.s32 $0x88, s3;
	s6 =	simm.s32 @!p1 $0x1082;
	[sflag:s4] =	ssyncset.s32 $0xFFFFF086  }
0x25: {  	[simem:s6], [sflag:s4] =	dma.local [hbm:s3], $0xF7A  }
0x26: {  	[smem:$0x3F98] =	sst s1;
	(tag) =	ssettag s2;
	_ =	strace s9  }
0x27: {  	s1 =	sld [smem:$0x3FA8]  }
0x28: {  	s2 =	sld [smem:$0x3FA9]  }
0x29: {  	s4 =	sld [smem:$0x3FAB]  }
0x2a: {  	p0 =	seq.s32 s5, $0x0;
	s5 =	sld [smem:$0x3FAC]  }
0x2b: {  	s6 =	sld [smem:$0x3FAD]  }
0x2c: {  	s7 =	sld [smem:$0x3FAE]  }
0x2d: {  	s3 =	simm.s32 $0x108;
	s8 =	sld [smem:$0x3FAF]  }
0x2e: {  	s3 =	simm.s32 @!p0 $0x1082;
	s9 =	sld [smem:$0x3FB0]  }
0x2f: {  	lr =	sadd.s32 s0, s3;
	s0 =	sld [smem:$0x3FA7]  }
0x30: {  	s3 =	sld [smem:$0x3FAA]  }
0x31: {  	[smem:$0x3FB3] =	sst s10  }
0x32: {  	s10 =	sld [smem:$0x3FB1];
	_ =	sdelay $0x3  }
0x33: {  	p0 =	seq.s32 s10, $0x1;
	s10 =	sld [smem:$0x3FB3];
	_ =	sdelay $0x3  }
0x34: {  	[smem:$0x3FB3] =	sst s10  }
0x35: {  	s10 =	sld [smem:$0x3FB2];
	_ =	sdelay $0x3  }
0x36: {  	p1 =	seq.s32 s10, $0x1;
	s10 =	sld [smem:$0x3FB3];
	_ =	sdelay $0x3  }
0x37: {  	[smem:$0x3FB3] =	sst s10  }
0x38: {  	s10 =	sld [smem:$0x3FB4]  }
0x39: {  	_ = 	snop;
	(pc) =	sbr.ind lr, $3  }
0x3a: {  	_ = 	snop  }
0x3b: {  	_ = 	snop  }
0x3c: {  	p2 =	seq.s32 s10, $0x1;
	s10 =	sld [smem:$0x3FB3]  }
0x3d: {  	_ =	shalt  }
0x3e: {  	_ =	shalt  }
0x3f: {  	_ =	shalt  }
0x40: {  	_ =	shalt  }
0x41: {  	_ =	shalt  }
0x42: {  	_ =	shalt  }
0x43: {  	_ =	shalt  }
0x44: {  	_ =	shalt  }
0x45: {  	_ =	shalt  }
0x46: {  	_ =	shalt  }
0x47: {  	_ =	shalt  }
0x48: {  	_ =	shalt  }
0x49: {  	_ =	shalt  }
0x4a: {  	_ =	shalt  }
0x4b: {  	_ =	shalt  }
0x4c: {  	_ =	shalt  }
0x4d: {  	_ =	shalt  }
0x4e: {  	_ =	shalt  }
0x4f: {  	_ =	shalt  }
0x50: {  	_ =	shalt  }
0x51: {  	_ =	shalt  }
0x52: {  	_ =	shalt  }
0x53: {  	_ =	shalt  }
0x54: {  	_ =	shalt  }
0x55: {  	_ =	shalt  }
0x56: {  	_ =	shalt  }
0x57: {  	_ =	shalt  }
0x58: {  	_ =	shalt  }
0x59: {  	_ =	shalt  }
0x5a: {  	_ =	shalt  }
0x5b: {  	_ =	shalt  }
0x5c: {  	_ =	shalt  }
0x5d: {  	_ =	shalt  }
0x5e: {  	_ =	shalt  }
0x5f: {  	_ =	shalt  }
0x60: {  	_ =	shalt  }
0x61: {  	_ =	shalt  }
0x62: {  	_ =	shalt  }
0x63: {  	_ =	shalt  }
0x64: {  	_ =	shalt  }
0x65: {  	_ =	shalt  }
0x66: {  	_ =	shalt  }
0x67: {  	_ =	shalt  }
0x68: {  	_ =	shalt  }
0x69: {  	_ =	shalt  }
0x6a: {  	_ =	shalt  }
0x6b: {  	_ =	shalt  }
0x6c: {  	_ =	shalt  }
0x6d: {  	_ =	shalt  }
0x6e: {  	_ =	shalt  }
0x6f: {  	_ =	shalt  }
0x70: {  	_ =	shalt  }
0x71: {  	_ =	shalt  }
0x72: {  	_ =	shalt  }
0x73: {  	_ =	shalt  }
0x74: {  	_ =	shalt  }
0x75: {  	_ =	shalt  }
0x76: {  	_ =	shalt  }
0x77: {  	_ =	shalt  }
0x78: {  	_ =	shalt  }
0x79: {  	_ =	shalt  }
0x7a: {  	_ =	shalt  }
0x7b: {  	_ =	shalt  }
0x7c: {  	_ =	shalt  }
0x7d: {  	_ =	shalt  }
0x7e: {  	_ =	shalt  }
0x7f: {  	_ =	shalt  }
0x80: {  	_ =	shalt  }
0x81: {  	_ =	shalt  }
0x82: {  	_ =	shalt  }
0x83: {  	_ =	shalt  }
0x84: {  	_ =	shalt  }
0x85: {  	_ =	shalt  }
0x86: {  	_ =	shalt  }
0x87: {  	_ =	shalt  }
.Lfunc_end0:
.L_simem_size_0:
called_computation.1_lowered:
.L_overlay_start_0:
0x88: {  	s2 =	sld [smem:$0x3FD9]  }
0x89: {  	s3 =	sld [smem:$0x3FFE];
	_ =	sdelay $0x1  }
0x8a: {  	s1 =	srdreg.scid  }
0x8b: {  	s0 =	sand.u32 $0x1, s1  }
0x8c: {  	s17 =	sshll.u32 s0, $0xA;
	s2 =	sadd.s32 s3, s2  }
0x8d: {  	s2 =	sadd.s32 s2, s17  }
0x8e: {  	[smem:$0x3FBF] =	sst s2  }
0x8f: {  	_ = 	snop  }
0x90: {  	(tm) =	ssettm $0x1  }
0x91: {  	s18 =	sld [smem:$0x3FFB];
	_ =	sdelay $0x3  }
0x92: {  	_ =	strace s18  }
0x93: {  	s2 =	sld [smem:$0x3FFC];
	_ =	sdelay $0x3  }
0x94: {  	_ =	strace s2  }
0x95: {  	s2 =	sld [smem:$0x3FFD];
	_ =	sdelay $0x3  }
0x96: {  	_ =	strace s2  }
0x97: {  	_ =	strace $0x8FFFFFFF  }
0x98: {  	s19 =	sld [smem:$0x3FDB];
	_ =	sdelay $0x1  }
0x99: {  	s20 =	simm.s32 $_scs_section_size  }
0x9a: {  	s4 =	simm.s32 $_size__tile_overlayer_lowered;
	s5 =	simm.s32 $_tile_overlayer_lowered  }
0x9b: {  	s6 =	simm.s32 $0x1BFF;
	s21 =	sshll.u32 s5, $0x1;
	s3 =	sadd.s32 s20, s19  }
0x9c: {  	s22 =	simm.s32 $0x0;
	s4 =	sshll.u32 s4, $0x1;
	s5 =	sadd.s32 s21, s3  }
0x9d: {  	[timem:s22], [sflag:s6] =	dma.local [hbm:s5], s4  }
0x9e: {  	_ =	swait.ge [sflag:s6], s4  }
0x9f: {  	s4 =	ssub.s32 $0x0, s4;
	[sflag:s6] =	ssyncset.done $0x0  }
0xa0: {  	[sflag:s6] =	ssyncadd.s32 s4;
	_ =	sdelay $0x1  }
0xa1: {  	s23 =	simm.s32 $0x1B8B  }
0xa2: {  	_ =	swait.ge [sflag:s23], $0x1  }
0xa3: {  	[sflag:s23] =	ssyncset.done $0x0  }
0xa4: {  	[sflag:s23] =	ssyncadd.s32 $0xFFFFFFFF  }
0xa5: {  	s4 =	sld [smem:$0x0]  }
0xa6: {  	s5 =	sand.u32 $0xFFFFFFFE, s1  }
0xa7: {  	p0 =	sne.s32 s1, s5  }
0xa8: {  	s5 =	sshll.u32 @p0 s5, $0xE  }
0xa9: {  	s5 =	sadd.s32 @p0 $0x11B8D, s5;
	s6 =	sshll.u32 @p0 s4, $0x11  }
0xaa: {  	s5 =	sor.u32 @p0 s6, s5  }
0xab: {  	[sflag:s5] =	ssyncadd.remote.s32 @p0 $0x1;
	_ =	sdelay $0x1  }
0xac: {  	s5 =	simm.s32 @p0 $0x1B8D  }
0xad: {  	_ =	swait.eq @p0 [sflag:s5], $0x1  }
0xae: {  	[sflag:s5] =	ssyncadd.s32 @p0 $0xFFFFFFFF  }
0xaf: {  	s6 =	sshll.u32 @!p0 s1, $0xE  }
0xb0: {  	s6 =	sor.u32 @!p0 $0x4000, s6;
	s5 =	simm.s32 @!p0 $0x1B8D  }
0xb1: {  	s4 =	sshll.u32 @!p0 s4, $0x11;
	s6 =	sadd.s32 @!p0 $0x11B8D, s6;
	_ =	swait.eq @!p0 [sflag:s5], $0x1  }
0xb2: {  	s4 =	sor.u32 @!p0 s4, s6;
	[sflag:s5] =	ssyncadd.s32 @!p0 $0xFFFFFFFF  }
0xb3: {  	s25 =	simm.s32 $0x1B8E;
	s24 =	sld [smem:$0x3FFE];
	[sflag:s4] =	ssyncadd.remote.s32 @!p0 $0x1  }
0xb4: {  	s26 =	simm.s32 $execute0_lowered;
	[smem:$0x3FD2] =	sst s25  }
0xb5: {  	s5 =	sshll.u32 s26, $0x1;
	_ =	strace $0x80000057;
	[dreg:$0x1] =	wrdreg $0xFFFFFFFF  }
0xb6: {  	s28 =	simm.s32 $_size_execute0_lowered;
	s3 =	sadd.s32 s3, s5;
	[dreg:$0x0] =	wrdreg $0x0  }
0xb7: {  	s5 =	sshll.u32 s28, $0x1;
	[dreg:$0x2] =	wrdreg s3  }
0xb8: {  	[dreg:$0x3] =	wrdreg s5  }
0xb9: {  	[dreg:$0x4] =	wrdreg $0xC0  }
0xba: {  	_ =	task [dreg:s22], $0x5FFFF  }
0xbb: {  	[dreg:$0x1] =	wrdreg $0xFFFFFFFF  }
0xbc: {  	[dreg:$0x0] =	wrdreg $0x60  }
0xbd: {  	[dreg:$0x2] =	wrdreg s24  }
0xbe: {  	[dreg:$0x3] =	wrdreg $0xA  }
0xbf: {  	_ =	task.clear_ibuf [dreg:s22], $0x4FFFF;
	_ =	strace $0x90000057  }
0xc0: {  	s29 =	simm.s32 $0xA;
	_ =	strace $0x80000067  }
0xc1: {  	_ =	swait.ge [sflag:s29], $0x1  }
0xc2: {  	[sflag:s29] =	ssyncadd.s32 $0xFFFFFFFF  }
0xc3: {  	_ =	strace $0x90000067  }
0xc4: {  	_ =	sfence  }
0xc5: {  	s30 =	sld [smem:$0x0];
	_ =	sdelay $0x2  }
0xc6: {  	s31 =	sshll.u32 s1, $0xD;
	s1 =	sshrl.u32 s1, $0x2  }
0xc7: {  	s4 =	sand.u32 $0x4000, s31;
	s1 =	sadd.s32 s1, s30  }
0xc8: {  	s0 =	sor.u32 s4, s0;
	s1 =	sshll.u32 s1, $0x11  }
0xc9: {  	s0 =	sor.u32 s1, s0  }
0xca: {  	s0 =	sadd.s32 $0x8F2B, s0  }
0xcb: {  	[sflag:s0] =	ssyncadd.remote.s32 $0x1  }
0xcc: {  	_ =	sfence.sel $0xFFFF  }
0xcd: {  	[dreg:$0x0] =	wrdreg $0xFFFFFFFF;
	(pc) =	sbr.abs _section_cstart, $3  }
0xce: {  	[dreg:$0x1] =	wrdreg $0xFFFFFFFF  }
0xcf: {  	_ =	task.clear_ibuf [dreg:s22], $0x2FFFF;
	_ =	strace $0x9FFFFFFF  }
0xd0: {  	(tm) =	ssettm $0x7FFFFFFF  }
0xd1: {  	_ =	shalt  }
tec
execute0_lowered:
.L_overlay_start_1:
0x0: {  	(tag) =	ssettag $0x1  }
0x1: {  	s0 =	rddreg [dreg:$0x0];
	s1 =	srdreg.scid  }
0x2: {  	s2 =	simm.s32 $0x0;
	s5 =	stileid.u32;
	s15 =	simm.s32 $0x80  }
0x3: {  	s16 =	simm.s32 $0x5;
	s17 =	simm.s32 $0x4;
	s19 =	simm.s32 $0x0  }
0x4: {  	s1 =	sand.u32 $0x1, s1;
	[smem:$0x7FF] =	sst s2;
	s3 =	sadd.s32 $0xF50000, s0  }
0x5: {  	s7 =	sadd.s32 $0x6BEC00, s0;
	s4 =	sshll.u32 s1, $0x4;
	_ =	strace $0x80000058  }
0x6: {  	s1 =	ssub.s32 $0x2, s1;
	[dreg:$0x2] =	wrdreg s7;
	s8 =	sor.u32 s5, s4  }
0x7: {  	s7 =	sadd.s32 $0x39EC00, s0;
	s10 =	sshrl.u32 s1, $0x1;
	s9 =	smul.u32 $0xA0, s8  }
0x8: {  	s4 =	sadd.s32 $0x3000, s0;
	s11 =	smul.u32 $0x640, s8;
	s29 =	ssub.s32 s1, s10  }
0x9: {  	s5 =	sadd.s32 $0xDC00, s0;
	s30 =	smul.u32 $0x19000, s8;
	s0 =	smax.u32 s29, $0x1  }
0xa: {  	s9 =	sadd.s32 s4, s9;
	s10 =	sadd.s32 s5, s11;
	[dreg:$0x4] =	wrdreg s0  }
0xb: {  	[dreg:$0x3] =	wrdreg s9;
	s9 =	smul.u32 $0x64, s8;
	s31 =	sadd.s32 $0x10, s10  }
0xc: {  	s6 =	smul.u32 $0xA, s8;
	s13 =	sadd.s32 s7, s30;
	[dreg:$0x5] =	wrdreg s31  }
.LBB2_1:
0xd: {  	_ =	strace $0x80000059  }
0xe: {  	s21 =	simm.s32 $0x1;
	p0 =	por $0x0, $0x0;
	p5 =	por $0x1, $0x1  }
0xf: {  	s20 =	simm.s32 $0x9;
	s1 =	simm.s32 $0x1;
	s30 =	sand.u32 $0x1, s2  }
0x10: {  	s24 =	simm.s32 $0x0;
	s0 =	rddreg [dreg:$0x3];
	s21 =	simm.s32 @p0 $0x0  }
0x11: {  	[tilespmem:s2], [sflag:$0x1] =	stream.linear.gather [hbm4b:s0+s2], $0x80, $0x200038;
	[tilespmem:$0x4100] =	vst v63  }
0x12: {  	s23 =	simm.s32 $0x8;
	p4 =	por $0x0, $0x0;
	p2 =	sne.s32 s21, $0x0  }
0x13: {  	s18 =	simm.s32 $0x1;
	p6 =	por $0x0, $0x0;
	p0 =	por !p5, !p2  }
0x14: {  	s28 =	simm.s32 $0x0;
	s25 =	sadd.s32 $0x1, s30;
	p3 =	por !p0, !p0  }
0x15: {  	s26 =	sshll.u32 s30, $0xD;
	s18 =	simm.s32 @!p4 $0x0;
	s0 =	sadd.s32 @p3 s6, s21  }
0x16: {  	_ =	strace $0x90000059;
	s1 =	sand.u32 @p3 $0x1, s1;
	s0 =	sshll.u32 @p3 s0, $0x4  }
0x17: {  	s8 =	simm.s32 @p3 $0x0;
	_ =	strace @p3 $0x8000005A;
	s0 =	sand.u32 @p3 $0x1FFFFFF0, s0  }
0x18: {  	s14 =	sshll.u32 @p3 s1, $0x7;
	s1 =	sadd.s32 @p3 $0x1, s1;
	s0 =	sadd.s32 @p3 s4, s0  }
0x19: {  	[tilespmem:s14], [sflag:s1] =	stream.linear.gather @p3 [hbm4b:s0+s8], $0x80, $0x200038;
	[tilespmem:$0x4100] =	vst v63  }
0x1a: {  	s31 =	sor.u32 $0x100, s26;
	p0 =	por $0x1, $0x1;
	_ =	strace @p3 $0x9000005A  }
0x1b: {  	s22 =	sadd.s32 $0x0, s18;
	p1 =	por p0, p0;
	_ =	strace $0x8000005B  }
0x1c: {  	s8 =	sand.u32 @!p0 $0x1, s2;
	p0 =	por $0x0, $0x0;
	_ =	swait.ge [sflag:s25], $0x80  }
0x1d: {  	s14 =	sadd.s32 $0x0, s6;
	s0 =	sand.u32 $0x80, s24;
	[sflag:s25] =	ssyncset.done $0x0  }
0x1e: {  	s1 =	simm.s32 $0x1;
	s24 =	simm.s32 $0x0;
	[sflag:s25] =	ssyncadd.s32 $0xFFFFFF80  }
0x1f: {  	s26 =	sadd.s32 @!p1 $0x3, s8;
	s25 =	sadd.s32 $0x1, s21;
	_ =	strace $0x9000005B  }
0x20: {  	s1 =	simm.s32 @!p3 $0x0;
	p5 =	seq.s32 s25, $0xA;
	_ =	strace $0x8000005C  }
0x21: {  	[tilespmem:s31], [sflag:$0x5] =	stream.indirect.gather [hbm4b:s3+s15], $0x40, s0, s15, $0x2000b8;
	[tilespmem:$0x4100] =	vst v63  }
0x22: {  	s29 =	sadd.s32 $0x1, s1;
	s25 =	simm.s32 @p5 $0x0;
	_ =	swait.ge [sflag:s16], $0x2000  }
0x23: {  	p5 =	por p6, p2;
	p6 =	por $0x1, $0x1;
	[sflag:s16] =	ssyncset.done $0x0  }
0x24: {  	p2 =	sne.s32 s21, s25;
	s0 =	sshll.u32 @p5 s14, $0xA;
	[sflag:s16] =	ssyncadd.s32 $0xFFFFE000  }
0x25: {  	s14 =	simm.s32 $0x1;
	p3 =	por !p6, !p2;
	_ =	strace $0x9000005C  }
0x26: {  	s14 =	simm.s32 @!p5 $0x0;
	p3 =	por !p3, !p3;
	_ =	strace @p5 $0x8000005D  }
0x27: {  	s1 =	sand.u32 @p3 $0x1, s29;
	s18 =	sadd.s32 @p3 s6, s25;
	s8 =	rddreg [dreg:$0x2]  }
.LBB2_2:
0x28: {  	s18 =	sshll.u32 @p3 s18, $0x4;
	s11 =	sand.u32 @p5 $0x1FFFFC00, s0;
	s24 =	sadd.s32 s14, s24  }
0x29: {  	s0 =	smov.u32 s20;
	s20 =	smov.u32 s23;
	s12 =	smov.u32 s21  }
0x2a: {  	s21 =	sadd.s32 @p5 $0x3, s30;
	s30 =	simm.s32 @p5 $0x0;
	s28 =	sadd.s32 s14, s28  }
0x2b: {  	s23 =	sadd.s32 $0xFFFFFFFF, s23;
	s14 =	sand.u32 @!p0 $0x1, s22;
	s8 =	sadd.s32 @p5 s8, s11  }
0x2c: {  	[hbm4b:s8+s30] =	stream.linear.scatter @p5 [tilespmem:s31], [sflag:s21], $0x2000, $0x200038;
	[tilespmem:$0x4100] =	vst v63  }
0x2d: {  	s18 =	sand.u32 @p3 $0x1FFFFFF0, s18;
	s11 =	sshll.u32 s28, $0x7;
	_ =	strace @p5 $0x9000005D  }
0x2e: {  	p4 =	sne.s32 s23, $0x0;
	s18 =	sadd.s32 @p3 s4, s18;
	_ =	strace @!p1 $0x8000005E  }
0x2f: {  	s8 =	sand.u32 $0x1, s28;
	s21 =	smov.u32 s25;
	_ =	swait.ge @!p1 [sflag:s26], $0x2000  }
0x30: {  	s30 =	simm.s32 @p3 $0x0;
	s25 =	sadd.s32 $0x1, s25;
	[sflag:s26] =	ssyncset.done @!p1 $0x0  }
0x31: {  	s11 =	sand.u32 $0x80, s11;
	p6 =	seq.s32 s25, $0xA;
	[sflag:s26] =	ssyncadd.s32 @!p1 $0xFFFFE000  }
0x32: {  	p5 =	sne.s32 s0, $0xA;
	s25 =	simm.s32 @p6 $0x0;
	_ =	strace @!p1 $0x9000005E  }
0x33: {  	s26 =	sshll.u32 @p3 s1, $0x7;
	s1 =	sadd.s32 @p3 $0x1, s1;
	_ =	strace @p3 $0x8000005A  }
0x34: {  	[tilespmem:s26], [sflag:s1] =	stream.linear.gather @p3 [hbm4b:s18+s30], $0x80, $0x200038;
	[tilespmem:$0x4100] =	vst v63  }
0x35: {  	p6 =	sne.s32 s20, $0x1;
	p1 =	por p0, p0;
	_ =	strace @p3 $0x9000005A  }
0x36: {  	p0 =	seq.s32 s20, $0xA;
	s18 =	sadd.s32 $0x1, s8;
	_ =	strace $0x8000005B  }
0x37: {  	s8 =	sadd.s32 s6, s12;
	s26 =	sadd.s32 @!p1 $0x3, s14;
	_ =	swait.ge [sflag:s18], $0x80  }
0x38: {  	s30 =	sand.u32 $0x1, s24;
	s12 =	simm.s32 $0x1;
	[sflag:s18] =	ssyncset.done $0x0  }
0x39: {  	s1 =	simm.s32 $0x1;
	s14 =	simm.s32 $0x1;
	[sflag:s18] =	ssyncadd.s32 $0xFFFFFF80  }
0x3a: {  	s12 =	simm.s32 @!p5 $0x0;
	s18 =	sshll.u32 s30, $0xD;
	_ =	strace $0x9000005B  }
0x3b: {  	p5 =	seq.s32 s0, $0x1;
	s31 =	sor.u32 $0x100, s18;
	_ =	strace $0x8000005C  }
0x3c: {  	[tilespmem:s31], [sflag:$0x5] =	stream.indirect.gather [hbm4b:s3+s15], $0x40, s11, s15, $0x2000b8;
	[tilespmem:$0x4100] =	vst v63  }
0x3d: {  	s1 =	simm.s32 @!p3 $0x0;
	s22 =	sadd.s32 s12, s22;
	_ =	swait.ge [sflag:s16], $0x2000  }
.Ltmp0:
0x3e: {  	p5 =	por p5, p2;
	[sflag:s16] =	ssyncset.done $0x0;
	(pc) =	sbr.rel @p4 .LBB2_2-.Ltmp0, $4  }
0x3f: {  	p2 =	sne.s32 s21, s25;
	s29 =	sadd.s32 s1, s29;
	[sflag:s16] =	ssyncadd.s32 $0xFFFFE000  }
0x40: {  	s0 =	sshll.u32 @p5 s8, $0xA;
	p3 =	por !p6, !p2;
	_ =	strace $0x9000005C  }
0x41: {  	s14 =	simm.s32 @!p5 $0x0;
	p3 =	por !p3, !p3;
	_ =	strace @p5 $0x8000005D  }
0x42: {  	s1 =	sand.u32 @p3 $0x1, s29;
	s18 =	sadd.s32 @p3 s6, s25;
	s8 =	rddreg [dreg:$0x2]  }
0x43: {  	s0 =	sand.u32 @p5 $0x1FFFFC00, s0  }
0x44: {  	s11 =	sadd.s32 @p5 $0x3, s30;
	s0 =	sadd.s32 @p5 s8, s0;
	s8 =	simm.s32 @p5 $0x0  }
0x45: {  	[hbm4b:s0+s8] =	stream.linear.scatter @p5 [tilespmem:s31], [sflag:s11], $0x2000, $0x200038;
	[tilespmem:$0x4100] =	vst v63  }
0x46: {  	_ =	strace @p5 $0x9000005D  }
0x47: {  	_ =	strace @!p1 $0x8000005E  }
0x48: {  	_ =	swait.ge @!p1 [sflag:s26], $0x2000  }
0x49: {  	s12 =	sshll.u32 @p3 s1, $0x7;
	[sflag:s26] =	ssyncset.done @!p1 $0x0  }
0x4a: {  	s1 =	sadd.s32 @p3 $0x1, s1;
	s0 =	sshll.u32 @p3 s18, $0x4;
	[sflag:s26] =	ssyncadd.s32 @!p1 $0xFFFFE000  }
0x4b: {  	s31 =	sadd.s32 s14, s28;
	s0 =	sand.u32 @p3 $0x1FFFFFF0, s0;
	_ =	strace @!p1 $0x9000005E  }
0x4c: {  	s11 =	simm.s32 @p3 $0x0;
	s0 =	sadd.s32 @p3 s4, s0;
	_ =	strace @p3 $0x8000005A  }
0x4d: {  	[tilespmem:s12], [sflag:s1] =	stream.linear.gather @p3 [hbm4b:s0+s11], $0x80, $0x200038;
	[tilespmem:$0x4100] =	vst v63  }
0x4e: {  	s1 =	sand.u32 $0x1, s31;
	_ =	strace @p3 $0x9000005A  }
0x4f: {  	s0 =	sadd.s32 $0x1, s1;
	_ =	strace $0x8000005B  }
0x50: {  	_ =	swait.ge [sflag:s0], $0x80  }
0x51: {  	s11 =	sadd.s32 s14, s24;
	[sflag:s0] =	ssyncset.done $0x0  }
0x52: {  	[sflag:s0] =	ssyncadd.s32 $0xFFFFFF80;
	s0 =	sand.u32 $0x1, s11  }
0x53: {  	s12 =	sshll.u32 s31, $0x7;
	_ =	strace $0x9000005B;
	s14 =	sshll.u32 s0, $0xD  }
0x54: {  	s1 =	sand.u32 $0x80, s12;
	_ =	strace $0x8000005C;
	s8 =	sor.u32 $0x100, s14  }
0x55: {  	[tilespmem:s8], [sflag:$0x5] =	stream.indirect.gather [hbm4b:s3+s15], $0x40, s1, s15, $0x2000b8;
	[tilespmem:$0x4100] =	vst v63  }
0x56: {  	_ =	swait.ge [sflag:s16], $0x2000  }
0x57: {  	[sflag:s16] =	ssyncset.done $0x0  }
0x58: {  	p6 =	seq.s32 s20, $0x1;
	[sflag:s16] =	ssyncadd.s32 $0xFFFFE000  }
0x59: {  	p1 =	por p6, p2;
	s1 =	sadd.s32 s6, s21;
	_ =	strace $0x9000005C  }
0x5a: {  	s1 =	sshll.u32 @p1 s1, $0xA;
	_ =	strace @p1 $0x8000005D  }
0x5b: {  	s1 =	sand.u32 @p1 $0x1FFFFC00, s1;
	s11 =	rddreg [dreg:$0x2]  }
0x5c: {  	s12 =	simm.s32 @p1 $0x0;
	s0 =	sadd.s32 @p1 $0x3, s0;
	s1 =	sadd.s32 @p1 s11, s1  }
0x5d: {  	[hbm4b:s1+s12] =	stream.linear.scatter @p1 [tilespmem:s8], [sflag:s0], $0x2000, $0x200038;
	[tilespmem:$0x4100] =	vst v63  }
0x5e: {  	s0 =	sand.u32 @!p0 $0x1, s22;
	p0 =	por p0, p0;
	_ =	strace @p1 $0x9000005D  }
0x5f: {  	s0 =	sadd.s32 @!p0 $0x3, s0;
	_ =	strace @!p0 $0x8000005E  }
0x60: {  	_ =	swait.ge @!p0 [sflag:s0], $0x2000  }
0x61: {  	[sflag:s0] =	ssyncset.done @!p0 $0x0  }
0x62: {  	[sflag:s0] =	ssyncadd.s32 @!p0 $0xFFFFE000  }
0x63: {  	_ =	strace @!p0 $0x9000005E  }
0x64: {  	_ =	strace $0x8000005F  }
0x65: {  	_ =	swait.ge [sflag:s17], $0x2000  }
0x66: {  	[sflag:s17] =	ssyncset.done $0x0  }
0x67: {  	[sflag:s17] =	ssyncadd.s32 $0xFFFFE000  }
0x68: {  	_ =	strace $0x9000005F  }
0x69: {  	s18 =	simm.s32 $0x0;
	_ =	strace $0x80000060  }
0x6a: {  	[tilespmem:s18], [sflag:$0x1] =	stream.linear.gather [hbm4b:s10+s18], $0x80, $0x200038;
	[tilespmem:$0x4100] =	vst v63  }
0x6b: {  	_ =	strace $0x90000060  }
0x6c: {  	_ =	strace $0x80000061  }
0x6d: {  	s22 =	rddreg [dreg:$0x5]  }
0x6e: {  	[tilespmem:s15], [sflag:$0x2] =	stream.linear.gather [hbm4b:s22+s18], $0x80, $0x200038;
	[tilespmem:$0x4100] =	vst v63  }
0x6f: {  	_ =	strace $0x90000061  }
0x70: {  	s23 =	simm.s32 $0x1;
	_ =	strace $0x80000062  }
0x71: {  	_ =	swait.ge [sflag:s23], $0x80  }
0x72: {  	[sflag:s23] =	ssyncset.done $0x0  }
0x73: {  	s20 =	simm.s32 $0x2;
	p0 =	por $0x0, $0x0;
	[sflag:s23] =	ssyncadd.s32 $0xFFFFFF80  }
0x74: {  	s24 =	simm.s32 $0x100;
	s20 =	simm.s32 @p0 $0x0;
	_ =	strace $0x90000062  }
0x75: {  	p3 =	por $0x1, $0x1;
	p0 =	sne.s32 s20, $0x1;
	_ =	strace $0x80000063  }
0x76: {  	[tilespmem:s24], [sflag:$0x5] =	stream.indirect.gather [hbm4b:s3+s15], $0x40, s18, s15, $0x2000b8;
	[tilespmem:$0x4100] =	vst v63  }
0x77: {  	p4 =	por $0x0, $0x0;
	p1 =	por !p3, !p0;
	_ =	swait.ge [sflag:s16], $0x2000  }
0x78: {  	p5 =	por $0x1, $0x1;
	p2 =	por !p1, !p1;
	[sflag:s16] =	ssyncset.done $0x0  }
0x79: {  	s31 =	simm.s32 $0x80;
	s8 =	sadd.s32 @p2 s9, s20;
	[sflag:s16] =	ssyncadd.s32 $0xFFFFE000  }
0x7a: {  	s12 =	simm.s32 @p2 $0x0;
	s8 =	sshll.u32 @p2 s8, $0x4;
	_ =	strace $0x90000063  }
0x7b: {  	s8 =	sand.u32 @p2 $0x1FFFFFF0, s8;
	s22 =	simm.s32 $0x2;
	_ =	strace $0x80000064  }
0x7c: {  	[hbm4b:s13+s18] =	stream.linear.scatter [tilespmem:s24], [sflag:$0x3], $0x2000, $0x200038;
	[tilespmem:$0x4100] =	vst v63  }
0x7d: {  	s8 =	sadd.s32 @p2 s5, s8;
	s11 =	sand.u32 @p2 $0x1, s22;
	_ =	strace $0x90000064  }
0x7e: {  	s14 =	sshll.u32 @p2 s11, $0x7;
	s11 =	sadd.s32 @p2 $0x1, s11;
	_ =	strace @p2 $0x80000061  }
0x7f: {  	[tilespmem:s14], [sflag:s11] =	stream.linear.gather @p2 [hbm4b:s8+s12], $0x80, $0x200038;
	[tilespmem:$0x4100] =	vst v63  }
0x80: {  	s21 =	simm.s32 $0x1;
	s1 =	sand.u32 $0x1, s23;
	_ =	strace @p2 $0x90000061  }
0x81: {  	s25 =	sadd.s32 $0x1, s1;
	s0 =	sand.u32 $0x1, s18;
	_ =	strace $0x80000062  }
0x82: {  	s26 =	sshll.u32 s1, $0xD;
	s29 =	sadd.s32 $0x3, s0;
	_ =	swait.ge [sflag:s25], $0x80  }
0x83: {  	s0 =	simm.s32 $0x1;
	p0 =	por p4, p0;
	[sflag:s25] =	ssyncset.done $0x0  }
0x84: {  	s0 =	simm.s32 @!p0 $0x0;
	s1 =	sadd.s32 @p0 $0x3, s1;
	[sflag:s25] =	ssyncadd.s32 $0xFFFFFF80  }
0x85: {  	s24 =	sadd.s32 $0x1, s0;
	s0 =	simm.s32 $0x1;
	_ =	strace $0x90000062  }
0x86: {  	s11 =	sor.u32 $0x100, s26;
	s8 =	sand.u32 $0x80, s31;
	_ =	strace $0x80000063  }
0x87: {  	[tilespmem:s11], [sflag:$0x5] =	stream.indirect.gather [hbm4b:s3+s15], $0x40, s8, s15, $0x2000b8;
	[tilespmem:$0x4100] =	vst v63  }
0x88: {  	s23 =	simm.s32 $0x2;
	s0 =	simm.s32 @!p2 $0x0;
	_ =	swait.ge [sflag:s16], $0x2000  }
0x89: {  	s12 =	sadd.s32 $0x1, s9;
	s25 =	sadd.s32 $0x1, s20;
	[sflag:s16] =	ssyncset.done $0x0  }
0x8a: {  	p1 =	seq.s32 s25, $0x64;
	s8 =	sshll.u32 @p0 s12, $0xA;
	[sflag:s16] =	ssyncadd.s32 $0xFFFFE000  }
0x8b: {  	s25 =	simm.s32 @p1 $0x0;
	s8 =	sand.u32 @p0 $0x1FFFFC00, s8;
	_ =	strace $0x90000063  }
0x8c: {  	s12 =	simm.s32 @p0 $0x0;
	s8 =	sadd.s32 @p0 s7, s8;
	_ =	strace @p0 $0x80000064  }
0x8d: {  	[hbm4b:s8+s12] =	stream.linear.scatter @p0 [tilespmem:s11], [sflag:s1], $0x2000, $0x200038;
	[tilespmem:$0x4100] =	vst v63  }
0x8e: {  	s28 =	smov.u32 s24;
	p1 =	sne.s32 s20, s25;
	_ =	strace @p0 $0x90000064  }
0x8f: {  	s26 =	sand.u32 $0x1, s24;
	p6 =	por !p5, !p1;
	_ =	strace $0x80000065  }
0x90: {  	s30 =	sshll.u32 s26, $0xD;
	p0 =	por !p6, !p6;
	_ =	swait.ge [sflag:s29], $0x2000  }
.LBB2_4:
0x91: {  	s1 =	sadd.s32 @p0 s9, s25;
	s22 =	sadd.s32 s0, s22  }
0x92: {  	[sflag:s29] =	ssyncset.done $0x0;
	s0 =	smov.u32 s21;
	s21 =	smov.u32 s23  }
0x93: {  	s8 =	simm.s32 @p0 $0x0;
	s1 =	sshll.u32 @p0 s1, $0x4;
	[sflag:s29] =	ssyncadd.s32 $0xFFFFE000  }
0x94: {  	s11 =	sand.u32 @p0 $0x1, s22;
	s1 =	sand.u32 @p0 $0x1FFFFFF0, s1;
	_ =	strace $0x90000065  }
0x95: {  	s12 =	sshll.u32 @p0 s11, $0x7;
	s11 =	sadd.s32 @p0 $0x1, s11;
	s1 =	sadd.s32 @p0 s5, s1  }
0x96: {  	s23 =	sadd.s32 $0x1, s23;
	s14 =	sand.u32 $0x1, s24;
	_ =	strace @p0 $0x80000061  }
0x97: {  	[tilespmem:s12], [sflag:s11] =	stream.linear.gather @p0 [hbm4b:s1+s8], $0x80, $0x200038;
	[tilespmem:$0x4100] =	vst v63  }
0x98: {  	p2 =	sne.s32 s23, $0x63;
	s1 =	sadd.s32 $0x1, s14;
	_ =	strace @p0 $0x90000061  }
0x99: {  	p4 =	seq.s32 s0, $0x62;
	_ =	strace $0x80000062  }
0x9a: {  	p3 =	sne.s32 s21, $0x62;
	p4 =	por p4, p1;
	_ =	swait.ge [sflag:s1], $0x80  }
0x9b: {  	s8 =	sadd.s32 s9, s20;
	s20 =	smov.u32 s25;
	[sflag:s1] =	ssyncset.done $0x0  }
0x9c: {  	s11 =	sand.u32 $0x1, s0;
	[sflag:s1] =	ssyncadd.s32 $0xFFFFFF80;
	s1 =	sshll.u32 s24, $0x7  }
0x9d: {  	s12 =	sor.u32 $0x100, s30;
	_ =	strace $0x90000062;
	s1 =	sand.u32 $0x80, s1  }
0x9e: {  	s0 =	simm.s32 $0x1;
	s29 =	sadd.s32 $0x3, s11;
	_ =	strace $0x80000063  }
0x9f: {  	[tilespmem:s12], [sflag:$0x5] =	stream.indirect.gather [hbm4b:s3+s15], $0x40, s1, s15, $0x2000b8;
	[tilespmem:$0x4100] =	vst v63  }
0xa0: {  	s25 =	sadd.s32 $0x1, s25;
	s0 =	simm.s32 @!p4 $0x0;
	_ =	swait.ge [sflag:s16], $0x2000  }
0xa1: {  	s8 =	sshll.u32 @p4 s8, $0xA;
	p1 =	seq.s32 s25, $0x64;
	[sflag:s16] =	ssyncset.done $0x0  }
0xa2: {  	s28 =	sadd.s32 s0, s28;
	s1 =	sadd.s32 @p4 $0x3, s26;
	[sflag:s16] =	ssyncadd.s32 $0xFFFFE000  }
0xa3: {  	s11 =	simm.s32 @p4 $0x0;
	s8 =	sand.u32 @p4 $0x1FFFFC00, s8;
	_ =	strace $0x90000063  }
0xa4: {  	s25 =	simm.s32 @p1 $0x0;
	s8 =	sadd.s32 @p4 s7, s8;
	_ =	strace @p4 $0x80000064  }
.Ltmp1:
0xa5: {  	p1 =	sne.s32 s20, s25;
	s24 =	sadd.s32 s0, s24;
	(pc) =	sbr.rel @p2 .LBB2_4-.Ltmp1, $4  }
0xa6: {  	[hbm4b:s8+s11] =	stream.linear.scatter @p4 [tilespmem:s12], [sflag:s1], $0x2000, $0x200038;
	[tilespmem:$0x4100] =	vst v63  }
0xa7: {  	p3 =	por !p3, !p1;
	s26 =	sand.u32 $0x1, s28;
	_ =	strace @p4 $0x90000064  }
0xa8: {  	s0 =	simm.s32 $0x1;
	s30 =	sshll.u32 s26, $0xD;
	_ =	strace $0x80000065  }
0xa9: {  	s0 =	simm.s32 @!p0 $0x0;
	p0 =	por !p3, !p3;
	_ =	swait.ge [sflag:s29], $0x2000  }
0xaa: {  	s1 =	sadd.s32 @p0 s9, s25  }
0xab: {  	s0 =	sadd.s32 s0, s22;
	[sflag:s29] =	ssyncset.done $0x0;
	s8 =	simm.s32 @p0 $0x0  }
0xac: {  	s1 =	sshll.u32 @p0 s1, $0x4;
	[sflag:s29] =	ssyncadd.s32 $0xFFFFE000;
	s0 =	sand.u32 @p0 $0x1, s0  }
0xad: {  	s1 =	sand.u32 @p0 $0x1FFFFFF0, s1;
	_ =	strace $0x90000065;
	s11 =	sshll.u32 @p0 s0, $0x7  }
0xae: {  	s0 =	sadd.s32 @p0 $0x1, s0;
	s1 =	sadd.s32 @p0 s5, s1;
	_ =	strace @p0 $0x80000061  }
0xaf: {  	[tilespmem:s11], [sflag:s0] =	stream.linear.gather @p0 [hbm4b:s1+s8], $0x80, $0x200038;
	[tilespmem:$0x4100] =	vst v63  }
0xb0: {  	s28 =	sand.u32 $0x1, s24;
	_ =	strace @p0 $0x90000061  }
0xb1: {  	s0 =	sadd.s32 $0x1, s28;
	_ =	strace $0x80000062  }
0xb2: {  	_ =	swait.ge [sflag:s0], $0x80  }
0xb3: {  	[sflag:s0] =	ssyncset.done $0x0  }
0xb4: {  	[sflag:s0] =	ssyncadd.s32 $0xFFFFFF80  }
0xb5: {  	s29 =	sshll.u32 s24, $0x7;
	_ =	strace $0x90000062  }
0xb6: {  	s1 =	sor.u32 $0x100, s30;
	s0 =	sand.u32 $0x80, s29;
	_ =	strace $0x80000063  }
0xb7: {  	[tilespmem:s1], [sflag:$0x5] =	stream.indirect.gather [hbm4b:s3+s15], $0x40, s0, s15, $0x2000b8;
	[tilespmem:$0x4100] =	vst v63  }
0xb8: {  	p6 =	seq.s32 s21, $0x62;
	_ =	swait.ge [sflag:s16], $0x2000  }
0xb9: {  	p0 =	por p6, p1;
	s0 =	sadd.s32 s9, s20;
	[sflag:s16] =	ssyncset.done $0x0  }
0xba: {  	s0 =	sshll.u32 @p0 s0, $0xA;
	[sflag:s16] =	ssyncadd.s32 $0xFFFFE000  }
0xbb: {  	s8 =	sadd.s32 @p0 $0x3, s26;
	s0 =	sand.u32 @p0 $0x1FFFFC00, s0;
	_ =	strace $0x90000063  }
0xbc: {  	s11 =	simm.s32 @p0 $0x0;
	s0 =	sadd.s32 @p0 s7, s0;
	_ =	strace @p0 $0x80000064  }
0xbd: {  	[hbm4b:s0+s11] =	stream.linear.scatter @p0 [tilespmem:s1], [sflag:s8], $0x2000, $0x200038;
	[tilespmem:$0x4100] =	vst v63  }
0xbe: {  	s30 =	sand.u32 $0x1, s21;
	_ =	strace @p0 $0x90000064  }
0xbf: {  	s0 =	sadd.s32 $0x3, s30;
	_ =	strace $0x80000065  }
0xc0: {  	_ =	swait.ge [sflag:s0], $0x2000  }
0xc1: {  	[sflag:s0] =	ssyncset.done $0x0  }
0xc2: {  	[sflag:s0] =	ssyncadd.s32 $0xFFFFE000  }
0xc3: {  	_ =	strace $0x90000065  }
0xc4: {  	_ =	strace $0x80000066  }
0xc5: {  	_ =	swait.ge [sflag:s17], $0x2000  }
0xc6: {  	s19 =	sadd.s32 $0x1, s19;
	s31 =	rddreg [dreg:$0x4]  }
0xc7: {  	p0 =	sne.s32 s19, s31  }
.Ltmp2:
0xc8: {  	_ = 	snop;
	(pc) =	sbr.rel @p0 .LBB2_1-.Ltmp2, $4  }
0xc9: {  	_ = 	snop  }
0xca: {  	[sflag:s17] =	ssyncset.done $0x0  }
0xcb: {  	[sflag:s17] =	ssyncadd.s32 $0xFFFFE000  }
0xcc: {  	_ =	strace $0x90000066  }
0xcd: {  	_ =	sfence.sel $0x180000  }
0xce: {  	[bflag:$0x0] =	sbarrier.arrive $0xFFFF  }
0xcf: {  	_ =	strace $0x90000058  }
0xd0: {  	s0 =	stileid.u32;
	[bflag:$0x2] =	sbarrier.arrive $0xFFFF  }
0xd1: {  	p0 =	sne.s32 s0, $0x0;
	s0 =	rddreg [dreg:$0x1]  }
0xd2: {  	s0 =	sadd.s32 @!p0 $0x100000, s0  }
0xd3: {  	[sflag:s0] =	ssyncadd.tile.s32 @!p0 $0x1;
	_ =	shalt  }
.Lfunc_end2:
_tile_overlayer_lowered:
.L_overlay_start_2:
0xd4: {  	(tag) =	ssettag $0x2  }
0xd5: {  	s0 =	rddreg [dreg:$0x0];
	s2 =	stileid.u32  }
0xd6: {  	s1 =	rddreg [dreg:$0x1];
	p0 =	sne.s32 s2, $0x0  }
0xd7: {  	s3 =	rddreg [dreg:$0x2];
	[bflag:$0x3] =	sbarrier.arrive $0xFFFF;
	s2 =	simm.s32 @!p0 $0x1C01  }
0xd8: {  	[timem:s3], [sflag:s2] =	dma.local @!p0 [hbm:s0], s1  }
0xd9: {  	s0 =	simm.s32 @!p0 $0x1  }
0xda: {  	_ =	swait.ge @!p0 [sflag:s0], s1  }
0xdb: {  	s1 =	ssub.s32 @!p0 $0x0, s1;
	[sflag:s0] =	ssyncset.done @!p0 $0x0  }
0xdc: {  	[sflag:s0] =	ssyncadd.s32 @!p0 s1  }
0xdd: {  	[bflag:$0x3] =	sbarrier.arrive $0xFFFF  }
0xde: {  	_ =	shalt  }

</sc_bundles>
